<compile_context>
chip_gen: v7x
topology: tpu7x:2x2x1
jax: 0.10.2.dev20260603
libtpu: 0.0.44.dev20260713+nightly
codegen_flags: <defaults>
</compile_context>

<pallas_src>
import functools
import jax
import jax.numpy as jnp
from jax import lax
from jax.experimental import pallas as pl
from jax.experimental.pallas import tpu as pltpu
from jax.experimental.pallas import tpu_sc as plsc

N = 100000
E = 1600000
NC, NS = 2, 16
NW = NC * NS
EPW = E // NW
SUB = 125
K = 16
CHUNK = SUB * K
NCHUNK = EPW // CHUNK
ROWS2D = E // SUB
NPAD = 100352
NPS = NPAD // NS
SK = 10
SCHUNK = SUB * SK
SNCHUNK = EPW // SCHUNK

_SELU_ALPHA = 1.6732632423543772
_SELU_SCALE = 1.0507009873554805


def _selu(x):
    return _SELU_SCALE * jnp.where(x > 0, x, _SELU_ALPHA * (jnp.exp(x) - 1.0))


def _gather_body(nodes16, sidx, ridx, sfeat, rfeat, idx_v, rows_v, sem):
    cid = lax.axis_index("c")
    sid = lax.axis_index("s")
    wid = cid * NS + sid
    r0 = wid * (EPW // SUB)

    def chunk(ci, carry):
        off2d = r0 + ci * K
        off1d = wid * EPW + ci * CHUNK
        for idx_hbm, out_hbm in ((sidx, sfeat), (ridx, rfeat)):
            pltpu.sync_copy(idx_hbm.at[pl.ds(off2d, K)], idx_v)
            cps = []
            for j in range(K):
                cps.append(pltpu.async_copy(
                    nodes16.at[idx_v.at[j]],
                    rows_v.at[pl.ds(j * SUB, SUB)], sem))
            for cp in cps:
                cp.wait()
            pltpu.sync_copy(rows_v, out_hbm.at[pl.ds(off1d, CHUNK)])
        return carry

    lax.fori_loop(0, NCHUNK, chunk, 0)


def _gather(nodes16, sidx, ridx):
    mesh = plsc.VectorSubcoreMesh(core_axis_name="c", subcore_axis_name="s",
                                  num_cores=NC, num_subcores=NS)
    fn = pl.kernel(
        _gather_body,
        out_type=(jax.ShapeDtypeStruct((E, 16), jnp.float32),
                  jax.ShapeDtypeStruct((E, 16), jnp.float32)),
        mesh=mesh,
        compiler_params=pltpu.CompilerParams(use_tc_tiling_on_sc=False),
        scratch_types=[
            pltpu.VMEM((K, SUB), jnp.int32),
            pltpu.VMEM((CHUNK, 16), jnp.float32),
            pltpu.SemaphoreType.DMA,
        ],
    )
    return fn(nodes16, sidx, ridx)


def _scatter_body(e16, ridx, zeros16, agg0, agg1, acc, idx_v, ebuf, sem):
    cid = lax.axis_index("c")
    sid = lax.axis_index("s")
    wid = cid * NS + sid
    r0 = wid * (EPW // SUB)

    pltpu.sync_copy(zeros16, acc.at[pl.ds(sid * NPS, NPS)])
    plsc.subcore_barrier()

    def chunk(ci, carry):
        off2d = r0 + ci * SK
        off1d = wid * EPW + ci * SCHUNK
        pltpu.sync_copy(ridx.at[pl.ds(off2d, SK)], idx_v)
        pltpu.sync_copy(e16.at[pl.ds(off1d, SCHUNK)], ebuf)
        cps = []
        for j in range(SK):
            cps.append(pltpu.async_copy(
                ebuf.at[pl.ds(j * SUB, SUB)],
                acc.at[idx_v.at[j]], sem, add=True))
        for cp in cps:
            cp.wait()
        return carry

    lax.fori_loop(0, SNCHUNK, chunk, 0)
    plsc.subcore_barrier()

    @pl.when(cid == 0)
    def _():
        pltpu.sync_copy(acc.at[pl.ds(sid * NPS, NPS)],
                        agg0.at[pl.ds(sid * NPS, NPS)])

    @pl.when(cid == 1)
    def _():
        pltpu.sync_copy(acc.at[pl.ds(sid * NPS, NPS)],
                        agg1.at[pl.ds(sid * NPS, NPS)])


def _scatter(e16, ridx, zeros16):
    mesh = plsc.VectorSubcoreMesh(core_axis_name="c", subcore_axis_name="s",
                                  num_cores=NC, num_subcores=NS)
    fn = pl.kernel(
        _scatter_body,
        out_type=(jax.ShapeDtypeStruct((NPAD, 16), jnp.float32),
                  jax.ShapeDtypeStruct((NPAD, 16), jnp.float32)),
        mesh=mesh,
        compiler_params=pltpu.CompilerParams(use_tc_tiling_on_sc=False),
        scratch_types=[
            pltpu.VMEM_SHARED((NPAD, 16), jnp.float32),
            pltpu.VMEM((SK, SUB), jnp.int32),
            pltpu.VMEM((SCHUNK, 16), jnp.float32),
            pltpu.SemaphoreType.DMA,
        ],
    )
    return fn(e16, ridx, zeros16)


BE = 4000
NBE = E // BE


def _edge_mlp_body(rfeat, sfeat, edges8, wr, ws, we, b1, w2, b2, w3p, b3p,
                   e10, e16, esum):
    h = (rfeat[...] @ wr[...] + sfeat[...] @ ws[...]
         + edges8[...] @ we[...] + b1[...])
    h = _selu(h)
    h = _selu(h @ w2[...] + b2[...])
    out16 = h @ w3p[...] + b3p[...]
    e16[...] = out16
    e10[...] = out16[:, :10]
    esum[...] = jnp.sum(out16, axis=0, keepdims=True)[:, None, :]


def _edge_mlp(rfeat, sfeat, edges8, wr, ws, we, b1, w2, b2, w3p, b3p):
    full = lambda s: pl.BlockSpec(s, lambda i: (0,) * len(s))
    return pl.pallas_call(
        _edge_mlp_body,
        grid=(NBE,),
        in_specs=[
            pl.BlockSpec((BE, 16), lambda i: (i, 0)),
            pl.BlockSpec((BE, 16), lambda i: (i, 0)),
            pl.BlockSpec((BE, 8), lambda i: (i, 0)),
            full((16, 25)), full((16, 25)), full((8, 25)), full((1, 25)),
            full((25, 20)), full((1, 20)), full((20, 16)), full((1, 16)),
        ],
        out_specs=[
            pl.BlockSpec((BE, 10), lambda i: (i, 0)),
            pl.BlockSpec((BE, 16), lambda i: (i, 0)),
            pl.BlockSpec((1, 1, 16), lambda i: (i, 0, 0)),
        ],
        out_shape=[
            jax.ShapeDtypeStruct((E, 10), jnp.float32),
            jax.ShapeDtypeStruct((E, 16), jnp.float32),
            jax.ShapeDtypeStruct((NBE, 1, 16), jnp.float32),
        ],
    )(rfeat, sfeat, edges8, wr, ws, we, b1, w2, b2, w3p, b3p)


BN = 4000
NBN = N // BN


def _node_mlp_body(agg0, agg1, nodes16, w1a, w1b, b1, w2p, b2p, n10, nsum):
    agg = agg0[...] + agg1[...]
    h = _selu(agg @ w1a[...] + nodes16[...] @ w1b[...] + b1[...])
    out16 = h @ w2p[...] + b2p[...]
    n10[...] = out16[:, :10]
    nsum[...] = jnp.sum(out16, axis=0, keepdims=True)[:, None, :]


def _node_mlp(agg0, agg1, nodes16, w1a, w1b, b1, w2p, b2p):
    full = lambda s: pl.BlockSpec(s, lambda i: (0,) * len(s))
    return pl.pallas_call(
        _node_mlp_body,
        grid=(NBN,),
        in_specs=[
            pl.BlockSpec((BN, 16), lambda i: (i, 0)),
            pl.BlockSpec((BN, 16), lambda i: (i, 0)),
            pl.BlockSpec((BN, 16), lambda i: (i, 0)),
            full((16, 18)), full((16, 18)), full((1, 18)),
            full((18, 16)), full((1, 16)),
        ],
        out_specs=[
            pl.BlockSpec((BN, 10), lambda i: (i, 0)),
            pl.BlockSpec((1, 1, 16), lambda i: (i, 0, 0)),
        ],
        out_shape=[
            jax.ShapeDtypeStruct((N, 10), jnp.float32),
            jax.ShapeDtypeStruct((NBN, 1, 16), jnp.float32),
        ],
    )(agg0, agg1, nodes16, w1a, w1b, b1, w2p, b2p)


def _global_body(esums, nsums, gw1, gb1, gw2, gb2, gw3, gb3, gout):
    es = jnp.sum(esums[...], axis=(0, 1), keepdims=False)[None, :]
    ns = jnp.sum(nsums[...], axis=(0, 1), keepdims=False)[None, :]
    gin = jnp.concatenate([es[:, :10], ns[:, :10]], axis=1)
    h = _selu(gin @ gw1[...] + gb1[...])
    h = _selu(h @ gw2[...] + gb2[...])
    gout[...] = h @ gw3[...] + gb3[...]


def _global(esums, nsums, gw1, gb1, gw2, gb2, gw3, gb3):
    return pl.pallas_call(
        _global_body,
        out_shape=jax.ShapeDtypeStruct((1, 10), jnp.float32),
    )(esums, nsums, gw1, gb1, gw2, gb2, gw3, gb3)


def kernel(nodes, edges, senders, receivers,
           ew1, eb1, ew2, eb2, ew3, eb3,
           nw1, nb1, nw2, nb2,
           gw1, gb1, gw2, gb2, gw3, gb3):
    f32 = jnp.float32
    nodes16 = jnp.pad(nodes, ((0, 0), (0, 3)))
    edges8 = jnp.pad(edges, ((0, 0), (0, 3)))
    sidx = senders.reshape(ROWS2D, SUB)
    ridx = receivers.reshape(ROWS2D, SUB)

    sfeat, rfeat = _gather(nodes16, sidx, ridx)

    z3 = jnp.zeros((3, 25), f32)
    we = jnp.concatenate([ew1[0:5], jnp.zeros((3, 25), f32)], axis=0)
    wr = jnp.concatenate([ew1[5:18], z3], axis=0)
    ws = jnp.concatenate([ew1[18:31], z3], axis=0)
    w3p = jnp.pad(ew3, ((0, 0), (0, 6)))
    b3p = jnp.pad(eb3, (0, 6))[None, :]
    e10, e16, esums = _edge_mlp(rfeat, sfeat, edges8, wr, ws, we,
                                eb1[None, :], ew2, eb2[None, :], w3p, b3p)

    zeros16 = jnp.zeros((NPS, 16), f32)
    agg0, agg1 = _scatter(e16, ridx, zeros16)

    w1a = jnp.concatenate([nw1[0:10], jnp.zeros((6, 18), f32)], axis=0)
    w1b = jnp.concatenate([nw1[10:23], jnp.zeros((3, 18), f32)], axis=0)
    w2p = jnp.pad(nw2, ((0, 0), (0, 6)))
    b2p = jnp.pad(nb2, (0, 6))[None, :]
    n10, nsums = _node_mlp(agg0, agg1, nodes16, w1a, w1b,
                           nb1[None, :], w2p, b2p)

    g = _global(esums, nsums, gw1, gb1[None, :], gw2, gb2[None, :],
                gw3, gb3[None, :])
    return (n10, e10, g)

# --- scband reference (transcript-rebuilt; emitter-appended) ---
"""Pipeline reference for scband-encode-65249143160985 (READ-ONLY COPY).

The authoritative reference and input builder live on the scoring server;
editing this copy changes nothing except your own understanding.
"""

import jax, jax.numpy as jnp
import numpy as np

N = 100000
E = 1600000


def _lin_init(key, fan_in, fan_out):
    kw, kb = jax.random.split(key)
    bound = 1.0 / np.sqrt(fan_in)
    w = jax.random.uniform(kw, (fan_in, fan_out), minval=-bound, maxval=bound, dtype=jnp.float32)
    b = jax.random.uniform(kb, (fan_out,), minval=-bound, maxval=bound, dtype=jnp.float32)
    return w, b


def setup_inputs(seed: int = 0) -> dict:
    key = jax.random.key(seed)
    ks = jax.random.split(key, 12)
    inp = {}
    inp["nodes"] = jax.random.normal(ks[0], (N, 13), dtype=jnp.float32)
    inp["edges"] = jax.random.normal(ks[1], (E, 5), dtype=jnp.float32)
    inp["senders"] = jax.random.randint(ks[2], (E,), 0, N, dtype=jnp.int32)
    inp["receivers"] = jax.random.randint(ks[3], (E,), 0, N, dtype=jnp.int32)
    inp["ew1"], inp["eb1"] = _lin_init(ks[4], 31, 25)
    inp["ew2"], inp["eb2"] = _lin_init(ks[5], 25, 20)
    inp["ew3"], inp["eb3"] = _lin_init(ks[6], 20, 10)
    inp["nw1"], inp["nb1"] = _lin_init(ks[7], 23, 18)
    inp["nw2"], inp["nb2"] = _lin_init(ks[8], 18, 10)
    inp["gw1"], inp["gb1"] = _lin_init(ks[9], 20, 15)
    inp["gw2"], inp["gb2"] = _lin_init(ks[10], 15, 15)
    inp["gw3"], inp["gb3"] = _lin_init(ks[11], 15, 10)
    return inp


def reference(nodes, edges, senders, receivers,
              ew1, eb1, ew2, eb2, ew3, eb3,
              nw1, nb1, nw2, nb2,
              gw1, gb1, gw2, gb2, gw3, gb3):
    # --- Edge block (use_edges, use_receiver_nodes, use_sender_nodes) ---
    ein = jnp.concatenate([
        edges,
        jnp.take(nodes, receivers, axis=0),
        jnp.take(nodes, senders, axis=0),
    ], axis=1)  # [E, 31]
    h = jax.nn.selu(ein @ ew1 + eb1)
    h = jax.nn.selu(h @ ew2 + eb2)
    e_out = h @ ew3 + eb3  # [E, 10]

    # --- Node block (aggregated updated edges to receivers + node feats) ---
    agg_e = jax.ops.segment_sum(e_out, receivers, num_segments=N)  # [N, 10]
    nin = jnp.concatenate([agg_e, nodes], axis=1)  # [N, 23]
    hn = jax.nn.selu(nin @ nw1 + nb1)
    n_out = hn @ nw2 + nb2  # [N, 10]

    # --- Global block (use_edges, use_nodes) ---
    gin = jnp.concatenate([
        jnp.sum(e_out, axis=0, keepdims=True),
        jnp.sum(n_out, axis=0, keepdims=True),
    ], axis=1)  # [1, 20]
    hg = jax.nn.selu(gin @ gw1 + gb1)
    hg = jax.nn.selu(hg @ gw2 + gb2)
    g_out = hg @ gw3 + gb3  # [1, 10]

    return (n_out, e_out, g_out)

if __name__ == "__main__":
    import jax
    _d = setup_inputs()
    print(jax.jit(kernel)(*tuple(_d.values())))

</pallas_src>

<mosaic_0001>
#map = affine_map<(d0, d1) -> (0, 0)>
module attributes {stable_mosaic.version = 14 : i64} {
  func.func @_gather_body(%arg0: i32, %arg1: i32, %arg2: memref<100000x16xf32, #tpu.memory_space<hbm>>, %arg3: memref<12800x125xi32, #tpu.memory_space<hbm>>, %arg4: memref<12800x125xi32, #tpu.memory_space<hbm>>, %arg5: memref<1600000x16xf32, #tpu.memory_space<hbm>>, %arg6: memref<1600000x16xf32, #tpu.memory_space<hbm>>, %arg7: memref<16x125xi32, #tpu.memory_space<vmem>>, %arg8: memref<2000x16xf32, #tpu.memory_space<vmem>>, %arg9: memref<!tpu.dma_semaphore, #tpu.memory_space<semaphore_mem>>) attributes {dimension_semantics = [#tpu.dimension_semantics<core_parallel>, #tpu.dimension_semantics<subcore_parallel>], iteration_bounds = array<i64: 2, 16>, scalar_prefetch = 0 : i64, scratch_operands = 3 : i64, tpu.core_type = #tpu.core_type<sc_vector_subcore>, window_params = [{transform_indices = #map}, {transform_indices = #map}, {transform_indices = #map}, {transform_indices = #map}, {transform_indices = #map}]} {
    %mul3A = arith.constant 16 : i32
    %mul3A_0 = arith.muli %arg0, %mul3A : i32
    %add3A = arith.addi %mul3A_0, %arg1 : i32
    %mul3A_1 = arith.constant 400 : i32
    %mul3A_2 = arith.muli %add3A, %mul3A_1 : i32
    %scan3A = arith.constant 0 : i32
    %scan3A_3 = arith.constant 0 : i32
    %scan3A_4 = arith.constant 25 : i32
    %scan3A_5 = arith.addi %scan3A_3, %scan3A_4 : i32
    %scan3A_6 = arith.constant 1 : i32
    scf.for %scan3A_8 = %scan3A_3 to %scan3A_5 step %scan3A_6  : i32 {
      %mul3A_9 = arith.constant 16 : i32
      %mul3A_10 = arith.muli %scan3A_8, %mul3A_9 : i32
      %add3A_11 = arith.addi %mul3A_2, %mul3A_10 : i32
      %mul3A_12 = arith.constant 50000 : i32
      %mul3A_13 = arith.muli %add3A, %mul3A_12 : i32
      %mul3A_14 = arith.constant 2000 : i32
      %mul3A_15 = arith.muli %scan3A_8, %mul3A_14 : i32
      %add3A_16 = arith.addi %mul3A_13, %mul3A_15 : i32
      "tpu.region"() ({
        %run_scoped3A = tpu.sem_alloc : memref<!tpu.dma_semaphore, #tpu.memory_space<semaphore_mem>>
        %dma_start3A_655 = arith.constant 0 : i32
        %dma_start3A_656 = tpu.memref_slice %arg3[%add3A_11, %dma_start3A_655] : memref<12800x125xi32, #tpu.memory_space<hbm>> -> memref<16x125xi32, #tpu.memory_space<hbm>>
        %dma_start3A_657 = arith.constant 0 : i32
        %dma_start3A_658 = tpu.memref_slice %arg3[%add3A_11, %dma_start3A_657] : memref<12800x125xi32, #tpu.memory_space<hbm>> -> memref<16x125xi32, #tpu.memory_space<hbm>>
        tpu.enqueue_dma source(%dma_start3A_658 : memref<16x125xi32, #tpu.memory_space<hbm>>) target(%arg7 : memref<16x125xi32, #tpu.memory_space<vmem>>) target_semaphore(%run_scoped3A : memref<!tpu.dma_semaphore, #tpu.memory_space<semaphore_mem>>)
        %dma_wait3A_659 = arith.constant 0 : i32
        %dma_wait3A_660 = tpu.memref_slice %arg3[%add3A_11, %dma_wait3A_659] : memref<12800x125xi32, #tpu.memory_space<hbm>> -> memref<16x125xi32, #tpu.memory_space<hbm>>
        %dma_wait3A_661 = arith.constant 0 : i32
        %dma_wait3A_662 = tpu.memref_slice %arg3[%add3A_11, %dma_wait3A_661] : memref<12800x125xi32, #tpu.memory_space<hbm>> -> memref<16x125xi32, #tpu.memory_space<hbm>>
        tpu.wait_dma2 semaphore(%run_scoped3A : memref<!tpu.dma_semaphore, #tpu.memory_space<semaphore_mem>>) src(%dma_wait3A_662 : memref<16x125xi32, #tpu.memory_space<hbm>>) dst(%arg7 : memref<16x125xi32, #tpu.memory_space<vmem>>)
        tpu.yield
      }) : () -> ()
      %dma_start3A = arith.constant 0 : i32
      %dma_start3A_17 = arith.constant 0 : i32
      %dma_start3A_18 = arith.constant 0 : i32
      %dma_start3A_19 = tpu.memref_slice %arg8[%dma_start3A_17, %dma_start3A_18] : memref<2000x16xf32, #tpu.memory_space<vmem>> -> memref<125x16xf32, #tpu.memory_space<vmem>>
      %dma_start3A_20 = arith.constant 0 : i32
      %dma_start3A_21 = tpu.memref_slice %arg7[%dma_start3A, %dma_start3A_20] : memref<16x125xi32, #tpu.memory_space<vmem>> -> memref<1x125xi32, #tpu.memory_space<vmem>>
      %dma_start3A_22 = tpu.memref_squeeze %dma_start3A_21 : memref<1x125xi32, #tpu.memory_space<vmem>> -> memref<125xi32, #tpu.memory_space<vmem>>
      %dma_start3A_23 = arith.constant 0 : i32
      %dma_start3A_24 = arith.constant 0 : i32
      %dma_start3A_25 = tpu.memref_slice %arg2[%dma_start3A_23, %dma_start3A_24] : memref<100000x16xf32, #tpu.memory_space<hbm>> -> memref<100000x16xf32, #tpu.memory_space<hbm>>
      tpu.enqueue_indirect_dma source(%dma_start3A_25 : memref<100000x16xf32, #tpu.memory_space<hbm>>) target(%dma_start3A_19 : memref<125x16xf32, #tpu.memory_space<vmem>>) offsets(%dma_start3A_22 : memref<125xi32, #tpu.memory_space<vmem>>) semaphore(%arg9 : memref<!tpu.dma_semaphore, #tpu.memory_space<semaphore_mem>>)
      %dma_start3A_26 = arith.constant 1 : i32
      %dma_start3A_27 = arith.constant 125 : i32
      %dma_start3A_28 = arith.constant 0 : i32
      %dma_start3A_29 = tpu.memref_slice %arg8[%dma_start3A_27, %dma_start3A_28] : memref<2000x16xf32, #tpu.memory_space<vmem>> -> memref<125x16xf32, #tpu.memory_space<vmem>>
      %dma_start3A_30 = arith.constant 0 : i32
      %dma_start3A_31 = tpu.memref_slice %arg7[%dma_start3A_26, %dma_start3A_30] : memref<16x125xi32, #tpu.memory_space<vmem>> -> memref<1x125xi32, #tpu.memory_space<vmem>>
      %dma_start3A_32 = tpu.memref_squeeze %dma_start3A_31 : memref<1x125xi32, #tpu.memory_space<vmem>> -> memref<125xi32, #tpu.memory_space<vmem>>
      %dma_start3A_33 = arith.constant 0 : i32
      %dma_start3A_34 = arith.constant 0 : i32
      %dma_start3A_35 = tpu.memref_slice %arg2[%dma_start3A_33, %dma_start3A_34] : memref<100000x16xf32, #tpu.memory_space<hbm>> -> memref<100000x16xf32, #tpu.memory_space<hbm>>
      tpu.enqueue_indirect_dma source(%dma_start3A_35 : memref<100000x16xf32, #tpu.memory_space<hbm>>) target(%dma_start3A_29 : memref<125x16xf32, #tpu.memory_space<vmem>>) offsets(%dma_start3A_32 : memref<125xi32, #tpu.memory_space<vmem>>) semaphore(%arg9 : memref<!tpu.dma_semaphore, #tpu.memory_space<semaphore_mem>>)
      %dma_start3A_36 = arith.constant 2 : i32
      %dma_start3A_37 = arith.constant 250 : i32
      %dma_start3A_38 = arith.constant 0 : i32
      %dma_start3A_39 = tpu.memref_slice %arg8[%dma_start3A_37, %dma_start3A_38] : memref<2000x16xf32, #tpu.memory_space<vmem>> -> memref<125x16xf32, #tpu.memory_space<vmem>>
      %dma_start3A_40 = arith.constant 0 : i32
      %dma_start3A_41 = tpu.memref_slice %arg7[%dma_start3A_36, %dma_start3A_40] : memref<16x125xi32, #tpu.memory_space<vmem>> -> memref<1x125xi32, #tpu.memory_space<vmem>>
      %dma_start3A_42 = tpu.memref_squeeze %dma_start3A_41 : memref<1x125xi32, #tpu.memory_space<vmem>> -> memref<125xi32, #tpu.memory_space<vmem>>
      %dma_start3A_43 = arith.constant 0 : i32
      %dma_start3A_44 = arith.constant 0 : i32
      %dma_start3A_45 = tpu.memref_slice %arg2[%dma_start3A_43, %dma_start3A_44] : memref<100000x16xf32, #tpu.memory_space<hbm>> -> memref<100000x16xf32, #tpu.memory_space<hbm>>
      tpu.enqueue_indirect_dma source(%dma_start3A_45 : memref<100000x16xf32, #tpu.memory_space<hbm>>) target(%dma_start3A_39 : memref<125x16xf32, #tpu.memory_space<vmem>>) offsets(%dma_start3A_42 : memref<125xi32, #tpu.memory_space<vmem>>) semaphore(%arg9 : memref<!tpu.dma_semaphore, #tpu.memory_space<semaphore_mem>>)
      %dma_start3A_46 = arith.constant 3 : i32
      %dma_start3A_47 = arith.constant 375 : i32
      %dma_start3A_48 = arith.constant 0 : i32
      %dma_start3A_49 = tpu.memref_slice %arg8[%dma_start3A_47, %dma_start3A_48] : memref<2000x16xf32, #tpu.memory_space<vmem>> -> memref<125x16xf32, #tpu.memory_space<vmem>>
      %dma_start3A_50 = arith.constant 0 : i32
      %dma_start3A_51 = tpu.memref_slice %arg7[%dma_start3A_46, %dma_start3A_50] : memref<16x125xi32, #tpu.memory_space<vmem>> -> memref<1x125xi32, #tpu.memory_space<vmem>>
      %dma_start3A_52 = tpu.memref_squeeze %dma_start3A_51 : memref<1x125xi32, #tpu.memory_space<vmem>> -> memref<125xi32, #tpu.memory_space<vmem>>
      %dma_start3A_53 = arith.constant 0 : i32
      %dma_start3A_54 = arith.constant 0 : i32
      %dma_start3A_55 = tpu.memref_slice %arg2[%dma_start3A_53, %dma_start3A_54] : memref<100000x16xf32, #tpu.memory_space<hbm>> -> memref<100000x16xf32, #tpu.memory_space<hbm>>
      tpu.enqueue_indirect_dma source(%dma_start3A_55 : memref<100000x16xf32, #tpu.memory_space<hbm>>) target(%dma_start3A_49 : memref<125x16xf32, #tpu.memory_space<vmem>>) offsets(%dma_start3A_52 : memref<125xi32, #tpu.memory_space<vmem>>) semaphore(%arg9 : memref<!tpu.dma_semaphore, #tpu.memory_space<semaphore_mem>>)
      %dma_start3A_56 = arith.constant 4 : i32
      %dma_start3A_57 = arith.constant 500 : i32
      %dma_start3A_58 = arith.constant 0 : i32
      %dma_start3A_59 = tpu.memref_slice %arg8[%dma_start3A_57, %dma_start3A_58] : memref<2000x16xf32, #tpu.memory_space<vmem>> -> memref<125x16xf32, #tpu.memory_space<vmem>>
      %dma_start3A_60 = arith.constant 0 : i32
      %dma_start3A_61 = tpu.memref_slice %arg7[%dma_start3A_56, %dma_start3A_60] : memref<16x125xi32, #tpu.memory_space<vmem>> -> memref<1x125xi32, #tpu.memory_space<vmem>>
      %dma_start3A_62 = tpu.memref_squeeze %dma_start3A_61 : memref<1x125xi32, #tpu.memory_space<vmem>> -> memref<125xi32, #tpu.memory_space<vmem>>
      %dma_start3A_63 = arith.constant 0 : i32
      %dma_start3A_64 = arith.constant 0 : i32
      %dma_start3A_65 = tpu.memref_slice %arg2[%dma_start3A_63, %dma_start3A_64] : memref<100000x16xf32, #tpu.memory_space<hbm>> -> memref<100000x16xf32, #tpu.memory_space<hbm>>
      tpu.enqueue_indirect_dma source(%dma_start3A_65 : memref<100000x16xf32, #tpu.memory_space<hbm>>) target(%dma_start3A_59 : memref<125x16xf32, #tpu.memory_space<vmem>>) offsets(%dma_start3A_62 : memref<125xi32, #tpu.memory_space<vmem>>) semaphore(%arg9 : memref<!tpu.dma_semaphore, #tpu.memory_space<semaphore_mem>>)
      %dma_start3A_66 = arith.constant 5 : i32
      %dma_start3A_67 = arith.constant 625 : i32
      %dma_start3A_68 = arith.constant 0 : i32
      %dma_start3A_69 = tpu.memref_slice %arg8[%dma_start3A_67, %dma_start3A_68] : memref<2000x16xf32, #tpu.memory_space<vmem>> -> memref<125x16xf32, #tpu.memory_space<vmem>>
      %dma_start3A_70 = arith.constant 0 : i32
      %dma_start3A_71 = tpu.memref_slice %arg7[%dma_start3A_66, %dma_start3A_70] : memref<16x125xi32, #tpu.memory_space<vmem>> -> memref<1x125xi32, #tpu.memory_space<vmem>>
      %dma_start3A_72 = tpu.memref_squeeze %dma_start3A_71 : memref<1x125xi32, #tpu.memory_space<vmem>> -> memref<125xi32, #tpu.memory_space<vmem>>
      %dma_start3A_73 = arith.constant 0 : i32
      %dma_start3A_74 = arith.constant 0 : i32
      %dma_start3A_75 = tpu.memref_slice %arg2[%dma_start3A_73, %dma_start3A_74] : memref<100000x16xf32, #tpu.memory_space<hbm>> -> memref<100000x16xf32, #tpu.memory_space<hbm>>
      tpu.enqueue_indirect_dma source(%dma_start3A_75 : memref<100000x16xf32, #tpu.memory_space<hbm>>) target(%dma_start3A_69 : memref<125x16xf32, #tpu.memory_space<vmem>>) offsets(%dma_start3A_72 : memref<125xi32, #tpu.memory_space<vmem>>) semaphore(%arg9 : memref<!tpu.dma_semaphore, #tpu.memory_space<semaphore_mem>>)
      %dma_start3A_76 = arith.constant 6 : i32
      %dma_start3A_77 = arith.constant 750 : i32
      %dma_start3A_78 = arith.constant 0 : i32
      %dma_start3A_79 = tpu.memref_slice %arg8[%dma_start3A_77, %dma_start3A_78] : memref<2000x16xf32, #tpu.memory_space<vmem>> -> memref<125x16xf32, #tpu.memory_space<vmem>>
      %dma_start3A_80 = arith.constant 0 : i32
      %dma_start3A_81 = tpu.memref_slice %arg7[%dma_start3A_76, %dma_start3A_80] : memref<16x125xi32, #tpu.memory_space<vmem>> -> memref<1x125xi32, #tpu.memory_space<vmem>>
      %dma_start3A_82 = tpu.memref_squeeze %dma_start3A_81 : memref<1x125xi32, #tpu.memory_space<vmem>> -> memref<125xi32, #tpu.memory_space<vmem>>
      %dma_start3A_83 = arith.constant 0 : i32
      %dma_start3A_84 = arith.constant 0 : i32
      %dma_start3A_85 = tpu.memref_slice %arg2[%dma_start3A_83, %dma_start3A_84] : memref<100000x16xf32, #tpu.memory_space<hbm>> -> memref<100000x16xf32, #tpu.memory_space<hbm>>
      tpu.enqueue_indirect_dma source(%dma_start3A_85 : memref<100000x16xf32, #tpu.memory_space<hbm>>) target(%dma_start3A_79 : memref<125x16xf32, #tpu.memory_space<vmem>>) offsets(%dma_start3A_82 : memref<125xi32, #tpu.memory_space<vmem>>) semaphore(%arg9 : memref<!tpu.dma_semaphore, #tpu.memory_space<semaphore_mem>>)
      %dma_start3A_86 = arith.constant 7 : i32
      %dma_start3A_87 = arith.constant 875 : i32
      %dma_start3A_88 = arith.constant 0 : i32
      %dma_start3A_89 = tpu.memref_slice %arg8[%dma_start3A_87, %dma_start3A_88] : memref<2000x16xf32, #tpu.memory_space<vmem>> -> memref<125x16xf32, #tpu.memory_space<vmem>>
      %dma_start3A_90 = arith.constant 0 : i32
      %dma_start3A_91 = tpu.memref_slice %arg7[%dma_start3A_86, %dma_start3A_90] : memref<16x125xi32, #tpu.memory_space<vmem>> -> memref<1x125xi32, #tpu.memory_space<vmem>>
      %dma_start3A_92 = tpu.memref_squeeze %dma_start3A_91 : memref<1x125xi32, #tpu.memory_space<vmem>> -> memref<125xi32, #tpu.memory_space<vmem>>
      %dma_start3A_93 = arith.constant 0 : i32
      %dma_start3A_94 = arith.constant 0 : i32
      %dma_start3A_95 = tpu.memref_slice %arg2[%dma_start3A_93, %dma_start3A_94] : memref<100000x16xf32, #tpu.memory_space<hbm>> -> memref<100000x16xf32, #tpu.memory_space<hbm>>
      tpu.enqueue_indirect_dma source(%dma_start3A_95 : memref<100000x16xf32, #tpu.memory_space<hbm>>) target(%dma_start3A_89 : memref<125x16xf32, #tpu.memory_space<vmem>>) offsets(%dma_start3A_92 : memref<125xi32, #tpu.memory_space<vmem>>) semaphore(%arg9 : memref<!tpu.dma_semaphore, #tpu.memory_space<semaphore_mem>>)
      %dma_start3A_96 = arith.constant 8 : i32
      %dma_start3A_97 = arith.constant 1000 : i32
      %dma_start3A_98 = arith.constant 0 : i32
      %dma_start3A_99 = tpu.memref_slice %arg8[%dma_start3A_97, %dma_start3A_98] : memref<2000x16xf32, #tpu.memory_space<vmem>> -> memref<125x16xf32, #tpu.memory_space<vmem>>
      %dma_start3A_100 = arith.constant 0 : i32
      %dma_start3A_101 = tpu.memref_slice %arg7[%dma_start3A_96, %dma_start3A_100] : memref<16x125xi32, #tpu.memory_space<vmem>> -> memref<1x125xi32, #tpu.memory_space<vmem>>
      %dma_start3A_102 = tpu.memref_squeeze %dma_start3A_101 : memref<1x125xi32, #tpu.memory_space<vmem>> -> memref<125xi32, #tpu.memory_space<vmem>>
      %dma_start3A_103 = arith.constant 0 : i32
      %dma_start3A_104 = arith.constant 0 : i32
      %dma_start3A_105 = tpu.memref_slice %arg2[%dma_start3A_103, %dma_start3A_104] : memref<100000x16xf32, #tpu.memory_space<hbm>> -> memref<100000x16xf32, #tpu.memory_space<hbm>>
      tpu.enqueue_indirect_dma source(%dma_start3A_105 : memref<100000x16xf32, #tpu.memory_space<hbm>>) target(%dma_start3A_99 : memref<125x16xf32, #tpu.memory_space<vmem>>) offsets(%dma_start3A_102 : memref<125xi32, #tpu.memory_space<vmem>>) semaphore(%arg9 : memref<!tpu.dma_semaphore, #tpu.memory_space<semaphore_mem>>)
      %dma_start3A_106 = arith.constant 9 : i32
      %dma_start3A_107 = arith.constant 1125 : i32
      %dma_start3A_108 = arith.constant 0 : i32
      %dma_start3A_109 = tpu.memref_slice %arg8[%dma_start3A_107, %dma_start3A_108] : memref<2000x16xf32, #tpu.memory_space<vmem>> -> memref<125x16xf32, #tpu.memory_space<vmem>>
      %dma_start3A_110 = arith.constant 0 : i32
      %dma_start3A_111 = tpu.memref_slice %arg7[%dma_start3A_106, %dma_start3A_110] : memref<16x125xi32, #tpu.memory_space<vmem>> -> memref<1x125xi32, #tpu.memory_space<vmem>>
      %dma_start3A_112 = tpu.memref_squeeze %dma_start3A_111 : memref<1x125xi32, #tpu.memory_space<vmem>> -> memref<125xi32, #tpu.memory_space<vmem>>
      %dma_start3A_113 = arith.constant 0 : i32
      %dma_start3A_114 = arith.constant 0 : i32
      %dma_start3A_115 = tpu.memref_slice %arg2[%dma_start3A_113, %dma_start3A_114] : memref<100000x16xf32, #tpu.memory_space<hbm>> -> memref<100000x16xf32, #tpu.memory_space<hbm>>
      tpu.enqueue_indirect_dma source(%dma_start3A_115 : memref<100000x16xf32, #tpu.memory_space<hbm>>) target(%dma_start3A_109 : memref<125x16xf32, #tpu.memory_space<vmem>>) offsets(%dma_start3A_112 : memref<125xi32, #tpu.memory_space<vmem>>) semaphore(%arg9 : memref<!tpu.dma_semaphore, #tpu.memory_space<semaphore_mem>>)
      %dma_start3A_116 = arith.constant 10 : i32
      %dma_start3A_117 = arith.constant 1250 : i32
      %dma_start3A_118 = arith.constant 0 : i32
      %dma_start3A_119 = tpu.memref_slice %arg8[%dma_start3A_117, %dma_start3A_118] : memref<2000x16xf32, #tpu.memory_space<vmem>> -> memref<125x16xf32, #tpu.memory_space<vmem>>
      %dma_start3A_120 = arith.constant 0 : i32
      %dma_start3A_121 = tpu.memref_slice %arg7[%dma_start3A_116, %dma_start3A_120] : memref<16x125xi32, #tpu.memory_space<vmem>> -> memref<1x125xi32, #tpu.memory_space<vmem>>
      %dma_start3A_122 = tpu.memref_squeeze %dma_start3A_121 : memref<1x125xi32, #tpu.memory_space<vmem>> -> memref<125xi32, #tpu.memory_space<vmem>>
      %dma_start3A_123 = arith.constant 0 : i32
      %dma_start3A_124 = arith.constant 0 : i32
      %dma_start3A_125 = tpu.memref_slice %arg2[%dma_start3A_123, %dma_start3A_124] : memref<100000x16xf32, #tpu.memory_space<hbm>> -> memref<100000x16xf32, #tpu.memory_space<hbm>>
      tpu.enqueue_indirect_dma source(%dma_start3A_125 : memref<100000x16xf32, #tpu.memory_space<hbm>>) target(%dma_start3A_119 : memref<125x16xf32, #tpu.memory_space<vmem>>) offsets(%dma_start3A_122 : memref<125xi32, #tpu.memory_space<vmem>>) semaphore(%arg9 : memref<!tpu.dma_semaphore, #tpu.memory_space<semaphore_mem>>)
      %dma_start3A_126 = arith.constant 11 : i32
      %dma_start3A_127 = arith.constant 1375 : i32
      %dma_start3A_128 = arith.constant 0 : i32
      %dma_start3A_129 = tpu.memref_slice %arg8[%dma_start3A_127, %dma_start3A_128] : memref<2000x16xf32, #tpu.memory_space<vmem>> -> memref<125x16xf32, #tpu.memory_space<vmem>>
      %dma_start3A_130 = arith.constant 0 : i32
      %dma_start3A_131 = tpu.memref_slice %arg7[%dma_start3A_126, %dma_start3A_130] : memref<16x125xi32, #tpu.memory_space<vmem>> -> memref<1x125xi32, #tpu.memory_space<vmem>>
      %dma_start3A_132 = tpu.memref_squeeze %dma_start3A_131 : memref<1x125xi32, #tpu.memory_space<vmem>> -> memref<125xi32, #tpu.memory_space<vmem>>
      %dma_start3A_133 = arith.constant 0 : i32
      %dma_start3A_134 = arith.constant 0 : i32
      %dma_start3A_135 = tpu.memref_slice %arg2[%dma_start3A_133, %dma_start3A_134] : memref<100000x16xf32, #tpu.memory_space<hbm>> -> memref<100000x16xf32, #tpu.memory_space<hbm>>
      tpu.enqueue_indirect_dma source(%dma_start3A_135 : memref<100000x16xf32, #tpu.memory_space<hbm>>) target(%dma_start3A_129 : memref<125x16xf32, #tpu.memory_space<vmem>>) offsets(%dma_start3A_132 : memref<125xi32, #tpu.memory_space<vmem>>) semaphore(%arg9 : memref<!tpu.dma_semaphore, #tpu.memory_space<semaphore_mem>>)
      %dma_start3A_136 = arith.constant 12 : i32
      %dma_start3A_137 = arith.constant 1500 : i32
      %dma_start3A_138 = arith.constant 0 : i32
      %dma_start3A_139 = tpu.memref_slice %arg8[%dma_start3A_137, %dma_start3A_138] : memref<2000x16xf32, #tpu.memory_space<vmem>> -> memref<125x16xf32, #tpu.memory_space<vmem>>
      %dma_start3A_140 = arith.constant 0 : i32
      %dma_start3A_141 = tpu.memref_slice %arg7[%dma_start3A_136, %dma_start3A_140] : memref<16x125xi32, #tpu.memory_space<vmem>> -> memref<1x125xi32, #tpu.memory_space<vmem>>
      %dma_start3A_142 = tpu.memref_squeeze %dma_start3A_141 : memref<1x125xi32, #tpu.memory_space<vmem>> -> memref<125xi32, #tpu.memory_space<vmem>>
      %dma_start3A_143 = arith.constant 0 : i32
      %dma_start3A_144 = arith.constant 0 : i32
      %dma_start3A_145 = tpu.memref_slice %arg2[%dma_start3A_143, %dma_start3A_144] : memref<100000x16xf32, #tpu.memory_space<hbm>> -> memref<100000x16xf32, #tpu.memory_space<hbm>>
      tpu.enqueue_indirect_dma source(%dma_start3A_145 : memref<100000x16xf32, #tpu.memory_space<hbm>>) target(%dma_start3A_139 : memref<125x16xf32, #tpu.memory_space<vmem>>) offsets(%dma_start3A_142 : memref<125xi32, #tpu.memory_space<vmem>>) semaphore(%arg9 : memref<!tpu.dma_semaphore, #tpu.memory_space<semaphore_mem>>)
      %dma_start3A_146 = arith.constant 13 : i32
      %dma_start3A_147 = arith.constant 1625 : i32
      %dma_start3A_148 = arith.constant 0 : i32
      %dma_start3A_149 = tpu.memref_slice %arg8[%dma_start3A_147, %dma_start3A_148] : memref<2000x16xf32, #tpu.memory_space<vmem>> -> memref<125x16xf32, #tpu.memory_space<vmem>>
      %dma_start3A_150 = arith.constant 0 : i32
      %dma_start3A_151 = tpu.memref_slice %arg7[%dma_start3A_146, %dma_start3A_150] : memref<16x125xi32, #tpu.memory_space<vmem>> -> memref<1x125xi32, #tpu.memory_space<vmem>>
      %dma_start3A_152 = tpu.memref_squeeze %dma_start3A_151 : memref<1x125xi32, #tpu.memory_space<vmem>> -> memref<125xi32, #tpu.memory_space<vmem>>
      %dma_start3A_153 = arith.constant 0 : i32
      %dma_start3A_154 = arith.constant 0 : i32
      %dma_start3A_155 = tpu.memref_slice %arg2[%dma_start3A_153, %dma_start3A_154] : memref<100000x16xf32, #tpu.memory_space<hbm>> -> memref<100000x16xf32, #tpu.memory_space<hbm>>
      tpu.enqueue_indirect_dma source(%dma_start3A_155 : memref<100000x16xf32, #tpu.memory_space<hbm>>) target(%dma_start3A_149 : memref<125x16xf32, #tpu.memory_space<vmem>>) offsets(%dma_start3A_152 : memref<125xi32, #tpu.memory_space<vmem>>) semaphore(%arg9 : memref<!tpu.dma_semaphore, #tpu.memory_space<semaphore_mem>>)
      %dma_start3A_156 = arith.constant 14 : i32
      %dma_start3A_157 = arith.constant 1750 : i32
      %dma_start3A_158 = arith.constant 0 : i32
      %dma_start3A_159 = tpu.memref_slice %arg8[%dma_start3A_157, %dma_start3A_158] : memref<2000x16xf32, #tpu.memory_space<vmem>> -> memref<125x16xf32, #tpu.memory_space<vmem>>
      %dma_start3A_160 = arith.constant 0 : i32
      %dma_start3A_161 = tpu.memref_slice %arg7[%dma_start3A_156, %dma_start3A_160] : memref<16x125xi32, #tpu.memory_space<vmem>> -> memref<1x125xi32, #tpu.memory_space<vmem>>
      %dma_start3A_162 = tpu.memref_squeeze %dma_start3A_161 : memref<1x125xi32, #tpu.memory_space<vmem>> -> memref<125xi32, #tpu.memory_space<vmem>>
      %dma_start3A_163 = arith.constant 0 : i32
      %dma_start3A_164 = arith.constant 0 : i32
      %dma_start3A_165 = tpu.memref_slice %arg2[%dma_start3A_163, %dma_start3A_164] : memref<100000x16xf32, #tpu.memory_space<hbm>> -> memref<100000x16xf32, #tpu.memory_space<hbm>>
      tpu.enqueue_indirect_dma source(%dma_start3A_165 : memref<100000x16xf32, #tpu.memory_space<hbm>>) target(%dma_start3A_159 : memref<125x16xf32, #tpu.memory_space<vmem>>) offsets(%dma_start3A_162 : memref<125xi32, #tpu.memory_space<vmem>>) semaphore(%arg9 : memref<!tpu.dma_semaphore, #tpu.memory_space<semaphore_mem>>)
      %dma_start3A_166 = arith.constant 15 : i32
      %dma_start3A_167 = arith.constant 1875 : i32
      %dma_start3A_168 = arith.constant 0 : i32
      %dma_start3A_169 = tpu.memref_slice %arg8[%dma_start3A_167, %dma_start3A_168] : memref<2000x16xf32, #tpu.memory_space<vmem>> -> memref<125x16xf32, #tpu.memory_space<vmem>>
      %dma_start3A_170 = arith.constant 0 : i32
      %dma_start3A_171 = tpu.memref_slice %arg7[%dma_start3A_166, %dma_start3A_170] : memref<16x125xi32, #tpu.memory_space<vmem>> -> memref<1x125xi32, #tpu.memory_space<vmem>>
      %dma_start3A_172 = tpu.memref_squeeze %dma_start3A_171 : memref<1x125xi32, #tpu.memory_space<vmem>> -> memref<125xi32, #tpu.memory_space<vmem>>
      %dma_start3A_173 = arith.constant 0 : i32
      %dma_start3A_174 = arith.constant 0 : i32
      %dma_start3A_175 = tpu.memref_slice %arg2[%dma_start3A_173, %dma_start3A_174] : memref<100000x16xf32, #tpu.memory_space<hbm>> -> memref<100000x16xf32, #tpu.memory_space<hbm>>
      tpu.enqueue_indirect_dma source(%dma_start3A_175 : memref<100000x16xf32, #tpu.memory_space<hbm>>) target(%dma_start3A_169 : memref<125x16xf32, #tpu.memory_space<vmem>>) offsets(%dma_start3A_172 : memref<125xi32, #tpu.memory_space<vmem>>) semaphore(%arg9 : memref<!tpu.dma_semaphore, #tpu.memory_space<semaphore_mem>>)
      %dma_wait3A = arith.constant 0 : i32
      %dma_wait3A_176 = arith.constant 0 : i32
      %dma_wait3A_177 = arith.constant 0 : i32
      %dma_wait3A_178 = tpu.memref_slice %arg8[%dma_wait3A_176, %dma_wait3A_177] : memref<2000x16xf32, #tpu.memory_space<vmem>> -> memref<125x16xf32, #tpu.memory_space<vmem>>
      %dma_wait3A_179 = arith.constant 0 : i32
      %dma_wait3A_180 = tpu.memref_slice %arg7[%dma_wait3A, %dma_wait3A_179] : memref<16x125xi32, #tpu.memory_space<vmem>> -> memref<1x125xi32, #tpu.memory_space<vmem>>
      %dma_wait3A_181 = tpu.memref_squeeze %dma_wait3A_180 : memref<1x125xi32, #tpu.memory_space<vmem>> -> memref<125xi32, #tpu.memory_space<vmem>>
      %dma_wait3A_182 = arith.constant 0 : i32
      %dma_wait3A_183 = arith.constant 0 : i32
      %dma_wait3A_184 = tpu.memref_slice %arg2[%dma_wait3A_182, %dma_wait3A_183] : memref<100000x16xf32, #tpu.memory_space<hbm>> -> memref<100000x16xf32, #tpu.memory_space<hbm>>
      tpu.wait_indirect_dma semaphore(%arg9 : memref<!tpu.dma_semaphore, #tpu.memory_space<semaphore_mem>>) src(%dma_wait3A_184 : memref<100000x16xf32, #tpu.memory_space<hbm>>) dst(%dma_wait3A_178 : memref<125x16xf32, #tpu.memory_space<vmem>>)
      %dma_wait3A_185 = arith.constant 1 : i32
      %dma_wait3A_186 = arith.constant 125 : i32
      %dma_wait3A_187 = arith.constant 0 : i32
      %dma_wait3A_188 = tpu.memref_slice %arg8[%dma_wait3A_186, %dma_wait3A_187] : memref<2000x16xf32, #tpu.memory_space<vmem>> -> memref<125x16xf32, #tpu.memory_space<vmem>>
      %dma_wait3A_189 = arith.constant 0 : i32
      %dma_wait3A_190 = tpu.memref_slice %arg7[%dma_wait3A_185, %dma_wait3A_189] : memref<16x125xi32, #tpu.memory_space<vmem>> -> memref<1x125xi32, #tpu.memory_space<vmem>>
      %dma_wait3A_191 = tpu.memref_squeeze %dma_wait3A_190 : memref<1x125xi32, #tpu.memory_space<vmem>> -> memref<125xi32, #tpu.memory_space<vmem>>
      %dma_wait3A_192 = arith.constant 0 : i32
      %dma_wait3A_193 = arith.constant 0 : i32
      %dma_wait3A_194 = tpu.memref_slice %arg2[%dma_wait3A_192, %dma_wait3A_193] : memref<100000x16xf32, #tpu.memory_space<hbm>> -> memref<100000x16xf32, #tpu.memory_space<hbm>>
      tpu.wait_indirect_dma semaphore(%arg9 : memref<!tpu.dma_semaphore, #tpu.memory_space<semaphore_mem>>) src(%dma_wait3A_194 : memref<100000x16xf32, #tpu.memory_space<hbm>>) dst(%dma_wait3A_188 : memref<125x16xf32, #tpu.memory_space<vmem>>)
      %dma_wait3A_195 = arith.constant 2 : i32
      %dma_wait3A_196 = arith.constant 250 : i32
      %dma_wait3A_197 = arith.constant 0 : i32
      %dma_wait3A_198 = tpu.memref_slice %arg8[%dma_wait3A_196, %dma_wait3A_197] : memref<2000x16xf32, #tpu.memory_space<vmem>> -> memref<125x16xf32, #tpu.memory_space<vmem>>
      %dma_wait3A_199 = arith.constant 0 : i32
      %dma_wait3A_200 = tpu.memref_slice %arg7[%dma_wait3A_195, %dma_wait3A_199] : memref<16x125xi32, #tpu.memory_space<vmem>> -> memref<1x125xi32, #tpu.memory_space<vmem>>
      %dma_wait3A_201 = tpu.memref_squeeze %dma_wait3A_200 : memref<1x125xi32, #tpu.memory_space<vmem>> -> memref<125xi32, #tpu.memory_space<vmem>>
      %dma_wait3A_202 = arith.constant 0 : i32
      %dma_wait3A_203 = arith.constant 0 : i32
      %dma_wait3A_204 = tpu.memref_slice %arg2[%dma_wait3A_202, %dma_wait3A_203] : memref<100000x16xf32, #tpu.memory_space<hbm>> -> memref<100000x16xf32, #tpu.memory_space<hbm>>
      tpu.wait_indirect_dma semaphore(%arg9 : memref<!tpu.dma_semaphore, #tpu.memory_space<semaphore_mem>>) src(%dma_wait3A_204 : memref<100000x16xf32, #tpu.memory_space<hbm>>) dst(%dma_wait3A_198 : memref<125x16xf32, #tpu.memory_space<vmem>>)
      %dma_wait3A_205 = arith.constant 3 : i32
      %dma_wait3A_206 = arith.constant 375 : i32
      %dma_wait3A_207 = arith.constant 0 : i32
      %dma_wait3A_208 = tpu.memref_slice %arg8[%dma_wait3A_206, %dma_wait3A_207] : memref<2000x16xf32, #tpu.memory_space<vmem>> -> memref<125x16xf32, #tpu.memory_space<vmem>>
      %dma_wait3A_209 = arith.constant 0 : i32
      %dma_wait3A_210 = tpu.memref_slice %arg7[%dma_wait3A_205, %dma_wait3A_209] : memref<16x125xi32, #tpu.memory_space<vmem>> -> memref<1x125xi32, #tpu.memory_space<vmem>>
      %dma_wait3A_211 = tpu.memref_squeeze %dma_wait3A_210 : memref<1x125xi32, #tpu.memory_space<vmem>> -> memref<125xi32, #tpu.memory_space<vmem>>
      %dma_wait3A_212 = arith.constant 0 : i32
      %dma_wait3A_213 = arith.constant 0 : i32
      %dma_wait3A_214 = tpu.memref_slice %arg2[%dma_wait3A_212, %dma_wait3A_213] : memref<100000x16xf32, #tpu.memory_space<hbm>> -> memref<100000x16xf32, #tpu.memory_space<hbm>>
      tpu.wait_indirect_dma semaphore(%arg9 : memref<!tpu.dma_semaphore, #tpu.memory_space<semaphore_mem>>) src(%dma_wait3A_214 : memref<100000x16xf32, #tpu.memory_space<hbm>>) dst(%dma_wait3A_208 : memref<125x16xf32, #tpu.memory_space<vmem>>)
      %dma_wait3A_215 = arith.constant 4 : i32
      %dma_wait3A_216 = arith.constant 500 : i32
      %dma_wait3A_217 = arith.constant 0 : i32
      %dma_wait3A_218 = tpu.memref_slice %arg8[%dma_wait3A_216, %dma_wait3A_217] : memref<2000x16xf32, #tpu.memory_space<vmem>> -> memref<125x16xf32, #tpu.memory_space<vmem>>
      %dma_wait3A_219 = arith.constant 0 : i32
      %dma_wait3A_220 = tpu.memref_slice %arg7[%dma_wait3A_215, %dma_wait3A_219] : memref<16x125xi32, #tpu.memory_space<vmem>> -> memref<1x125xi32, #tpu.memory_space<vmem>>
      %dma_wait3A_221 = tpu.memref_squeeze %dma_wait3A_220 : memref<1x125xi32, #tpu.memory_space<vmem>> -> memref<125xi32, #tpu.memory_space<vmem>>
      %dma_wait3A_222 = arith.constant 0 : i32
      %dma_wait3A_223 = arith.constant 0 : i32
      %dma_wait3A_224 = tpu.memref_slice %arg2[%dma_wait3A_222, %dma_wait3A_223] : memref<100000x16xf32, #tpu.memory_space<hbm>> -> memref<100000x16xf32, #tpu.memory_space<hbm>>
      tpu.wait_indirect_dma semaphore(%arg9 : memref<!tpu.dma_semaphore, #tpu.memory_space<semaphore_mem>>) src(%dma_wait3A_224 : memref<100000x16xf32, #tpu.memory_space<hbm>>) dst(%dma_wait3A_218 : memref<125x16xf32, #tpu.memory_space<vmem>>)
      %dma_wait3A_225 = arith.constant 5 : i32
      %dma_wait3A_226 = arith.constant 625 : i32
      %dma_wait3A_227 = arith.constant 0 : i32
      %dma_wait3A_228 = tpu.memref_slice %arg8[%dma_wait3A_226, %dma_wait3A_227] : memref<2000x16xf32, #tpu.memory_space<vmem>> -> memref<125x16xf32, #tpu.memory_space<vmem>>
      %dma_wait3A_229 = arith.constant 0 : i32
      %dma_wait3A_230 = tpu.memref_slice %arg7[%dma_wait3A_225, %dma_wait3A_229] : memref<16x125xi32, #tpu.memory_space<vmem>> -> memref<1x125xi32, #tpu.memory_space<vmem>>
      %dma_wait3A_231 = tpu.memref_squeeze %dma_wait3A_230 : memref<1x125xi32, #tpu.memory_space<vmem>> -> memref<125xi32, #tpu.memory_space<vmem>>
      %dma_wait3A_232 = arith.constant 0 : i32
      %dma_wait3A_233 = arith.constant 0 : i32
      %dma_wait3A_234 = tpu.memref_slice %arg2[%dma_wait3A_232, %dma_wait3A_233] : memref<100000x16xf32, #tpu.memory_space<hbm>> -> memref<100000x16xf32, #tpu.memory_space<hbm>>
      tpu.wait_indirect_dma semaphore(%arg9 : memref<!tpu.dma_semaphore, #tpu.memory_space<semaphore_mem>>) src(%dma_wait3A_234 : memref<100000x16xf32, #tpu.memory_space<hbm>>) dst(%dma_wait3A_228 : memref<125x16xf32, #tpu.memory_space<vmem>>)
      %dma_wait3A_235 = arith.constant 6 : i32
      %dma_wait3A_236 = arith.constant 750 : i32
      %dma_wait3A_237 = arith.constant 0 : i32
      %dma_wait3A_238 = tpu.memref_slice %arg8[%dma_wait3A_236, %dma_wait3A_237] : memref<2000x16xf32, #tpu.memory_space<vmem>> -> memref<125x16xf32, #tpu.memory_space<vmem>>
      %dma_wait3A_239 = arith.constant 0 : i32
      %dma_wait3A_240 = tpu.memref_slice %arg7[%dma_wait3A_235, %dma_wait3A_239] : memref<16x125xi32, #tpu.memory_space<vmem>> -> memref<1x125xi32, #tpu.memory_space<vmem>>
      %dma_wait3A_241 = tpu.memref_squeeze %dma_wait3A_240 : memref<1x125xi32, #tpu.memory_space<vmem>> -> memref<125xi32, #tpu.memory_space<vmem>>
      %dma_wait3A_242 = arith.constant 0 : i32
      %dma_wait3A_243 = arith.constant 0 : i32
      %dma_wait3A_244 = tpu.memref_slice %arg2[%dma_wait3A_242, %dma_wait3A_243] : memref<100000x16xf32, #tpu.memory_space<hbm>> -> memref<100000x16xf32, #tpu.memory_space<hbm>>
      tpu.wait_indirect_dma semaphore(%arg9 : memref<!tpu.dma_semaphore, #tpu.memory_space<semaphore_mem>>) src(%dma_wait3A_244 : memref<100000x16xf32, #tpu.memory_space<hbm>>) dst(%dma_wait3A_238 : memref<125x16xf32, #tpu.memory_space<vmem>>)
      %dma_wait3A_245 = arith.constant 7 : i32
      %dma_wait3A_246 = arith.constant 875 : i32
      %dma_wait3A_247 = arith.constant 0 : i32
      %dma_wait3A_248 = tpu.memref_slice %arg8[%dma_wait3A_246, %dma_wait3A_247] : memref<2000x16xf32, #tpu.memory_space<vmem>> -> memref<125x16xf32, #tpu.memory_space<vmem>>
      %dma_wait3A_249 = arith.constant 0 : i32
      %dma_wait3A_250 = tpu.memref_slice %arg7[%dma_wait3A_245, %dma_wait3A_249] : memref<16x125xi32, #tpu.memory_space<vmem>> -> memref<1x125xi32, #tpu.memory_space<vmem>>
      %dma_wait3A_251 = tpu.memref_squeeze %dma_wait3A_250 : memref<1x125xi32, #tpu.memory_space<vmem>> -> memref<125xi32, #tpu.memory_space<vmem>>
      %dma_wait3A_252 = arith.constant 0 : i32
      %dma_wait3A_253 = arith.constant 0 : i32
      %dma_wait3A_254 = tpu.memref_slice %arg2[%dma_wait3A_252, %dma_wait3A_253] : memref<100000x16xf32, #tpu.memory_space<hbm>> -> memref<100000x16xf32, #tpu.memory_space<hbm>>
      tpu.wait_indirect_dma semaphore(%arg9 : memref<!tpu.dma_semaphore, #tpu.memory_space<semaphore_mem>>) src(%dma_wait3A_254 : memref<100000x16xf32, #tpu.memory_space<hbm>>) dst(%dma_wait3A_248 : memref<125x16xf32, #tpu.memory_space<vmem>>)
      %dma_wait3A_255 = arith.constant 8 : i32
      %dma_wait3A_256 = arith.constant 1000 : i32
      %dma_wait3A_257 = arith.constant 0 : i32
      %dma_wait3A_258 = tpu.memref_slice %arg8[%dma_wait3A_256, %dma_wait3A_257] : memref<2000x16xf32, #tpu.memory_space<vmem>> -> memref<125x16xf32, #tpu.memory_space<vmem>>
      %dma_wait3A_259 = arith.constant 0 : i32
      %dma_wait3A_260 = tpu.memref_slice %arg7[%dma_wait3A_255, %dma_wait3A_259] : memref<16x125xi32, #tpu.memory_space<vmem>> -> memref<1x125xi32, #tpu.memory_space<vmem>>
      %dma_wait3A_261 = tpu.memref_squeeze %dma_wait3A_260 : memref<1x125xi32, #tpu.memory_space<vmem>> -> memref<125xi32, #tpu.memory_space<vmem>>
      %dma_wait3A_262 = arith.constant 0 : i32
      %dma_wait3A_263 = arith.constant 0 : i32
      %dma_wait3A_264 = tpu.memref_slice %arg2[%dma_wait3A_262, %dma_wait3A_263] : memref<100000x16xf32, #tpu.memory_space<hbm>> -> memref<100000x16xf32, #tpu.memory_space<hbm>>
      tpu.wait_indirect_dma semaphore(%arg9 : memref<!tpu.dma_semaphore, #tpu.memory_space<semaphore_mem>>) src(%dma_wait3A_264 : memref<100000x16xf32, #tpu.memory_space<hbm>>) dst(%dma_wait3A_258 : memref<125x16xf32, #tpu.memory_space<vmem>>)
      %dma_wait3A_265 = arith.constant 9 : i32
      %dma_wait3A_266 = arith.constant 1125 : i32
      %dma_wait3A_267 = arith.constant 0 : i32
      %dma_wait3A_268 = tpu.memref_slice %arg8[%dma_wait3A_266, %dma_wait3A_267] : memref<2000x16xf32, #tpu.memory_space<vmem>> -> memref<125x16xf32, #tpu.memory_space<vmem>>
      %dma_wait3A_269 = arith.constant 0 : i32
      %dma_wait3A_270 = tpu.memref_slice %arg7[%dma_wait3A_265, %dma_wait3A_269] : memref<16x125xi32, #tpu.memory_space<vmem>> -> memref<1x125xi32, #tpu.memory_space<vmem>>
      %dma_wait3A_271 = tpu.memref_squeeze %dma_wait3A_270 : memref<1x125xi32, #tpu.memory_space<vmem>> -> memref<125xi32, #tpu.memory_space<vmem>>
      %dma_wait3A_272 = arith.constant 0 : i32
      %dma_wait3A_273 = arith.constant 0 : i32
      %dma_wait3A_274 = tpu.memref_slice %arg2[%dma_wait3A_272, %dma_wait3A_273] : memref<100000x16xf32, #tpu.memory_space<hbm>> -> memref<100000x16xf32, #tpu.memory_space<hbm>>
      tpu.wait_indirect_dma semaphore(%arg9 : memref<!tpu.dma_semaphore, #tpu.memory_space<semaphore_mem>>) src(%dma_wait3A_274 : memref<100000x16xf32, #tpu.memory_space<hbm>>) dst(%dma_wait3A_268 : memref<125x16xf32, #tpu.memory_space<vmem>>)
      %dma_wait3A_275 = arith.constant 10 : i32
      %dma_wait3A_276 = arith.constant 1250 : i32
      %dma_wait3A_277 = arith.constant 0 : i32
      %dma_wait3A_278 = tpu.memref_slice %arg8[%dma_wait3A_276, %dma_wait3A_277] : memref<2000x16xf32, #tpu.memory_space<vmem>> -> memref<125x16xf32, #tpu.memory_space<vmem>>
      %dma_wait3A_279 = arith.constant 0 : i32
      %dma_wait3A_280 = tpu.memref_slice %arg7[%dma_wait3A_275, %dma_wait3A_279] : memref<16x125xi32, #tpu.memory_space<vmem>> -> memref<1x125xi32, #tpu.memory_space<vmem>>
      %dma_wait3A_281 = tpu.memref_squeeze %dma_wait3A_280 : memref<1x125xi32, #tpu.memory_space<vmem>> -> memref<125xi32, #tpu.memory_space<vmem>>
      %dma_wait3A_282 = arith.constant 0 : i32
      %dma_wait3A_283 = arith.constant 0 : i32
      %dma_wait3A_284 = tpu.memref_slice %arg2[%dma_wait3A_282, %dma_wait3A_283] : memref<100000x16xf32, #tpu.memory_space<hbm>> -> memref<100000x16xf32, #tpu.memory_space<hbm>>
      tpu.wait_indirect_dma semaphore(%arg9 : memref<!tpu.dma_semaphore, #tpu.memory_space<semaphore_mem>>) src(%dma_wait3A_284 : memref<100000x16xf32, #tpu.memory_space<hbm>>) dst(%dma_wait3A_278 : memref<125x16xf32, #tpu.memory_space<vmem>>)
      %dma_wait3A_285 = arith.constant 11 : i32
      %dma_wait3A_286 = arith.constant 1375 : i32
      %dma_wait3A_287 = arith.constant 0 : i32
      %dma_wait3A_288 = tpu.memref_slice %arg8[%dma_wait3A_286, %dma_wait3A_287] : memref<2000x16xf32, #tpu.memory_space<vmem>> -> memref<125x16xf32, #tpu.memory_space<vmem>>
      %dma_wait3A_289 = arith.constant 0 : i32
      %dma_wait3A_290 = tpu.memref_slice %arg7[%dma_wait3A_285, %dma_wait3A_289] : memref<16x125xi32, #tpu.memory_space<vmem>> -> memref<1x125xi32, #tpu.memory_space<vmem>>
      %dma_wait3A_291 = tpu.memref_squeeze %dma_wait3A_290 : memref<1x125xi32, #tpu.memory_space<vmem>> -> memref<125xi32, #tpu.memory_space<vmem>>
      %dma_wait3A_292 = arith.constant 0 : i32
      %dma_wait3A_293 = arith.constant 0 : i32
      %dma_wait3A_294 = tpu.memref_slice %arg2[%dma_wait3A_292, %dma_wait3A_293] : memref<100000x16xf32, #tpu.memory_space<hbm>> -> memref<100000x16xf32, #tpu.memory_space<hbm>>
      tpu.wait_indirect_dma semaphore(%arg9 : memref<!tpu.dma_semaphore, #tpu.memory_space<semaphore_mem>>) src(%dma_wait3A_294 : memref<100000x16xf32, #tpu.memory_space<hbm>>) dst(%dma_wait3A_288 : memref<125x16xf32, #tpu.memory_space<vmem>>)
      %dma_wait3A_295 = arith.constant 12 : i32
      %dma_wait3A_296 = arith.constant 1500 : i32
      %dma_wait3A_297 = arith.constant 0 : i32
      %dma_wait3A_298 = tpu.memref_slice %arg8[%dma_wait3A_296, %dma_wait3A_297] : memref<2000x16xf32, #tpu.memory_space<vmem>> -> memref<125x16xf32, #tpu.memory_space<vmem>>
      %dma_wait3A_299 = arith.constant 0 : i32
      %dma_wait3A_300 = tpu.memref_slice %arg7[%dma_wait3A_295, %dma_wait3A_299] : memref<16x125xi32, #tpu.memory_space<vmem>> -> memref<1x125xi32, #tpu.memory_space<vmem>>
      %dma_wait3A_301 = tpu.memref_squeeze %dma_wait3A_300 : memref<1x125xi32, #tpu.memory_space<vmem>> -> memref<125xi32, #tpu.memory_space<vmem>>
      %dma_wait3A_302 = arith.constant 0 : i32
      %dma_wait3A_303 = arith.constant 0 : i32
      %dma_wait3A_304 = tpu.memref_slice %arg2[%dma_wait3A_302, %dma_wait3A_303] : memref<100000x16xf32, #tpu.memory_space<hbm>> -> memref<100000x16xf32, #tpu.memory_space<hbm>>
      tpu.wait_indirect_dma semaphore(%arg9 : memref<!tpu.dma_semaphore, #tpu.memory_space<semaphore_mem>>) src(%dma_wait3A_304 : memref<100000x16xf32, #tpu.memory_space<hbm>>) dst(%dma_wait3A_298 : memref<125x16xf32, #tpu.memory_space<vmem>>)
      %dma_wait3A_305 = arith.constant 13 : i32
      %dma_wait3A_306 = arith.constant 1625 : i32
      %dma_wait3A_307 = arith.constant 0 : i32
      %dma_wait3A_308 = tpu.memref_slice %arg8[%dma_wait3A_306, %dma_wait3A_307] : memref<2000x16xf32, #tpu.memory_space<vmem>> -> memref<125x16xf32, #tpu.memory_space<vmem>>
      %dma_wait3A_309 = arith.constant 0 : i32
      %dma_wait3A_310 = tpu.memref_slice %arg7[%dma_wait3A_305, %dma_wait3A_309] : memref<16x125xi32, #tpu.memory_space<vmem>> -> memref<1x125xi32, #tpu.memory_space<vmem>>
      %dma_wait3A_311 = tpu.memref_squeeze %dma_wait3A_310 : memref<1x125xi32, #tpu.memory_space<vmem>> -> memref<125xi32, #tpu.memory_space<vmem>>
      %dma_wait3A_312 = arith.constant 0 : i32
      %dma_wait3A_313 = arith.constant 0 : i32
      %dma_wait3A_314 = tpu.memref_slice %arg2[%dma_wait3A_312, %dma_wait3A_313] : memref<100000x16xf32, #tpu.memory_space<hbm>> -> memref<100000x16xf32, #tpu.memory_space<hbm>>
      tpu.wait_indirect_dma semaphore(%arg9 : memref<!tpu.dma_semaphore, #tpu.memory_space<semaphore_mem>>) src(%dma_wait3A_314 : memref<100000x16xf32, #tpu.memory_space<hbm>>) dst(%dma_wait3A_308 : memref<125x16xf32, #tpu.memory_space<vmem>>)
      %dma_wait3A_315 = arith.constant 14 : i32
      %dma_wait3A_316 = arith.constant 1750 : i32
      %dma_wait3A_317 = arith.constant 0 : i32
      %dma_wait3A_318 = tpu.memref_slice %arg8[%dma_wait3A_316, %dma_wait3A_317] : memref<2000x16xf32, #tpu.memory_space<vmem>> -> memref<125x16xf32, #tpu.memory_space<vmem>>
      %dma_wait3A_319 = arith.constant 0 : i32
      %dma_wait3A_320 = tpu.memref_slice %arg7[%dma_wait3A_315, %dma_wait3A_319] : memref<16x125xi32, #tpu.memory_space<vmem>> -> memref<1x125xi32, #tpu.memory_space<vmem>>
      %dma_wait3A_321 = tpu.memref_squeeze %dma_wait3A_320 : memref<1x125xi32, #tpu.memory_space<vmem>> -> memref<125xi32, #tpu.memory_space<vmem>>
      %dma_wait3A_322 = arith.constant 0 : i32
      %dma_wait3A_323 = arith.constant 0 : i32
      %dma_wait3A_324 = tpu.memref_slice %arg2[%dma_wait3A_322, %dma_wait3A_323] : memref<100000x16xf32, #tpu.memory_space<hbm>> -> memref<100000x16xf32, #tpu.memory_space<hbm>>
      tpu.wait_indirect_dma semaphore(%arg9 : memref<!tpu.dma_semaphore, #tpu.memory_space<semaphore_mem>>) src(%dma_wait3A_324 : memref<100000x16xf32, #tpu.memory_space<hbm>>) dst(%dma_wait3A_318 : memref<125x16xf32, #tpu.memory_space<vmem>>)
      %dma_wait3A_325 = arith.constant 15 : i32
      %dma_wait3A_326 = arith.constant 1875 : i32
      %dma_wait3A_327 = arith.constant 0 : i32
      %dma_wait3A_328 = tpu.memref_slice %arg8[%dma_wait3A_326, %dma_wait3A_327] : memref<2000x16xf32, #tpu.memory_space<vmem>> -> memref<125x16xf32, #tpu.memory_space<vmem>>
      %dma_wait3A_329 = arith.constant 0 : i32
      %dma_wait3A_330 = tpu.memref_slice %arg7[%dma_wait3A_325, %dma_wait3A_329] : memref<16x125xi32, #tpu.memory_space<vmem>> -> memref<1x125xi32, #tpu.memory_space<vmem>>
      %dma_wait3A_331 = tpu.memref_squeeze %dma_wait3A_330 : memref<1x125xi32, #tpu.memory_space<vmem>> -> memref<125xi32, #tpu.memory_space<vmem>>
      %dma_wait3A_332 = arith.constant 0 : i32
      %dma_wait3A_333 = arith.constant 0 : i32
      %dma_wait3A_334 = tpu.memref_slice %arg2[%dma_wait3A_332, %dma_wait3A_333] : memref<100000x16xf32, #tpu.memory_space<hbm>> -> memref<100000x16xf32, #tpu.memory_space<hbm>>
      tpu.wait_indirect_dma semaphore(%arg9 : memref<!tpu.dma_semaphore, #tpu.memory_space<semaphore_mem>>) src(%dma_wait3A_334 : memref<100000x16xf32, #tpu.memory_space<hbm>>) dst(%dma_wait3A_328 : memref<125x16xf32, #tpu.memory_space<vmem>>)
      "tpu.region"() ({
        %run_scoped3A = tpu.sem_alloc : memref<!tpu.dma_semaphore, #tpu.memory_space<semaphore_mem>>
        %dma_start3A_655 = arith.constant 0 : i32
        %dma_start3A_656 = tpu.memref_slice %arg5[%add3A_16, %dma_start3A_655] : memref<1600000x16xf32, #tpu.memory_space<hbm>> -> memref<2000x16xf32, #tpu.memory_space<hbm>>
        %dma_start3A_657 = arith.constant 0 : i32
        %dma_start3A_658 = tpu.memref_slice %arg5[%add3A_16, %dma_start3A_657] : memref<1600000x16xf32, #tpu.memory_space<hbm>> -> memref<2000x16xf32, #tpu.memory_space<hbm>>
        tpu.enqueue_dma source(%arg8 : memref<2000x16xf32, #tpu.memory_space<vmem>>) target(%dma_start3A_658 : memref<2000x16xf32, #tpu.memory_space<hbm>>) target_semaphore(%run_scoped3A : memref<!tpu.dma_semaphore, #tpu.memory_space<semaphore_mem>>)
        %dma_wait3A_659 = arith.constant 0 : i32
        %dma_wait3A_660 = tpu.memref_slice %arg5[%add3A_16, %dma_wait3A_659] : memref<1600000x16xf32, #tpu.memory_space<hbm>> -> memref<2000x16xf32, #tpu.memory_space<hbm>>
        %dma_wait3A_661 = arith.constant 0 : i32
        %dma_wait3A_662 = tpu.memref_slice %arg5[%add3A_16, %dma_wait3A_661] : memref<1600000x16xf32, #tpu.memory_space<hbm>> -> memref<2000x16xf32, #tpu.memory_space<hbm>>
        tpu.wait_dma2 semaphore(%run_scoped3A : memref<!tpu.dma_semaphore, #tpu.memory_space<semaphore_mem>>) src(%arg8 : memref<2000x16xf32, #tpu.memory_space<vmem>>) dst(%dma_wait3A_662 : memref<2000x16xf32, #tpu.memory_space<hbm>>)
        tpu.yield
      }) : () -> ()
      "tpu.region"() ({
        %run_scoped3A = tpu.sem_alloc : memref<!tpu.dma_semaphore, #tpu.memory_space<semaphore_mem>>
        %dma_start3A_655 = arith.constant 0 : i32
        %dma_start3A_656 = tpu.memref_slice %arg4[%add3A_11, %dma_start3A_655] : memref<12800x125xi32, #tpu.memory_space<hbm>> -> memref<16x125xi32, #tpu.memory_space<hbm>>
        %dma_start3A_657 = arith.constant 0 : i32
        %dma_start3A_658 = tpu.memref_slice %arg4[%add3A_11, %dma_start3A_657] : memref<12800x125xi32, #tpu.memory_space<hbm>> -> memref<16x125xi32, #tpu.memory_space<hbm>>
        tpu.enqueue_dma source(%dma_start3A_658 : memref<16x125xi32, #tpu.memory_space<hbm>>) target(%arg7 : memref<16x125xi32, #tpu.memory_space<vmem>>) target_semaphore(%run_scoped3A : memref<!tpu.dma_semaphore, #tpu.memory_space<semaphore_mem>>)
        %dma_wait3A_659 = arith.constant 0 : i32
        %dma_wait3A_660 = tpu.memref_slice %arg4[%add3A_11, %dma_wait3A_659] : memref<12800x125xi32, #tpu.memory_space<hbm>> -> memref<16x125xi32, #tpu.memory_space<hbm>>
        %dma_wait3A_661 = arith.constant 0 : i32
        %dma_wait3A_662 = tpu.memref_slice %arg4[%add3A_11, %dma_wait3A_661] : memref<12800x125xi32, #tpu.memory_space<hbm>> -> memref<16x125xi32, #tpu.memory_space<hbm>>
        tpu.wait_dma2 semaphore(%run_scoped3A : memref<!tpu.dma_semaphore, #tpu.memory_space<semaphore_mem>>) src(%dma_wait3A_662 : memref<16x125xi32, #tpu.memory_space<hbm>>) dst(%arg7 : memref<16x125xi32, #tpu.memory_space<vmem>>)
        tpu.yield
      }) : () -> ()
      %dma_start3A_335 = arith.constant 0 : i32
      %dma_start3A_336 = arith.constant 0 : i32
      %dma_start3A_337 = arith.constant 0 : i32
      %dma_start3A_338 = tpu.memref_slice %arg8[%dma_start3A_336, %dma_start3A_337] : memref<2000x16xf32, #tpu.memory_space<vmem>> -> memref<125x16xf32, #tpu.memory_space<vmem>>
      %dma_start3A_339 = arith.constant 0 : i32
      %dma_start3A_340 = tpu.memref_slice %arg7[%dma_start3A_335, %dma_start3A_339] : memref<16x125xi32, #tpu.memory_space<vmem>> -> memref<1x125xi32, #tpu.memory_space<vmem>>
      %dma_start3A_341 = tpu.memref_squeeze %dma_start3A_340 : memref<1x125xi32, #tpu.memory_space<vmem>> -> memref<125xi32, #tpu.memory_space<vmem>>
      %dma_start3A_342 = arith.constant 0 : i32
      %dma_start3A_343 = arith.constant 0 : i32
      %dma_start3A_344 = tpu.memref_slice %arg2[%dma_start3A_342, %dma_start3A_343] : memref<100000x16xf32, #tpu.memory_space<hbm>> -> memref<100000x16xf32, #tpu.memory_space<hbm>>
      tpu.enqueue_indirect_dma source(%dma_start3A_344 : memref<100000x16xf32, #tpu.memory_space<hbm>>) target(%dma_start3A_338 : memref<125x16xf32, #tpu.memory_space<vmem>>) offsets(%dma_start3A_341 : memref<125xi32, #tpu.memory_space<vmem>>) semaphore(%arg9 : memref<!tpu.dma_semaphore, #tpu.memory_space<semaphore_mem>>)
      %dma_start3A_345 = arith.constant 1 : i32
      %dma_start3A_346 = arith.constant 125 : i32
      %dma_start3A_347 = arith.constant 0 : i32
      %dma_start3A_348 = tpu.memref_slice %arg8[%dma_start3A_346, %dma_start3A_347] : memref<2000x16xf32, #tpu.memory_space<vmem>> -> memref<125x16xf32, #tpu.memory_space<vmem>>
      %dma_start3A_349 = arith.constant 0 : i32
      %dma_start3A_350 = tpu.memref_slice %arg7[%dma_start3A_345, %dma_start3A_349] : memref<16x125xi32, #tpu.memory_space<vmem>> -> memref<1x125xi32, #tpu.memory_space<vmem>>
      %dma_start3A_351 = tpu.memref_squeeze %dma_start3A_350 : memref<1x125xi32, #tpu.memory_space<vmem>> -> memref<125xi32, #tpu.memory_space<vmem>>
      %dma_start3A_352 = arith.constant 0 : i32
      %dma_start3A_353 = arith.constant 0 : i32
      %dma_start3A_354 = tpu.memref_slice %arg2[%dma_start3A_352, %dma_start3A_353] : memref<100000x16xf32, #tpu.memory_space<hbm>> -> memref<100000x16xf32, #tpu.memory_space<hbm>>
      tpu.enqueue_indirect_dma source(%dma_start3A_354 : memref<100000x16xf32, #tpu.memory_space<hbm>>) target(%dma_start3A_348 : memref<125x16xf32, #tpu.memory_space<vmem>>) offsets(%dma_start3A_351 : memref<125xi32, #tpu.memory_space<vmem>>) semaphore(%arg9 : memref<!tpu.dma_semaphore, #tpu.memory_space<semaphore_mem>>)
      %dma_start3A_355 = arith.constant 2 : i32
      %dma_start3A_356 = arith.constant 250 : i32
      %dma_start3A_357 = arith.constant 0 : i32
      %dma_start3A_358 = tpu.memref_slice %arg8[%dma_start3A_356, %dma_start3A_357] : memref<2000x16xf32, #tpu.memory_space<vmem>> -> memref<125x16xf32, #tpu.memory_space<vmem>>
      %dma_start3A_359 = arith.constant 0 : i32
      %dma_start3A_360 = tpu.memref_slice %arg7[%dma_start3A_355, %dma_start3A_359] : memref<16x125xi32, #tpu.memory_space<vmem>> -> memref<1x125xi32, #tpu.memory_space<vmem>>
      %dma_start3A_361 = tpu.memref_squeeze %dma_start3A_360 : memref<1x125xi32, #tpu.memory_space<vmem>> -> memref<125xi32, #tpu.memory_space<vmem>>
      %dma_start3A_362 = arith.constant 0 : i32
      %dma_start3A_363 = arith.constant 0 : i32
      %dma_start3A_364 = tpu.memref_slice %arg2[%dma_start3A_362, %dma_start3A_363] : memref<100000x16xf32, #tpu.memory_space<hbm>> -> memref<100000x16xf32, #tpu.memory_space<hbm>>
      tpu.enqueue_indirect_dma source(%dma_start3A_364 : memref<100000x16xf32, #tpu.memory_space<hbm>>) target(%dma_start3A_358 : memref<125x16xf32, #tpu.memory_space<vmem>>) offsets(%dma_start3A_361 : memref<125xi32, #tpu.memory_space<vmem>>) semaphore(%arg9 : memref<!tpu.dma_semaphore, #tpu.memory_space<semaphore_mem>>)
      %dma_start3A_365 = arith.constant 3 : i32
      %dma_start3A_366 = arith.constant 375 : i32
      %dma_start3A_367 = arith.constant 0 : i32
      %dma_start3A_368 = tpu.memref_slice %arg8[%dma_start3A_366, %dma_start3A_367] : memref<2000x16xf32, #tpu.memory_space<vmem>> -> memref<125x16xf32, #tpu.memory_space<vmem>>
      %dma_start3A_369 = arith.constant 0 : i32
      %dma_start3A_370 = tpu.memref_slice %arg7[%dma_start3A_365, %dma_start3A_369] : memref<16x125xi32, #tpu.memory_space<vmem>> -> memref<1x125xi32, #tpu.memory_space<vmem>>
      %dma_start3A_371 = tpu.memref_squeeze %dma_start3A_370 : memref<1x125xi32, #tpu.memory_space<vmem>> -> memref<125xi32, #tpu.memory_space<vmem>>
      %dma_start3A_372 = arith.constant 0 : i32
      %dma_start3A_373 = arith.constant 0 : i32
      %dma_start3A_374 = tpu.memref_slice %arg2[%dma_start3A_372, %dma_start3A_373] : memref<100000x16xf32, #tpu.memory_space<hbm>> -> memref<100000x16xf32, #tpu.memory_space<hbm>>
      tpu.enqueue_indirect_dma source(%dma_start3A_374 : memref<100000x16xf32, #tpu.memory_space<hbm>>) target(%dma_start3A_368 : memref<125x16xf32, #tpu.memory_space<vmem>>) offsets(%dma_start3A_371 : memref<125xi32, #tpu.memory_space<vmem>>) semaphore(%arg9 : memref<!tpu.dma_semaphore, #tpu.memory_space<semaphore_mem>>)
      %dma_start3A_375 = arith.constant 4 : i32
      %dma_start3A_376 = arith.constant 500 : i32
      %dma_start3A_377 = arith.constant 0 : i32
      %dma_start3A_378 = tpu.memref_slice %arg8[%dma_start3A_376, %dma_start3A_377] : memref<2000x16xf32, #tpu.memory_space<vmem>> -> memref<125x16xf32, #tpu.memory_space<vmem>>
      %dma_start3A_379 = arith.constant 0 : i32
      %dma_start3A_380 = tpu.memref_slice %arg7[%dma_start3A_375, %dma_start3A_379] : memref<16x125xi32, #tpu.memory_space<vmem>> -> memref<1x125xi32, #tpu.memory_space<vmem>>
      %dma_start3A_381 = tpu.memref_squeeze %dma_start3A_380 : memref<1x125xi32, #tpu.memory_space<vmem>> -> memref<125xi32, #tpu.memory_space<vmem>>
      %dma_start3A_382 = arith.constant 0 : i32
      %dma_start3A_383 = arith.constant 0 : i32
      %dma_start3A_384 = tpu.memref_slice %arg2[%dma_start3A_382, %dma_start3A_383] : memref<100000x16xf32, #tpu.memory_space<hbm>> -> memref<100000x16xf32, #tpu.memory_space<hbm>>
      tpu.enqueue_indirect_dma source(%dma_start3A_384 : memref<100000x16xf32, #tpu.memory_space<hbm>>) target(%dma_start3A_378 : memref<125x16xf32, #tpu.memory_space<vmem>>) offsets(%dma_start3A_381 : memref<125xi32, #tpu.memory_space<vmem>>) semaphore(%arg9 : memref<!tpu.dma_semaphore, #tpu.memory_space<semaphore_mem>>)
      %dma_start3A_385 = arith.constant 5 : i32
      %dma_start3A_386 = arith.constant 625 : i32
      %dma_start3A_387 = arith.constant 0 : i32
      %dma_start3A_388 = tpu.memref_slice %arg8[%dma_start3A_386, %dma_start3A_387] : memref<2000x16xf32, #tpu.memory_space<vmem>> -> memref<125x16xf32, #tpu.memory_space<vmem>>
      %dma_start3A_389 = arith.constant 0 : i32
      %dma_start3A_390 = tpu.memref_slice %arg7[%dma_start3A_385, %dma_start3A_389] : memref<16x125xi32, #tpu.memory_space<vmem>> -> memref<1x125xi32, #tpu.memory_space<vmem>>
      %dma_start3A_391 = tpu.memref_squeeze %dma_start3A_390 : memref<1x125xi32, #tpu.memory_space<vmem>> -> memref<125xi32, #tpu.memory_space<vmem>>
      %dma_start3A_392 = arith.constant 0 : i32
      %dma_start3A_393 = arith.constant 0 : i32
      %dma_start3A_394 = tpu.memref_slice %arg2[%dma_start3A_392, %dma_start3A_393] : memref<100000x16xf32, #tpu.memory_space<hbm>> -> memref<100000x16xf32, #tpu.memory_space<hbm>>
      tpu.enqueue_indirect_dma source(%dma_start3A_394 : memref<100000x16xf32, #tpu.memory_space<hbm>>) target(%dma_start3A_388 : memref<125x16xf32, #tpu.memory_space<vmem>>) offsets(%dma_start3A_391 : memref<125xi32, #tpu.memory_space<vmem>>) semaphore(%arg9 : memref<!tpu.dma_semaphore, #tpu.memory_space<semaphore_mem>>)
      %dma_start3A_395 = arith.constant 6 : i32
      %dma_start3A_396 = arith.constant 750 : i32
      %dma_start3A_397 = arith.constant 0 : i32
      %dma_start3A_398 = tpu.memref_slice %arg8[%dma_start3A_396, %dma_start3A_397] : memref<2000x16xf32, #tpu.memory_space<vmem>> -> memref<125x16xf32, #tpu.memory_space<vmem>>
      %dma_start3A_399 = arith.constant 0 : i32
      %dma_start3A_400 = tpu.memref_slice %arg7[%dma_start3A_395, %dma_start3A_399] : memref<16x125xi32, #tpu.memory_space<vmem>> -> memref<1x125xi32, #tpu.memory_space<vmem>>
      %dma_start3A_401 = tpu.memref_squeeze %dma_start3A_400 : memref<1x125xi32, #tpu.memory_space<vmem>> -> memref<125xi32, #tpu.memory_space<vmem>>
      %dma_start3A_402 = arith.constant 0 : i32
      %dma_start3A_403 = arith.constant 0 : i32
      %dma_start3A_404 = tpu.memref_slice %arg2[%dma_start3A_402, %dma_start3A_403] : memref<100000x16xf32, #tpu.memory_space<hbm>> -> memref<100000x16xf32, #tpu.memory_space<hbm>>
      tpu.enqueue_indirect_dma source(%dma_start3A_404 : memref<100000x16xf32, #tpu.memory_space<hbm>>) target(%dma_start3A_398 : memref<125x16xf32, #tpu.memory_space<vmem>>) offsets(%dma_start3A_401 : memref<125xi32, #tpu.memory_space<vmem>>) semaphore(%arg9 : memref<!tpu.dma_semaphore, #tpu.memory_space<semaphore_mem>>)
      %dma_start3A_405 = arith.constant 7 : i32
      %dma_start3A_406 = arith.constant 875 : i32
      %dma_start3A_407 = arith.constant 0 : i32
      %dma_start3A_408 = tpu.memref_slice %arg8[%dma_start3A_406, %dma_start3A_407] : memref<2000x16xf32, #tpu.memory_space<vmem>> -> memref<125x16xf32, #tpu.memory_space<vmem>>
      %dma_start3A_409 = arith.constant 0 : i32
      %dma_start3A_410 = tpu.memref_slice %arg7[%dma_start3A_405, %dma_start3A_409] : memref<16x125xi32, #tpu.memory_space<vmem>> -> memref<1x125xi32, #tpu.memory_space<vmem>>
      %dma_start3A_411 = tpu.memref_squeeze %dma_start3A_410 : memref<1x125xi32, #tpu.memory_space<vmem>> -> memref<125xi32, #tpu.memory_space<vmem>>
      %dma_start3A_412 = arith.constant 0 : i32
      %dma_start3A_413 = arith.constant 0 : i32
      %dma_start3A_414 = tpu.memref_slice %arg2[%dma_start3A_412, %dma_start3A_413] : memref<100000x16xf32, #tpu.memory_space<hbm>> -> memref<100000x16xf32, #tpu.memory_space<hbm>>
      tpu.enqueue_indirect_dma source(%dma_start3A_414 : memref<100000x16xf32, #tpu.memory_space<hbm>>) target(%dma_start3A_408 : memref<125x16xf32, #tpu.memory_space<vmem>>) offsets(%dma_start3A_411 : memref<125xi32, #tpu.memory_space<vmem>>) semaphore(%arg9 : memref<!tpu.dma_semaphore, #tpu.memory_space<semaphore_mem>>)
      %dma_start3A_415 = arith.constant 8 : i32
      %dma_start3A_416 = arith.constant 1000 : i32
      %dma_start3A_417 = arith.constant 0 : i32
      %dma_start3A_418 = tpu.memref_slice %arg8[%dma_start3A_416, %dma_start3A_417] : memref<2000x16xf32, #tpu.memory_space<vmem>> -> memref<125x16xf32, #tpu.memory_space<vmem>>
      %dma_start3A_419 = arith.constant 0 : i32
      %dma_start3A_420 = tpu.memref_slice %arg7[%dma_start3A_415, %dma_start3A_419] : memref<16x125xi32, #tpu.memory_space<vmem>> -> memref<1x125xi32, #tpu.memory_space<vmem>>
      %dma_start3A_421 = tpu.memref_squeeze %dma_start3A_420 : memref<1x125xi32, #tpu.memory_space<vmem>> -> memref<125xi32, #tpu.memory_space<vmem>>
      %dma_start3A_422 = arith.constant 0 : i32
      %dma_start3A_423 = arith.constant 0 : i32
      %dma_start3A_424 = tpu.memref_slice %arg2[%dma_start3A_422, %dma_start3A_423] : memref<100000x16xf32, #tpu.memory_space<hbm>> -> memref<100000x16xf32, #tpu.memory_space<hbm>>
      tpu.enqueue_indirect_dma source(%dma_start3A_424 : memref<100000x16xf32, #tpu.memory_space<hbm>>) target(%dma_start3A_418 : memref<125x16xf32, #tpu.memory_space<vmem>>) offsets(%dma_start3A_421 : memref<125xi32, #tpu.memory_space<vmem>>) semaphore(%arg9 : memref<!tpu.dma_semaphore, #tpu.memory_space<semaphore_mem>>)
      %dma_start3A_425 = arith.constant 9 : i32
      %dma_start3A_426 = arith.constant 1125 : i32
      %dma_start3A_427 = arith.constant 0 : i32
      %dma_start3A_428 = tpu.memref_slice %arg8[%dma_start3A_426, %dma_start3A_427] : memref<2000x16xf32, #tpu.memory_space<vmem>> -> memref<125x16xf32, #tpu.memory_space<vmem>>
      %dma_start3A_429 = arith.constant 0 : i32
      %dma_start3A_430 = tpu.memref_slice %arg7[%dma_start3A_425, %dma_start3A_429] : memref<16x125xi32, #tpu.memory_space<vmem>> -> memref<1x125xi32, #tpu.memory_space<vmem>>
      %dma_start3A_431 = tpu.memref_squeeze %dma_start3A_430 : memref<1x125xi32, #tpu.memory_space<vmem>> -> memref<125xi32, #tpu.memory_space<vmem>>
      %dma_start3A_432 = arith.constant 0 : i32
      %dma_start3A_433 = arith.constant 0 : i32
      %dma_start3A_434 = tpu.memref_slice %arg2[%dma_start3A_432, %dma_start3A_433] : memref<100000x16xf32, #tpu.memory_space<hbm>> -> memref<100000x16xf32, #tpu.memory_space<hbm>>
      tpu.enqueue_indirect_dma source(%dma_start3A_434 : memref<100000x16xf32, #tpu.memory_space<hbm>>) target(%dma_start3A_428 : memref<125x16xf32, #tpu.memory_space<vmem>>) offsets(%dma_start3A_431 : memref<125xi32, #tpu.memory_space<vmem>>) semaphore(%arg9 : memref<!tpu.dma_semaphore, #tpu.memory_space<semaphore_mem>>)
      %dma_start3A_435 = arith.constant 10 : i32
      %dma_start3A_436 = arith.constant 1250 : i32
      %dma_start3A_437 = arith.constant 0 : i32
      %dma_start3A_438 = tpu.memref_slice %arg8[%dma_start3A_436, %dma_start3A_437] : memref<2000x16xf32, #tpu.memory_space<vmem>> -> memref<125x16xf32, #tpu.memory_space<vmem>>
      %dma_start3A_439 = arith.constant 0 : i32
      %dma_start3A_440 = tpu.memref_slice %arg7[%dma_start3A_435, %dma_start3A_439] : memref<16x125xi32, #tpu.memory_space<vmem>> -> memref<1x125xi32, #tpu.memory_space<vmem>>
      %dma_start3A_441 = tpu.memref_squeeze %dma_start3A_440 : memref<1x125xi32, #tpu.memory_space<vmem>> -> memref<125xi32, #tpu.memory_space<vmem>>
      %dma_start3A_442 = arith.constant 0 : i32
      %dma_start3A_443 = arith.constant 0 : i32
      %dma_start3A_444 = tpu.memref_slice %arg2[%dma_start3A_442, %dma_start3A_443] : memref<100000x16xf32, #tpu.memory_space<hbm>> -> memref<100000x16xf32, #tpu.memory_space<hbm>>
      tpu.enqueue_indirect_dma source(%dma_start3A_444 : memref<100000x16xf32, #tpu.memory_space<hbm>>) target(%dma_start3A_438 : memref<125x16xf32, #tpu.memory_space<vmem>>) offsets(%dma_start3A_441 : memref<125xi32, #tpu.memory_space<vmem>>) semaphore(%arg9 : memref<!tpu.dma_semaphore, #tpu.memory_space<semaphore_mem>>)
      %dma_start3A_445 = arith.constant 11 : i32
      %dma_start3A_446 = arith.constant 1375 : i32
      %dma_start3A_447 = arith.constant 0 : i32
      %dma_start3A_448 = tpu.memref_slice %arg8[%dma_start3A_446, %dma_start3A_447] : memref<2000x16xf32, #tpu.memory_space<vmem>> -> memref<125x16xf32, #tpu.memory_space<vmem>>
      %dma_start3A_449 = arith.constant 0 : i32
      %dma_start3A_450 = tpu.memref_slice %arg7[%dma_start3A_445, %dma_start3A_449] : memref<16x125xi32, #tpu.memory_space<vmem>> -> memref<1x125xi32, #tpu.memory_space<vmem>>
      %dma_start3A_451 = tpu.memref_squeeze %dma_start3A_450 : memref<1x125xi32, #tpu.memory_space<vmem>> -> memref<125xi32, #tpu.memory_space<vmem>>
      %dma_start3A_452 = arith.constant 0 : i32
      %dma_start3A_453 = arith.constant 0 : i32
      %dma_start3A_454 = tpu.memref_slice %arg2[%dma_start3A_452, %dma_start3A_453] : memref<100000x16xf32, #tpu.memory_space<hbm>> -> memref<100000x16xf32, #tpu.memory_space<hbm>>
      tpu.enqueue_indirect_dma source(%dma_start3A_454 : memref<100000x16xf32, #tpu.memory_space<hbm>>) target(%dma_start3A_448 : memref<125x16xf32, #tpu.memory_space<vmem>>) offsets(%dma_start3A_451 : memref<125xi32, #tpu.memory_space<vmem>>) semaphore(%arg9 : memref<!tpu.dma_semaphore, #tpu.memory_space<semaphore_mem>>)
      %dma_start3A_455 = arith.constant 12 : i32
      %dma_start3A_456 = arith.constant 1500 : i32
      %dma_start3A_457 = arith.constant 0 : i32
      %dma_start3A_458 = tpu.memref_slice %arg8[%dma_start3A_456, %dma_start3A_457] : memref<2000x16xf32, #tpu.memory_space<vmem>> -> memref<125x16xf32, #tpu.memory_space<vmem>>
      %dma_start3A_459 = arith.constant 0 : i32
      %dma_start3A_460 = tpu.memref_slice %arg7[%dma_start3A_455, %dma_start3A_459] : memref<16x125xi32, #tpu.memory_space<vmem>> -> memref<1x125xi32, #tpu.memory_space<vmem>>
      %dma_start3A_461 = tpu.memref_squeeze %dma_start3A_460 : memref<1x125xi32, #tpu.memory_space<vmem>> -> memref<125xi32, #tpu.memory_space<vmem>>
      %dma_start3A_462 = arith.constant 0 : i32
      %dma_start3A_463 = arith.constant 0 : i32
      %dma_start3A_464 = tpu.memref_slice %arg2[%dma_start3A_462, %dma_start3A_463] : memref<100000x16xf32, #tpu.memory_space<hbm>> -> memref<100000x16xf32, #tpu.memory_space<hbm>>
      tpu.enqueue_indirect_dma source(%dma_start3A_464 : memref<100000x16xf32, #tpu.memory_space<hbm>>) target(%dma_start3A_458 : memref<125x16xf32, #tpu.memory_space<vmem>>) offsets(%dma_start3A_461 : memref<125xi32, #tpu.memory_space<vmem>>) semaphore(%arg9 : memref<!tpu.dma_semaphore, #tpu.memory_space<semaphore_mem>>)
      %dma_start3A_465 = arith.constant 13 : i32
      %dma_start3A_466 = arith.constant 1625 : i32
      %dma_start3A_467 = arith.constant 0 : i32
      %dma_start3A_468 = tpu.memref_slice %arg8[%dma_start3A_466, %dma_start3A_467] : memref<2000x16xf32, #tpu.memory_space<vmem>> -> memref<125x16xf32, #tpu.memory_space<vmem>>
      %dma_start3A_469 = arith.constant 0 : i32
      %dma_start3A_470 = tpu.memref_slice %arg7[%dma_start3A_465, %dma_start3A_469] : memref<16x125xi32, #tpu.memory_space<vmem>> -> memref<1x125xi32, #tpu.memory_space<vmem>>
      %dma_start3A_471 = tpu.memref_squeeze %dma_start3A_470 : memref<1x125xi32, #tpu.memory_space<vmem>> -> memref<125xi32, #tpu.memory_space<vmem>>
      %dma_start3A_472 = arith.constant 0 : i32
      %dma_start3A_473 = arith.constant 0 : i32
      %dma_start3A_474 = tpu.memref_slice %arg2[%dma_start3A_472, %dma_start3A_473] : memref<100000x16xf32, #tpu.memory_space<hbm>> -> memref<100000x16xf32, #tpu.memory_space<hbm>>
      tpu.enqueue_indirect_dma source(%dma_start3A_474 : memref<100000x16xf32, #tpu.memory_space<hbm>>) target(%dma_start3A_468 : memref<125x16xf32, #tpu.memory_space<vmem>>) offsets(%dma_start3A_471 : memref<125xi32, #tpu.memory_space<vmem>>) semaphore(%arg9 : memref<!tpu.dma_semaphore, #tpu.memory_space<semaphore_mem>>)
      %dma_start3A_475 = arith.constant 14 : i32
      %dma_start3A_476 = arith.constant 1750 : i32
      %dma_start3A_477 = arith.constant 0 : i32
      %dma_start3A_478 = tpu.memref_slice %arg8[%dma_start3A_476, %dma_start3A_477] : memref<2000x16xf32, #tpu.memory_space<vmem>> -> memref<125x16xf32, #tpu.memory_space<vmem>>
      %dma_start3A_479 = arith.constant 0 : i32
      %dma_start3A_480 = tpu.memref_slice %arg7[%dma_start3A_475, %dma_start3A_479] : memref<16x125xi32, #tpu.memory_space<vmem>> -> memref<1x125xi32, #tpu.memory_space<vmem>>
      %dma_start3A_481 = tpu.memref_squeeze %dma_start3A_480 : memref<1x125xi32, #tpu.memory_space<vmem>> -> memref<125xi32, #tpu.memory_space<vmem>>
      %dma_start3A_482 = arith.constant 0 : i32
      %dma_start3A_483 = arith.constant 0 : i32
      %dma_start3A_484 = tpu.memref_slice %arg2[%dma_start3A_482, %dma_start3A_483] : memref<100000x16xf32, #tpu.memory_space<hbm>> -> memref<100000x16xf32, #tpu.memory_space<hbm>>
      tpu.enqueue_indirect_dma source(%dma_start3A_484 : memref<100000x16xf32, #tpu.memory_space<hbm>>) target(%dma_start3A_478 : memref<125x16xf32, #tpu.memory_space<vmem>>) offsets(%dma_start3A_481 : memref<125xi32, #tpu.memory_space<vmem>>) semaphore(%arg9 : memref<!tpu.dma_semaphore, #tpu.memory_space<semaphore_mem>>)
      %dma_start3A_485 = arith.constant 15 : i32
      %dma_start3A_486 = arith.constant 1875 : i32
      %dma_start3A_487 = arith.constant 0 : i32
      %dma_start3A_488 = tpu.memref_slice %arg8[%dma_start3A_486, %dma_start3A_487] : memref<2000x16xf32, #tpu.memory_space<vmem>> -> memref<125x16xf32, #tpu.memory_space<vmem>>
      %dma_start3A_489 = arith.constant 0 : i32
      %dma_start3A_490 = tpu.memref_slice %arg7[%dma_start3A_485, %dma_start3A_489] : memref<16x125xi32, #tpu.memory_space<vmem>> -> memref<1x125xi32, #tpu.memory_space<vmem>>
      %dma_start3A_491 = tpu.memref_squeeze %dma_start3A_490 : memref<1x125xi32, #tpu.memory_space<vmem>> -> memref<125xi32, #tpu.memory_space<vmem>>
      %dma_start3A_492 = arith.constant 0 : i32
      %dma_start3A_493 = arith.constant 0 : i32
      %dma_start3A_494 = tpu.memref_slice %arg2[%dma_start3A_492, %dma_start3A_493] : memref<100000x16xf32, #tpu.memory_space<hbm>> -> memref<100000x16xf32, #tpu.memory_space<hbm>>
      tpu.enqueue_indirect_dma source(%dma_start3A_494 : memref<100000x16xf32, #tpu.memory_space<hbm>>) target(%dma_start3A_488 : memref<125x16xf32, #tpu.memory_space<vmem>>) offsets(%dma_start3A_491 : memref<125xi32, #tpu.memory_space<vmem>>) semaphore(%arg9 : memref<!tpu.dma_semaphore, #tpu.memory_space<semaphore_mem>>)
      %dma_wait3A_495 = arith.constant 0 : i32
      %dma_wait3A_496 = arith.constant 0 : i32
      %dma_wait3A_497 = arith.constant 0 : i32
      %dma_wait3A_498 = tpu.memref_slice %arg8[%dma_wait3A_496, %dma_wait3A_497] : memref<2000x16xf32, #tpu.memory_space<vmem>> -> memref<125x16xf32, #tpu.memory_space<vmem>>
      %dma_wait3A_499 = arith.constant 0 : i32
      %dma_wait3A_500 = tpu.memref_slice %arg7[%dma_wait3A_495, %dma_wait3A_499] : memref<16x125xi32, #tpu.memory_space<vmem>> -> memref<1x125xi32, #tpu.memory_space<vmem>>
      %dma_wait3A_501 = tpu.memref_squeeze %dma_wait3A_500 : memref<1x125xi32, #tpu.memory_space<vmem>> -> memref<125xi32, #tpu.memory_space<vmem>>
      %dma_wait3A_502 = arith.constant 0 : i32
      %dma_wait3A_503 = arith.constant 0 : i32
      %dma_wait3A_504 = tpu.memref_slice %arg2[%dma_wait3A_502, %dma_wait3A_503] : memref<100000x16xf32, #tpu.memory_space<hbm>> -> memref<100000x16xf32, #tpu.memory_space<hbm>>
      tpu.wait_indirect_dma semaphore(%arg9 : memref<!tpu.dma_semaphore, #tpu.memory_space<semaphore_mem>>) src(%dma_wait3A_504 : memref<100000x16xf32, #tpu.memory_space<hbm>>) dst(%dma_wait3A_498 : memref<125x16xf32, #tpu.memory_space<vmem>>)
      %dma_wait3A_505 = arith.constant 1 : i32
      %dma_wait3A_506 = arith.constant 125 : i32
      %dma_wait3A_507 = arith.constant 0 : i32
      %dma_wait3A_508 = tpu.memref_slice %arg8[%dma_wait3A_506, %dma_wait3A_507] : memref<2000x16xf32, #tpu.memory_space<vmem>> -> memref<125x16xf32, #tpu.memory_space<vmem>>
      %dma_wait3A_509 = arith.constant 0 : i32
      %dma_wait3A_510 = tpu.memref_slice %arg7[%dma_wait3A_505, %dma_wait3A_509] : memref<16x125xi32, #tpu.memory_space<vmem>> -> memref<1x125xi32, #tpu.memory_space<vmem>>
      %dma_wait3A_511 = tpu.memref_squeeze %dma_wait3A_510 : memref<1x125xi32, #tpu.memory_space<vmem>> -> memref<125xi32, #tpu.memory_space<vmem>>
      %dma_wait3A_512 = arith.constant 0 : i32
      %dma_wait3A_513 = arith.constant 0 : i32
      %dma_wait3A_514 = tpu.memref_slice %arg2[%dma_wait3A_512, %dma_wait3A_513] : memref<100000x16xf32, #tpu.memory_space<hbm>> -> memref<100000x16xf32, #tpu.memory_space<hbm>>
      tpu.wait_indirect_dma semaphore(%arg9 : memref<!tpu.dma_semaphore, #tpu.memory_space<semaphore_mem>>) src(%dma_wait3A_514 : memref<100000x16xf32, #tpu.memory_space<hbm>>) dst(%dma_wait3A_508 : memref<125x16xf32, #tpu.memory_space<vmem>>)
      %dma_wait3A_515 = arith.constant 2 : i32
      %dma_wait3A_516 = arith.constant 250 : i32
      %dma_wait3A_517 = arith.constant 0 : i32
      %dma_wait3A_518 = tpu.memref_slice %arg8[%dma_wait3A_516, %dma_wait3A_517] : memref<2000x16xf32, #tpu.memory_space<vmem>> -> memref<125x16xf32, #tpu.memory_space<vmem>>
      %dma_wait3A_519 = arith.constant 0 : i32
      %dma_wait3A_520 = tpu.memref_slice %arg7[%dma_wait3A_515, %dma_wait3A_519] : memref<16x125xi32, #tpu.memory_space<vmem>> -> memref<1x125xi32, #tpu.memory_space<vmem>>
      %dma_wait3A_521 = tpu.memref_squeeze %dma_wait3A_520 : memref<1x125xi32, #tpu.memory_space<vmem>> -> memref<125xi32, #tpu.memory_space<vmem>>
      %dma_wait3A_522 = arith.constant 0 : i32
      %dma_wait3A_523 = arith.constant 0 : i32
      %dma_wait3A_524 = tpu.memref_slice %arg2[%dma_wait3A_522, %dma_wait3A_523] : memref<100000x16xf32, #tpu.memory_space<hbm>> -> memref<100000x16xf32, #tpu.memory_space<hbm>>
      tpu.wait_indirect_dma semaphore(%arg9 : memref<!tpu.dma_semaphore, #tpu.memory_space<semaphore_mem>>) src(%dma_wait3A_524 : memref<100000x16xf32, #tpu.memory_space<hbm>>) dst(%dma_wait3A_518 : memref<125x16xf32, #tpu.memory_space<vmem>>)
      %dma_wait3A_525 = arith.constant 3 : i32
      %dma_wait3A_526 = arith.constant 375 : i32
      %dma_wait3A_527 = arith.constant 0 : i32
      %dma_wait3A_528 = tpu.memref_slice %arg8[%dma_wait3A_526, %dma_wait3A_527] : memref<2000x16xf32, #tpu.memory_space<vmem>> -> memref<125x16xf32, #tpu.memory_space<vmem>>
      %dma_wait3A_529 = arith.constant 0 : i32
      %dma_wait3A_530 = tpu.memref_slice %arg7[%dma_wait3A_525, %dma_wait3A_529] : memref<16x125xi32, #tpu.memory_space<vmem>> -> memref<1x125xi32, #tpu.memory_space<vmem>>
      %dma_wait3A_531 = tpu.memref_squeeze %dma_wait3A_530 : memref<1x125xi32, #tpu.memory_space<vmem>> -> memref<125xi32, #tpu.memory_space<vmem>>
      %dma_wait3A_532 = arith.constant 0 : i32
      %dma_wait3A_533 = arith.constant 0 : i32
      %dma_wait3A_534 = tpu.memref_slice %arg2[%dma_wait3A_532, %dma_wait3A_533] : memref<100000x16xf32, #tpu.memory_space<hbm>> -> memref<100000x16xf32, #tpu.memory_space<hbm>>
      tpu.wait_indirect_dma semaphore(%arg9 : memref<!tpu.dma_semaphore, #tpu.memory_space<semaphore_mem>>) src(%dma_wait3A_534 : memref<100000x16xf32, #tpu.memory_space<hbm>>) dst(%dma_wait3A_528 : memref<125x16xf32, #tpu.memory_space<vmem>>)
      %dma_wait3A_535 = arith.constant 4 : i32
      %dma_wait3A_536 = arith.constant 500 : i32
      %dma_wait3A_537 = arith.constant 0 : i32
      %dma_wait3A_538 = tpu.memref_slice %arg8[%dma_wait3A_536, %dma_wait3A_537] : memref<2000x16xf32, #tpu.memory_space<vmem>> -> memref<125x16xf32, #tpu.memory_space<vmem>>
      %dma_wait3A_539 = arith.constant 0 : i32
      %dma_wait3A_540 = tpu.memref_slice %arg7[%dma_wait3A_535, %dma_wait3A_539] : memref<16x125xi32, #tpu.memory_space<vmem>> -> memref<1x125xi32, #tpu.memory_space<vmem>>
      %dma_wait3A_541 = tpu.memref_squeeze %dma_wait3A_540 : memref<1x125xi32, #tpu.memory_space<vmem>> -> memref<125xi32, #tpu.memory_space<vmem>>
      %dma_wait3A_542 = arith.constant 0 : i32
      %dma_wait3A_543 = arith.constant 0 : i32
      %dma_wait3A_544 = tpu.memref_slice %arg2[%dma_wait3A_542, %dma_wait3A_543] : memref<100000x16xf32, #tpu.memory_space<hbm>> -> memref<100000x16xf32, #tpu.memory_space<hbm>>
      tpu.wait_indirect_dma semaphore(%arg9 : memref<!tpu.dma_semaphore, #tpu.memory_space<semaphore_mem>>) src(%dma_wait3A_544 : memref<100000x16xf32, #tpu.memory_space<hbm>>) dst(%dma_wait3A_538 : memref<125x16xf32, #tpu.memory_space<vmem>>)
      %dma_wait3A_545 = arith.constant 5 : i32
      %dma_wait3A_546 = arith.constant 625 : i32
      %dma_wait3A_547 = arith.constant 0 : i32
      %dma_wait3A_548 = tpu.memref_slice %arg8[%dma_wait3A_546, %dma_wait3A_547] : memref<2000x16xf32, #tpu.memory_space<vmem>> -> memref<125x16xf32, #tpu.memory_space<vmem>>
      %dma_wait3A_549 = arith.constant 0 : i32
      %dma_wait3A_550 = tpu.memref_slice %arg7[%dma_wait3A_545, %dma_wait3A_549] : memref<16x125xi32, #tpu.memory_space<vmem>> -> memref<1x125xi32, #tpu.memory_space<vmem>>
      %dma_wait3A_551 = tpu.memref_squeeze %dma_wait3A_550 : memref<1x125xi32, #tpu.memory_space<vmem>> -> memref<125xi32, #tpu.memory_space<vmem>>
      %dma_wait3A_552 = arith.constant 0 : i32
      %dma_wait3A_553 = arith.constant 0 : i32
      %dma_wait3A_554 = tpu.memref_slice %arg2[%dma_wait3A_552, %dma_wait3A_553] : memref<100000x16xf32, #tpu.memory_space<hbm>> -> memref<100000x16xf32, #tpu.memory_space<hbm>>
      tpu.wait_indirect_dma semaphore(%arg9 : memref<!tpu.dma_semaphore, #tpu.memory_space<semaphore_mem>>) src(%dma_wait3A_554 : memref<100000x16xf32, #tpu.memory_space<hbm>>) dst(%dma_wait3A_548 : memref<125x16xf32, #tpu.memory_space<vmem>>)
      %dma_wait3A_555 = arith.constant 6 : i32
      %dma_wait3A_556 = arith.constant 750 : i32
      %dma_wait3A_557 = arith.constant 0 : i32
      %dma_wait3A_558 = tpu.memref_slice %arg8[%dma_wait3A_556, %dma_wait3A_557] : memref<2000x16xf32, #tpu.memory_space<vmem>> -> memref<125x16xf32, #tpu.memory_space<vmem>>
      %dma_wait3A_559 = arith.constant 0 : i32
      %dma_wait3A_560 = tpu.memref_slice %arg7[%dma_wait3A_555, %dma_wait3A_559] : memref<16x125xi32, #tpu.memory_space<vmem>> -> memref<1x125xi32, #tpu.memory_space<vmem>>
      %dma_wait3A_561 = tpu.memref_squeeze %dma_wait3A_560 : memref<1x125xi32, #tpu.memory_space<vmem>> -> memref<125xi32, #tpu.memory_space<vmem>>
      %dma_wait3A_562 = arith.constant 0 : i32
      %dma_wait3A_563 = arith.constant 0 : i32
      %dma_wait3A_564 = tpu.memref_slice %arg2[%dma_wait3A_562, %dma_wait3A_563] : memref<100000x16xf32, #tpu.memory_space<hbm>> -> memref<100000x16xf32, #tpu.memory_space<hbm>>
      tpu.wait_indirect_dma semaphore(%arg9 : memref<!tpu.dma_semaphore, #tpu.memory_space<semaphore_mem>>) src(%dma_wait3A_564 : memref<100000x16xf32, #tpu.memory_space<hbm>>) dst(%dma_wait3A_558 : memref<125x16xf32, #tpu.memory_space<vmem>>)
      %dma_wait3A_565 = arith.constant 7 : i32
      %dma_wait3A_566 = arith.constant 875 : i32
      %dma_wait3A_567 = arith.constant 0 : i32
      %dma_wait3A_568 = tpu.memref_slice %arg8[%dma_wait3A_566, %dma_wait3A_567] : memref<2000x16xf32, #tpu.memory_space<vmem>> -> memref<125x16xf32, #tpu.memory_space<vmem>>
      %dma_wait3A_569 = arith.constant 0 : i32
      %dma_wait3A_570 = tpu.memref_slice %arg7[%dma_wait3A_565, %dma_wait3A_569] : memref<16x125xi32, #tpu.memory_space<vmem>> -> memref<1x125xi32, #tpu.memory_space<vmem>>
      %dma_wait3A_571 = tpu.memref_squeeze %dma_wait3A_570 : memref<1x125xi32, #tpu.memory_space<vmem>> -> memref<125xi32, #tpu.memory_space<vmem>>
      %dma_wait3A_572 = arith.constant 0 : i32
      %dma_wait3A_573 = arith.constant 0 : i32
      %dma_wait3A_574 = tpu.memref_slice %arg2[%dma_wait3A_572, %dma_wait3A_573] : memref<100000x16xf32, #tpu.memory_space<hbm>> -> memref<100000x16xf32, #tpu.memory_space<hbm>>
      tpu.wait_indirect_dma semaphore(%arg9 : memref<!tpu.dma_semaphore, #tpu.memory_space<semaphore_mem>>) src(%dma_wait3A_574 : memref<100000x16xf32, #tpu.memory_space<hbm>>) dst(%dma_wait3A_568 : memref<125x16xf32, #tpu.memory_space<vmem>>)
      %dma_wait3A_575 = arith.constant 8 : i32
      %dma_wait3A_576 = arith.constant 1000 : i32
      %dma_wait3A_577 = arith.constant 0 : i32
      %dma_wait3A_578 = tpu.memref_slice %arg8[%dma_wait3A_576, %dma_wait3A_577] : memref<2000x16xf32, #tpu.memory_space<vmem>> -> memref<125x16xf32, #tpu.memory_space<vmem>>
      %dma_wait3A_579 = arith.constant 0 : i32
      %dma_wait3A_580 = tpu.memref_slice %arg7[%dma_wait3A_575, %dma_wait3A_579] : memref<16x125xi32, #tpu.memory_space<vmem>> -> memref<1x125xi32, #tpu.memory_space<vmem>>
      %dma_wait3A_581 = tpu.memref_squeeze %dma_wait3A_580 : memref<1x125xi32, #tpu.memory_space<vmem>> -> memref<125xi32, #tpu.memory_space<vmem>>
      %dma_wait3A_582 = arith.constant 0 : i32
      %dma_wait3A_583 = arith.constant 0 : i32
      %dma_wait3A_584 = tpu.memref_slice %arg2[%dma_wait3A_582, %dma_wait3A_583] : memref<100000x16xf32, #tpu.memory_space<hbm>> -> memref<100000x16xf32, #tpu.memory_space<hbm>>
      tpu.wait_indirect_dma semaphore(%arg9 : memref<!tpu.dma_semaphore, #tpu.memory_space<semaphore_mem>>) src(%dma_wait3A_584 : memref<100000x16xf32, #tpu.memory_space<hbm>>) dst(%dma_wait3A_578 : memref<125x16xf32, #tpu.memory_space<vmem>>)
      %dma_wait3A_585 = arith.constant 9 : i32
      %dma_wait3A_586 = arith.constant 1125 : i32
      %dma_wait3A_587 = arith.constant 0 : i32
      %dma_wait3A_588 = tpu.memref_slice %arg8[%dma_wait3A_586, %dma_wait3A_587] : memref<2000x16xf32, #tpu.memory_space<vmem>> -> memref<125x16xf32, #tpu.memory_space<vmem>>
      %dma_wait3A_589 = arith.constant 0 : i32
      %dma_wait3A_590 = tpu.memref_slice %arg7[%dma_wait3A_585, %dma_wait3A_589] : memref<16x125xi32, #tpu.memory_space<vmem>> -> memref<1x125xi32, #tpu.memory_space<vmem>>
      %dma_wait3A_591 = tpu.memref_squeeze %dma_wait3A_590 : memref<1x125xi32, #tpu.memory_space<vmem>> -> memref<125xi32, #tpu.memory_space<vmem>>
      %dma_wait3A_592 = arith.constant 0 : i32
      %dma_wait3A_593 = arith.constant 0 : i32
      %dma_wait3A_594 = tpu.memref_slice %arg2[%dma_wait3A_592, %dma_wait3A_593] : memref<100000x16xf32, #tpu.memory_space<hbm>> -> memref<100000x16xf32, #tpu.memory_space<hbm>>
      tpu.wait_indirect_dma semaphore(%arg9 : memref<!tpu.dma_semaphore, #tpu.memory_space<semaphore_mem>>) src(%dma_wait3A_594 : memref<100000x16xf32, #tpu.memory_space<hbm>>) dst(%dma_wait3A_588 : memref<125x16xf32, #tpu.memory_space<vmem>>)
      %dma_wait3A_595 = arith.constant 10 : i32
      %dma_wait3A_596 = arith.constant 1250 : i32
      %dma_wait3A_597 = arith.constant 0 : i32
      %dma_wait3A_598 = tpu.memref_slice %arg8[%dma_wait3A_596, %dma_wait3A_597] : memref<2000x16xf32, #tpu.memory_space<vmem>> -> memref<125x16xf32, #tpu.memory_space<vmem>>
      %dma_wait3A_599 = arith.constant 0 : i32
      %dma_wait3A_600 = tpu.memref_slice %arg7[%dma_wait3A_595, %dma_wait3A_599] : memref<16x125xi32, #tpu.memory_space<vmem>> -> memref<1x125xi32, #tpu.memory_space<vmem>>
      %dma_wait3A_601 = tpu.memref_squeeze %dma_wait3A_600 : memref<1x125xi32, #tpu.memory_space<vmem>> -> memref<125xi32, #tpu.memory_space<vmem>>
      %dma_wait3A_602 = arith.constant 0 : i32
      %dma_wait3A_603 = arith.constant 0 : i32
      %dma_wait3A_604 = tpu.memref_slice %arg2[%dma_wait3A_602, %dma_wait3A_603] : memref<100000x16xf32, #tpu.memory_space<hbm>> -> memref<100000x16xf32, #tpu.memory_space<hbm>>
      tpu.wait_indirect_dma semaphore(%arg9 : memref<!tpu.dma_semaphore, #tpu.memory_space<semaphore_mem>>) src(%dma_wait3A_604 : memref<100000x16xf32, #tpu.memory_space<hbm>>) dst(%dma_wait3A_598 : memref<125x16xf32, #tpu.memory_space<vmem>>)
      %dma_wait3A_605 = arith.constant 11 : i32
      %dma_wait3A_606 = arith.constant 1375 : i32
      %dma_wait3A_607 = arith.constant 0 : i32
      %dma_wait3A_608 = tpu.memref_slice %arg8[%dma_wait3A_606, %dma_wait3A_607] : memref<2000x16xf32, #tpu.memory_space<vmem>> -> memref<125x16xf32, #tpu.memory_space<vmem>>
      %dma_wait3A_609 = arith.constant 0 : i32
      %dma_wait3A_610 = tpu.memref_slice %arg7[%dma_wait3A_605, %dma_wait3A_609] : memref<16x125xi32, #tpu.memory_space<vmem>> -> memref<1x125xi32, #tpu.memory_space<vmem>>
      %dma_wait3A_611 = tpu.memref_squeeze %dma_wait3A_610 : memref<1x125xi32, #tpu.memory_space<vmem>> -> memref<125xi32, #tpu.memory_space<vmem>>
      %dma_wait3A_612 = arith.constant 0 : i32
      %dma_wait3A_613 = arith.constant 0 : i32
      %dma_wait3A_614 = tpu.memref_slice %arg2[%dma_wait3A_612, %dma_wait3A_613] : memref<100000x16xf32, #tpu.memory_space<hbm>> -> memref<100000x16xf32, #tpu.memory_space<hbm>>
      tpu.wait_indirect_dma semaphore(%arg9 : memref<!tpu.dma_semaphore, #tpu.memory_space<semaphore_mem>>) src(%dma_wait3A_614 : memref<100000x16xf32, #tpu.memory_space<hbm>>) dst(%dma_wait3A_608 : memref<125x16xf32, #tpu.memory_space<vmem>>)
      %dma_wait3A_615 = arith.constant 12 : i32
      %dma_wait3A_616 = arith.constant 1500 : i32
      %dma_wait3A_617 = arith.constant 0 : i32
      %dma_wait3A_618 = tpu.memref_slice %arg8[%dma_wait3A_616, %dma_wait3A_617] : memref<2000x16xf32, #tpu.memory_space<vmem>> -> memref<125x16xf32, #tpu.memory_space<vmem>>
      %dma_wait3A_619 = arith.constant 0 : i32
      %dma_wait3A_620 = tpu.memref_slice %arg7[%dma_wait3A_615, %dma_wait3A_619] : memref<16x125xi32, #tpu.memory_space<vmem>> -> memref<1x125xi32, #tpu.memory_space<vmem>>
      %dma_wait3A_621 = tpu.memref_squeeze %dma_wait3A_620 : memref<1x125xi32, #tpu.memory_space<vmem>> -> memref<125xi32, #tpu.memory_space<vmem>>
      %dma_wait3A_622 = arith.constant 0 : i32
      %dma_wait3A_623 = arith.constant 0 : i32
      %dma_wait3A_624 = tpu.memref_slice %arg2[%dma_wait3A_622, %dma_wait3A_623] : memref<100000x16xf32, #tpu.memory_space<hbm>> -> memref<100000x16xf32, #tpu.memory_space<hbm>>
      tpu.wait_indirect_dma semaphore(%arg9 : memref<!tpu.dma_semaphore, #tpu.memory_space<semaphore_mem>>) src(%dma_wait3A_624 : memref<100000x16xf32, #tpu.memory_space<hbm>>) dst(%dma_wait3A_618 : memref<125x16xf32, #tpu.memory_space<vmem>>)
      %dma_wait3A_625 = arith.constant 13 : i32
      %dma_wait3A_626 = arith.constant 1625 : i32
      %dma_wait3A_627 = arith.constant 0 : i32
      %dma_wait3A_628 = tpu.memref_slice %arg8[%dma_wait3A_626, %dma_wait3A_627] : memref<2000x16xf32, #tpu.memory_space<vmem>> -> memref<125x16xf32, #tpu.memory_space<vmem>>
      %dma_wait3A_629 = arith.constant 0 : i32
      %dma_wait3A_630 = tpu.memref_slice %arg7[%dma_wait3A_625, %dma_wait3A_629] : memref<16x125xi32, #tpu.memory_space<vmem>> -> memref<1x125xi32, #tpu.memory_space<vmem>>
      %dma_wait3A_631 = tpu.memref_squeeze %dma_wait3A_630 : memref<1x125xi32, #tpu.memory_space<vmem>> -> memref<125xi32, #tpu.memory_space<vmem>>
      %dma_wait3A_632 = arith.constant 0 : i32
      %dma_wait3A_633 = arith.constant 0 : i32
      %dma_wait3A_634 = tpu.memref_slice %arg2[%dma_wait3A_632, %dma_wait3A_633] : memref<100000x16xf32, #tpu.memory_space<hbm>> -> memref<100000x16xf32, #tpu.memory_space<hbm>>
      tpu.wait_indirect_dma semaphore(%arg9 : memref<!tpu.dma_semaphore, #tpu.memory_space<semaphore_mem>>) src(%dma_wait3A_634 : memref<100000x16xf32, #tpu.memory_space<hbm>>) dst(%dma_wait3A_628 : memref<125x16xf32, #tpu.memory_space<vmem>>)
      %dma_wait3A_635 = arith.constant 14 : i32
      %dma_wait3A_636 = arith.constant 1750 : i32
      %dma_wait3A_637 = arith.constant 0 : i32
      %dma_wait3A_638 = tpu.memref_slice %arg8[%dma_wait3A_636, %dma_wait3A_637] : memref<2000x16xf32, #tpu.memory_space<vmem>> -> memref<125x16xf32, #tpu.memory_space<vmem>>
      %dma_wait3A_639 = arith.constant 0 : i32
      %dma_wait3A_640 = tpu.memref_slice %arg7[%dma_wait3A_635, %dma_wait3A_639] : memref<16x125xi32, #tpu.memory_space<vmem>> -> memref<1x125xi32, #tpu.memory_space<vmem>>
      %dma_wait3A_641 = tpu.memref_squeeze %dma_wait3A_640 : memref<1x125xi32, #tpu.memory_space<vmem>> -> memref<125xi32, #tpu.memory_space<vmem>>
      %dma_wait3A_642 = arith.constant 0 : i32
      %dma_wait3A_643 = arith.constant 0 : i32
      %dma_wait3A_644 = tpu.memref_slice %arg2[%dma_wait3A_642, %dma_wait3A_643] : memref<100000x16xf32, #tpu.memory_space<hbm>> -> memref<100000x16xf32, #tpu.memory_space<hbm>>
      tpu.wait_indirect_dma semaphore(%arg9 : memref<!tpu.dma_semaphore, #tpu.memory_space<semaphore_mem>>) src(%dma_wait3A_644 : memref<100000x16xf32, #tpu.memory_space<hbm>>) dst(%dma_wait3A_638 : memref<125x16xf32, #tpu.memory_space<vmem>>)
      %dma_wait3A_645 = arith.constant 15 : i32
      %dma_wait3A_646 = arith.constant 1875 : i32
      %dma_wait3A_647 = arith.constant 0 : i32
      %dma_wait3A_648 = tpu.memref_slice %arg8[%dma_wait3A_646, %dma_wait3A_647] : memref<2000x16xf32, #tpu.memory_space<vmem>> -> memref<125x16xf32, #tpu.memory_space<vmem>>
      %dma_wait3A_649 = arith.constant 0 : i32
      %dma_wait3A_650 = tpu.memref_slice %arg7[%dma_wait3A_645, %dma_wait3A_649] : memref<16x125xi32, #tpu.memory_space<vmem>> -> memref<1x125xi32, #tpu.memory_space<vmem>>
      %dma_wait3A_651 = tpu.memref_squeeze %dma_wait3A_650 : memref<1x125xi32, #tpu.memory_space<vmem>> -> memref<125xi32, #tpu.memory_space<vmem>>
      %dma_wait3A_652 = arith.constant 0 : i32
      %dma_wait3A_653 = arith.constant 0 : i32
      %dma_wait3A_654 = tpu.memref_slice %arg2[%dma_wait3A_652, %dma_wait3A_653] : memref<100000x16xf32, #tpu.memory_space<hbm>> -> memref<100000x16xf32, #tpu.memory_space<hbm>>
      tpu.wait_indirect_dma semaphore(%arg9 : memref<!tpu.dma_semaphore, #tpu.memory_space<semaphore_mem>>) src(%dma_wait3A_654 : memref<100000x16xf32, #tpu.memory_space<hbm>>) dst(%dma_wait3A_648 : memref<125x16xf32, #tpu.memory_space<vmem>>)
      "tpu.region"() ({
        %run_scoped3A = tpu.sem_alloc : memref<!tpu.dma_semaphore, #tpu.memory_space<semaphore_mem>>
        %dma_start3A_655 = arith.constant 0 : i32
        %dma_start3A_656 = tpu.memref_slice %arg6[%add3A_16, %dma_start3A_655] : memref<1600000x16xf32, #tpu.memory_space<hbm>> -> memref<2000x16xf32, #tpu.memory_space<hbm>>
        %dma_start3A_657 = arith.constant 0 : i32
        %dma_start3A_658 = tpu.memref_slice %arg6[%add3A_16, %dma_start3A_657] : memref<1600000x16xf32, #tpu.memory_space<hbm>> -> memref<2000x16xf32, #tpu.memory_space<hbm>>
        tpu.enqueue_dma source(%arg8 : memref<2000x16xf32, #tpu.memory_space<vmem>>) target(%dma_start3A_658 : memref<2000x16xf32, #tpu.memory_space<hbm>>) target_semaphore(%run_scoped3A : memref<!tpu.dma_semaphore, #tpu.memory_space<semaphore_mem>>)
        %dma_wait3A_659 = arith.constant 0 : i32
        %dma_wait3A_660 = tpu.memref_slice %arg6[%add3A_16, %dma_wait3A_659] : memref<1600000x16xf32, #tpu.memory_space<hbm>> -> memref<2000x16xf32, #tpu.memory_space<hbm>>
        %dma_wait3A_661 = arith.constant 0 : i32
        %dma_wait3A_662 = tpu.memref_slice %arg6[%add3A_16, %dma_wait3A_661] : memref<1600000x16xf32, #tpu.memory_space<hbm>> -> memref<2000x16xf32, #tpu.memory_space<hbm>>
        tpu.wait_dma2 semaphore(%run_scoped3A : memref<!tpu.dma_semaphore, #tpu.memory_space<semaphore_mem>>) src(%arg8 : memref<2000x16xf32, #tpu.memory_space<vmem>>) dst(%dma_wait3A_662 : memref<2000x16xf32, #tpu.memory_space<hbm>>)
        tpu.yield
      }) : () -> ()
    }
    %scan3A_7 = arith.constant 25 : i32
    return
  }
}

#map = affine_map<(d0, d1) -> (0, 0)>
module attributes {stable_mosaic.version = 14 : i64} {
  func.func @_scatter_body(%arg0: i32, %arg1: i32, %arg2: memref<1600000x16xf32, #tpu.memory_space<hbm>>, %arg3: memref<12800x125xi32, #tpu.memory_space<hbm>>, %arg4: memref<6272x16xf32, #tpu.memory_space<hbm>>, %arg5: memref<100352x16xf32, #tpu.memory_space<hbm>>, %arg6: memref<100352x16xf32, #tpu.memory_space<hbm>>, %arg7: memref<100352x16xf32, #tpu.memory_space<vmem_shared>>, %arg8: memref<10x125xi32, #tpu.memory_space<vmem>>, %arg9: memref<1250x16xf32, #tpu.memory_space<vmem>>, %arg10: memref<!tpu.dma_semaphore, #tpu.memory_space<semaphore_mem>>) attributes {dimension_semantics = [#tpu.dimension_semantics<core_parallel>, #tpu.dimension_semantics<subcore_parallel>], iteration_bounds = array<i64: 2, 16>, scalar_prefetch = 0 : i64, scratch_operands = 4 : i64, tpu.core_type = #tpu.core_type<sc_vector_subcore>, window_params = [{transform_indices = #map}, {transform_indices = #map}, {transform_indices = #map}, {transform_indices = #map}, {transform_indices = #map}]} {
    %mul3A = arith.constant 16 : i32
    %mul3A_0 = arith.muli %arg0, %mul3A : i32
    %add3A = arith.addi %mul3A_0, %arg1 : i32
    %mul3A_1 = arith.constant 400 : i32
    %mul3A_2 = arith.muli %add3A, %mul3A_1 : i32
    %mul3A_3 = arith.constant 6272 : i32
    %mul3A_4 = arith.muli %arg1, %mul3A_3 : i32
    "tpu.region"() ({
      %run_scoped3A = tpu.sem_alloc : memref<!tpu.dma_semaphore, #tpu.memory_space<semaphore_mem>>
      %dma_start3A = arith.constant 0 : i32
      %dma_start3A_18 = tpu.memref_slice %arg7[%mul3A_4, %dma_start3A] : memref<100352x16xf32, #tpu.memory_space<vmem_shared>> -> memref<6272x16xf32, #tpu.memory_space<vmem_shared>>
      tpu.enqueue_dma source(%arg4 : memref<6272x16xf32, #tpu.memory_space<hbm>>) target(%dma_start3A_18 : memref<6272x16xf32, #tpu.memory_space<vmem_shared>>) target_semaphore(%run_scoped3A : memref<!tpu.dma_semaphore, #tpu.memory_space<semaphore_mem>>)
      %dma_wait3A = arith.constant 0 : i32
      %dma_wait3A_19 = tpu.memref_slice %arg7[%mul3A_4, %dma_wait3A] : memref<100352x16xf32, #tpu.memory_space<vmem_shared>> -> memref<6272x16xf32, #tpu.memory_space<vmem_shared>>
      tpu.wait_dma2 semaphore(%run_scoped3A : memref<!tpu.dma_semaphore, #tpu.memory_space<semaphore_mem>>) src(%arg4 : memref<6272x16xf32, #tpu.memory_space<hbm>>) dst(%dma_wait3A_19 : memref<6272x16xf32, #tpu.memory_space<vmem_shared>>)
      tpu.yield
    }) : () -> ()
    %barrier3A = arith.constant 0 : index
    tpu.barrier barrier_id(%barrier3A)
    %scan3A = arith.constant 0 : i32
    %scan3A_5 = arith.constant 0 : i32
    %scan3A_6 = arith.constant 40 : i32
    %scan3A_7 = arith.addi %scan3A_5, %scan3A_6 : i32
    %scan3A_8 = arith.constant 1 : i32
    scf.for %scan3A_18 = %scan3A_5 to %scan3A_7 step %scan3A_8  : i32 {
      %mul3A_19 = arith.constant 10 : i32
      %mul3A_20 = arith.muli %scan3A_18, %mul3A_19 : i32
      %add3A_21 = arith.addi %mul3A_2, %mul3A_20 : i32
      %mul3A_22 = arith.constant 50000 : i32
      %mul3A_23 = arith.muli %add3A, %mul3A_22 : i32
      %mul3A_24 = arith.constant 1250 : i32
      %mul3A_25 = arith.muli %scan3A_18, %mul3A_24 : i32
      %add3A_26 = arith.addi %mul3A_23, %mul3A_25 : i32
      "tpu.region"() ({
        %run_scoped3A = tpu.sem_alloc : memref<!tpu.dma_semaphore, #tpu.memory_space<semaphore_mem>>
        %dma_start3A_225 = arith.constant 0 : i32
        %dma_start3A_226 = tpu.memref_slice %arg3[%add3A_21, %dma_start3A_225] : memref<12800x125xi32, #tpu.memory_space<hbm>> -> memref<10x125xi32, #tpu.memory_space<hbm>>
        %dma_start3A_227 = arith.constant 0 : i32
        %dma_start3A_228 = tpu.memref_slice %arg3[%add3A_21, %dma_start3A_227] : memref<12800x125xi32, #tpu.memory_space<hbm>> -> memref<10x125xi32, #tpu.memory_space<hbm>>
        tpu.enqueue_dma source(%dma_start3A_228 : memref<10x125xi32, #tpu.memory_space<hbm>>) target(%arg8 : memref<10x125xi32, #tpu.memory_space<vmem>>) target_semaphore(%run_scoped3A : memref<!tpu.dma_semaphore, #tpu.memory_space<semaphore_mem>>)
        %dma_wait3A_229 = arith.constant 0 : i32
        %dma_wait3A_230 = tpu.memref_slice %arg3[%add3A_21, %dma_wait3A_229] : memref<12800x125xi32, #tpu.memory_space<hbm>> -> memref<10x125xi32, #tpu.memory_space<hbm>>
        %dma_wait3A_231 = arith.constant 0 : i32
        %dma_wait3A_232 = tpu.memref_slice %arg3[%add3A_21, %dma_wait3A_231] : memref<12800x125xi32, #tpu.memory_space<hbm>> -> memref<10x125xi32, #tpu.memory_space<hbm>>
        tpu.wait_dma2 semaphore(%run_scoped3A : memref<!tpu.dma_semaphore, #tpu.memory_space<semaphore_mem>>) src(%dma_wait3A_232 : memref<10x125xi32, #tpu.memory_space<hbm>>) dst(%arg8 : memref<10x125xi32, #tpu.memory_space<vmem>>)
        tpu.yield
      }) : () -> ()
      "tpu.region"() ({
        %run_scoped3A = tpu.sem_alloc : memref<!tpu.dma_semaphore, #tpu.memory_space<semaphore_mem>>
        %dma_start3A_225 = arith.constant 0 : i32
        %dma_start3A_226 = tpu.memref_slice %arg2[%add3A_26, %dma_start3A_225] : memref<1600000x16xf32, #tpu.memory_space<hbm>> -> memref<1250x16xf32, #tpu.memory_space<hbm>>
        %dma_start3A_227 = arith.constant 0 : i32
        %dma_start3A_228 = tpu.memref_slice %arg2[%add3A_26, %dma_start3A_227] : memref<1600000x16xf32, #tpu.memory_space<hbm>> -> memref<1250x16xf32, #tpu.memory_space<hbm>>
        tpu.enqueue_dma source(%dma_start3A_228 : memref<1250x16xf32, #tpu.memory_space<hbm>>) target(%arg9 : memref<1250x16xf32, #tpu.memory_space<vmem>>) target_semaphore(%run_scoped3A : memref<!tpu.dma_semaphore, #tpu.memory_space<semaphore_mem>>)
        %dma_wait3A_229 = arith.constant 0 : i32
        %dma_wait3A_230 = tpu.memref_slice %arg2[%add3A_26, %dma_wait3A_229] : memref<1600000x16xf32, #tpu.memory_space<hbm>> -> memref<1250x16xf32, #tpu.memory_space<hbm>>
        %dma_wait3A_231 = arith.constant 0 : i32
        %dma_wait3A_232 = tpu.memref_slice %arg2[%add3A_26, %dma_wait3A_231] : memref<1600000x16xf32, #tpu.memory_space<hbm>> -> memref<1250x16xf32, #tpu.memory_space<hbm>>
        tpu.wait_dma2 semaphore(%run_scoped3A : memref<!tpu.dma_semaphore, #tpu.memory_space<semaphore_mem>>) src(%dma_wait3A_232 : memref<1250x16xf32, #tpu.memory_space<hbm>>) dst(%arg9 : memref<1250x16xf32, #tpu.memory_space<vmem>>)
        tpu.yield
      }) : () -> ()
      %dma_start3A = arith.constant 0 : i32
      %dma_start3A_27 = arith.constant 0 : i32
      %dma_start3A_28 = arith.constant 0 : i32
      %dma_start3A_29 = tpu.memref_slice %arg9[%dma_start3A_27, %dma_start3A_28] : memref<1250x16xf32, #tpu.memory_space<vmem>> -> memref<125x16xf32, #tpu.memory_space<vmem>>
      %dma_start3A_30 = arith.constant 0 : i32
      %dma_start3A_31 = tpu.memref_slice %arg8[%dma_start3A, %dma_start3A_30] : memref<10x125xi32, #tpu.memory_space<vmem>> -> memref<1x125xi32, #tpu.memory_space<vmem>>
      %dma_start3A_32 = tpu.memref_squeeze %dma_start3A_31 : memref<1x125xi32, #tpu.memory_space<vmem>> -> memref<125xi32, #tpu.memory_space<vmem>>
      %dma_start3A_33 = arith.constant 0 : i32
      %dma_start3A_34 = arith.constant 0 : i32
      %dma_start3A_35 = tpu.memref_slice %arg7[%dma_start3A_33, %dma_start3A_34] : memref<100352x16xf32, #tpu.memory_space<vmem_shared>> -> memref<100352x16xf32, #tpu.memory_space<vmem_shared>>
      tpu.enqueue_indirect_dma source(%dma_start3A_29 : memref<125x16xf32, #tpu.memory_space<vmem>>) target(%dma_start3A_35 : memref<100352x16xf32, #tpu.memory_space<vmem_shared>>) offsets(%dma_start3A_32 : memref<125xi32, #tpu.memory_space<vmem>>) semaphore(%arg10 : memref<!tpu.dma_semaphore, #tpu.memory_space<semaphore_mem>>) {add = true}
      %dma_start3A_36 = arith.constant 1 : i32
      %dma_start3A_37 = arith.constant 125 : i32
      %dma_start3A_38 = arith.constant 0 : i32
      %dma_start3A_39 = tpu.memref_slice %arg9[%dma_start3A_37, %dma_start3A_38] : memref<1250x16xf32, #tpu.memory_space<vmem>> -> memref<125x16xf32, #tpu.memory_space<vmem>>
      %dma_start3A_40 = arith.constant 0 : i32
      %dma_start3A_41 = tpu.memref_slice %arg8[%dma_start3A_36, %dma_start3A_40] : memref<10x125xi32, #tpu.memory_space<vmem>> -> memref<1x125xi32, #tpu.memory_space<vmem>>
      %dma_start3A_42 = tpu.memref_squeeze %dma_start3A_41 : memref<1x125xi32, #tpu.memory_space<vmem>> -> memref<125xi32, #tpu.memory_space<vmem>>
      %dma_start3A_43 = arith.constant 0 : i32
      %dma_start3A_44 = arith.constant 0 : i32
      %dma_start3A_45 = tpu.memref_slice %arg7[%dma_start3A_43, %dma_start3A_44] : memref<100352x16xf32, #tpu.memory_space<vmem_shared>> -> memref<100352x16xf32, #tpu.memory_space<vmem_shared>>
      tpu.enqueue_indirect_dma source(%dma_start3A_39 : memref<125x16xf32, #tpu.memory_space<vmem>>) target(%dma_start3A_45 : memref<100352x16xf32, #tpu.memory_space<vmem_shared>>) offsets(%dma_start3A_42 : memref<125xi32, #tpu.memory_space<vmem>>) semaphore(%arg10 : memref<!tpu.dma_semaphore, #tpu.memory_space<semaphore_mem>>) {add = true}
      %dma_start3A_46 = arith.constant 2 : i32
      %dma_start3A_47 = arith.constant 250 : i32
      %dma_start3A_48 = arith.constant 0 : i32
      %dma_start3A_49 = tpu.memref_slice %arg9[%dma_start3A_47, %dma_start3A_48] : memref<1250x16xf32, #tpu.memory_space<vmem>> -> memref<125x16xf32, #tpu.memory_space<vmem>>
      %dma_start3A_50 = arith.constant 0 : i32
      %dma_start3A_51 = tpu.memref_slice %arg8[%dma_start3A_46, %dma_start3A_50] : memref<10x125xi32, #tpu.memory_space<vmem>> -> memref<1x125xi32, #tpu.memory_space<vmem>>
      %dma_start3A_52 = tpu.memref_squeeze %dma_start3A_51 : memref<1x125xi32, #tpu.memory_space<vmem>> -> memref<125xi32, #tpu.memory_space<vmem>>
      %dma_start3A_53 = arith.constant 0 : i32
      %dma_start3A_54 = arith.constant 0 : i32
      %dma_start3A_55 = tpu.memref_slice %arg7[%dma_start3A_53, %dma_start3A_54] : memref<100352x16xf32, #tpu.memory_space<vmem_shared>> -> memref<100352x16xf32, #tpu.memory_space<vmem_shared>>
      tpu.enqueue_indirect_dma source(%dma_start3A_49 : memref<125x16xf32, #tpu.memory_space<vmem>>) target(%dma_start3A_55 : memref<100352x16xf32, #tpu.memory_space<vmem_shared>>) offsets(%dma_start3A_52 : memref<125xi32, #tpu.memory_space<vmem>>) semaphore(%arg10 : memref<!tpu.dma_semaphore, #tpu.memory_space<semaphore_mem>>) {add = true}
      %dma_start3A_56 = arith.constant 3 : i32
      %dma_start3A_57 = arith.constant 375 : i32
      %dma_start3A_58 = arith.constant 0 : i32
      %dma_start3A_59 = tpu.memref_slice %arg9[%dma_start3A_57, %dma_start3A_58] : memref<1250x16xf32, #tpu.memory_space<vmem>> -> memref<125x16xf32, #tpu.memory_space<vmem>>
      %dma_start3A_60 = arith.constant 0 : i32
      %dma_start3A_61 = tpu.memref_slice %arg8[%dma_start3A_56, %dma_start3A_60] : memref<10x125xi32, #tpu.memory_space<vmem>> -> memref<1x125xi32, #tpu.memory_space<vmem>>
      %dma_start3A_62 = tpu.memref_squeeze %dma_start3A_61 : memref<1x125xi32, #tpu.memory_space<vmem>> -> memref<125xi32, #tpu.memory_space<vmem>>
      %dma_start3A_63 = arith.constant 0 : i32
      %dma_start3A_64 = arith.constant 0 : i32
      %dma_start3A_65 = tpu.memref_slice %arg7[%dma_start3A_63, %dma_start3A_64] : memref<100352x16xf32, #tpu.memory_space<vmem_shared>> -> memref<100352x16xf32, #tpu.memory_space<vmem_shared>>
      tpu.enqueue_indirect_dma source(%dma_start3A_59 : memref<125x16xf32, #tpu.memory_space<vmem>>) target(%dma_start3A_65 : memref<100352x16xf32, #tpu.memory_space<vmem_shared>>) offsets(%dma_start3A_62 : memref<125xi32, #tpu.memory_space<vmem>>) semaphore(%arg10 : memref<!tpu.dma_semaphore, #tpu.memory_space<semaphore_mem>>) {add = true}
      %dma_start3A_66 = arith.constant 4 : i32
      %dma_start3A_67 = arith.constant 500 : i32
      %dma_start3A_68 = arith.constant 0 : i32
      %dma_start3A_69 = tpu.memref_slice %arg9[%dma_start3A_67, %dma_start3A_68] : memref<1250x16xf32, #tpu.memory_space<vmem>> -> memref<125x16xf32, #tpu.memory_space<vmem>>
      %dma_start3A_70 = arith.constant 0 : i32
      %dma_start3A_71 = tpu.memref_slice %arg8[%dma_start3A_66, %dma_start3A_70] : memref<10x125xi32, #tpu.memory_space<vmem>> -> memref<1x125xi32, #tpu.memory_space<vmem>>
      %dma_start3A_72 = tpu.memref_squeeze %dma_start3A_71 : memref<1x125xi32, #tpu.memory_space<vmem>> -> memref<125xi32, #tpu.memory_space<vmem>>
      %dma_start3A_73 = arith.constant 0 : i32
      %dma_start3A_74 = arith.constant 0 : i32
      %dma_start3A_75 = tpu.memref_slice %arg7[%dma_start3A_73, %dma_start3A_74] : memref<100352x16xf32, #tpu.memory_space<vmem_shared>> -> memref<100352x16xf32, #tpu.memory_space<vmem_shared>>
      tpu.enqueue_indirect_dma source(%dma_start3A_69 : memref<125x16xf32, #tpu.memory_space<vmem>>) target(%dma_start3A_75 : memref<100352x16xf32, #tpu.memory_space<vmem_shared>>) offsets(%dma_start3A_72 : memref<125xi32, #tpu.memory_space<vmem>>) semaphore(%arg10 : memref<!tpu.dma_semaphore, #tpu.memory_space<semaphore_mem>>) {add = true}
      %dma_start3A_76 = arith.constant 5 : i32
      %dma_start3A_77 = arith.constant 625 : i32
      %dma_start3A_78 = arith.constant 0 : i32
      %dma_start3A_79 = tpu.memref_slice %arg9[%dma_start3A_77, %dma_start3A_78] : memref<1250x16xf32, #tpu.memory_space<vmem>> -> memref<125x16xf32, #tpu.memory_space<vmem>>
      %dma_start3A_80 = arith.constant 0 : i32
      %dma_start3A_81 = tpu.memref_slice %arg8[%dma_start3A_76, %dma_start3A_80] : memref<10x125xi32, #tpu.memory_space<vmem>> -> memref<1x125xi32, #tpu.memory_space<vmem>>
      %dma_start3A_82 = tpu.memref_squeeze %dma_start3A_81 : memref<1x125xi32, #tpu.memory_space<vmem>> -> memref<125xi32, #tpu.memory_space<vmem>>
      %dma_start3A_83 = arith.constant 0 : i32
      %dma_start3A_84 = arith.constant 0 : i32
      %dma_start3A_85 = tpu.memref_slice %arg7[%dma_start3A_83, %dma_start3A_84] : memref<100352x16xf32, #tpu.memory_space<vmem_shared>> -> memref<100352x16xf32, #tpu.memory_space<vmem_shared>>
      tpu.enqueue_indirect_dma source(%dma_start3A_79 : memref<125x16xf32, #tpu.memory_space<vmem>>) target(%dma_start3A_85 : memref<100352x16xf32, #tpu.memory_space<vmem_shared>>) offsets(%dma_start3A_82 : memref<125xi32, #tpu.memory_space<vmem>>) semaphore(%arg10 : memref<!tpu.dma_semaphore, #tpu.memory_space<semaphore_mem>>) {add = true}
      %dma_start3A_86 = arith.constant 6 : i32
      %dma_start3A_87 = arith.constant 750 : i32
      %dma_start3A_88 = arith.constant 0 : i32
      %dma_start3A_89 = tpu.memref_slice %arg9[%dma_start3A_87, %dma_start3A_88] : memref<1250x16xf32, #tpu.memory_space<vmem>> -> memref<125x16xf32, #tpu.memory_space<vmem>>
      %dma_start3A_90 = arith.constant 0 : i32
      %dma_start3A_91 = tpu.memref_slice %arg8[%dma_start3A_86, %dma_start3A_90] : memref<10x125xi32, #tpu.memory_space<vmem>> -> memref<1x125xi32, #tpu.memory_space<vmem>>
      %dma_start3A_92 = tpu.memref_squeeze %dma_start3A_91 : memref<1x125xi32, #tpu.memory_space<vmem>> -> memref<125xi32, #tpu.memory_space<vmem>>
      %dma_start3A_93 = arith.constant 0 : i32
      %dma_start3A_94 = arith.constant 0 : i32
      %dma_start3A_95 = tpu.memref_slice %arg7[%dma_start3A_93, %dma_start3A_94] : memref<100352x16xf32, #tpu.memory_space<vmem_shared>> -> memref<100352x16xf32, #tpu.memory_space<vmem_shared>>
      tpu.enqueue_indirect_dma source(%dma_start3A_89 : memref<125x16xf32, #tpu.memory_space<vmem>>) target(%dma_start3A_95 : memref<100352x16xf32, #tpu.memory_space<vmem_shared>>) offsets(%dma_start3A_92 : memref<125xi32, #tpu.memory_space<vmem>>) semaphore(%arg10 : memref<!tpu.dma_semaphore, #tpu.memory_space<semaphore_mem>>) {add = true}
      %dma_start3A_96 = arith.constant 7 : i32
      %dma_start3A_97 = arith.constant 875 : i32
      %dma_start3A_98 = arith.constant 0 : i32
      %dma_start3A_99 = tpu.memref_slice %arg9[%dma_start3A_97, %dma_start3A_98] : memref<1250x16xf32, #tpu.memory_space<vmem>> -> memref<125x16xf32, #tpu.memory_space<vmem>>
      %dma_start3A_100 = arith.constant 0 : i32
      %dma_start3A_101 = tpu.memref_slice %arg8[%dma_start3A_96, %dma_start3A_100] : memref<10x125xi32, #tpu.memory_space<vmem>> -> memref<1x125xi32, #tpu.memory_space<vmem>>
      %dma_start3A_102 = tpu.memref_squeeze %dma_start3A_101 : memref<1x125xi32, #tpu.memory_space<vmem>> -> memref<125xi32, #tpu.memory_space<vmem>>
      %dma_start3A_103 = arith.constant 0 : i32
      %dma_start3A_104 = arith.constant 0 : i32
      %dma_start3A_105 = tpu.memref_slice %arg7[%dma_start3A_103, %dma_start3A_104] : memref<100352x16xf32, #tpu.memory_space<vmem_shared>> -> memref<100352x16xf32, #tpu.memory_space<vmem_shared>>
      tpu.enqueue_indirect_dma source(%dma_start3A_99 : memref<125x16xf32, #tpu.memory_space<vmem>>) target(%dma_start3A_105 : memref<100352x16xf32, #tpu.memory_space<vmem_shared>>) offsets(%dma_start3A_102 : memref<125xi32, #tpu.memory_space<vmem>>) semaphore(%arg10 : memref<!tpu.dma_semaphore, #tpu.memory_space<semaphore_mem>>) {add = true}
      %dma_start3A_106 = arith.constant 8 : i32
      %dma_start3A_107 = arith.constant 1000 : i32
      %dma_start3A_108 = arith.constant 0 : i32
      %dma_start3A_109 = tpu.memref_slice %arg9[%dma_start3A_107, %dma_start3A_108] : memref<1250x16xf32, #tpu.memory_space<vmem>> -> memref<125x16xf32, #tpu.memory_space<vmem>>
      %dma_start3A_110 = arith.constant 0 : i32
      %dma_start3A_111 = tpu.memref_slice %arg8[%dma_start3A_106, %dma_start3A_110] : memref<10x125xi32, #tpu.memory_space<vmem>> -> memref<1x125xi32, #tpu.memory_space<vmem>>
      %dma_start3A_112 = tpu.memref_squeeze %dma_start3A_111 : memref<1x125xi32, #tpu.memory_space<vmem>> -> memref<125xi32, #tpu.memory_space<vmem>>
      %dma_start3A_113 = arith.constant 0 : i32
      %dma_start3A_114 = arith.constant 0 : i32
      %dma_start3A_115 = tpu.memref_slice %arg7[%dma_start3A_113, %dma_start3A_114] : memref<100352x16xf32, #tpu.memory_space<vmem_shared>> -> memref<100352x16xf32, #tpu.memory_space<vmem_shared>>
      tpu.enqueue_indirect_dma source(%dma_start3A_109 : memref<125x16xf32, #tpu.memory_space<vmem>>) target(%dma_start3A_115 : memref<100352x16xf32, #tpu.memory_space<vmem_shared>>) offsets(%dma_start3A_112 : memref<125xi32, #tpu.memory_space<vmem>>) semaphore(%arg10 : memref<!tpu.dma_semaphore, #tpu.memory_space<semaphore_mem>>) {add = true}
      %dma_start3A_116 = arith.constant 9 : i32
      %dma_start3A_117 = arith.constant 1125 : i32
      %dma_start3A_118 = arith.constant 0 : i32
      %dma_start3A_119 = tpu.memref_slice %arg9[%dma_start3A_117, %dma_start3A_118] : memref<1250x16xf32, #tpu.memory_space<vmem>> -> memref<125x16xf32, #tpu.memory_space<vmem>>
      %dma_start3A_120 = arith.constant 0 : i32
      %dma_start3A_121 = tpu.memref_slice %arg8[%dma_start3A_116, %dma_start3A_120] : memref<10x125xi32, #tpu.memory_space<vmem>> -> memref<1x125xi32, #tpu.memory_space<vmem>>
      %dma_start3A_122 = tpu.memref_squeeze %dma_start3A_121 : memref<1x125xi32, #tpu.memory_space<vmem>> -> memref<125xi32, #tpu.memory_space<vmem>>
      %dma_start3A_123 = arith.constant 0 : i32
      %dma_start3A_124 = arith.constant 0 : i32
      %dma_start3A_125 = tpu.memref_slice %arg7[%dma_start3A_123, %dma_start3A_124] : memref<100352x16xf32, #tpu.memory_space<vmem_shared>> -> memref<100352x16xf32, #tpu.memory_space<vmem_shared>>
      tpu.enqueue_indirect_dma source(%dma_start3A_119 : memref<125x16xf32, #tpu.memory_space<vmem>>) target(%dma_start3A_125 : memref<100352x16xf32, #tpu.memory_space<vmem_shared>>) offsets(%dma_start3A_122 : memref<125xi32, #tpu.memory_space<vmem>>) semaphore(%arg10 : memref<!tpu.dma_semaphore, #tpu.memory_space<semaphore_mem>>) {add = true}
      %dma_wait3A = arith.constant 0 : i32
      %dma_wait3A_126 = arith.constant 0 : i32
      %dma_wait3A_127 = arith.constant 0 : i32
      %dma_wait3A_128 = tpu.memref_slice %arg9[%dma_wait3A_126, %dma_wait3A_127] : memref<1250x16xf32, #tpu.memory_space<vmem>> -> memref<125x16xf32, #tpu.memory_space<vmem>>
      %dma_wait3A_129 = arith.constant 0 : i32
      %dma_wait3A_130 = tpu.memref_slice %arg8[%dma_wait3A, %dma_wait3A_129] : memref<10x125xi32, #tpu.memory_space<vmem>> -> memref<1x125xi32, #tpu.memory_space<vmem>>
      %dma_wait3A_131 = tpu.memref_squeeze %dma_wait3A_130 : memref<1x125xi32, #tpu.memory_space<vmem>> -> memref<125xi32, #tpu.memory_space<vmem>>
      %dma_wait3A_132 = arith.constant 0 : i32
      %dma_wait3A_133 = arith.constant 0 : i32
      %dma_wait3A_134 = tpu.memref_slice %arg7[%dma_wait3A_132, %dma_wait3A_133] : memref<100352x16xf32, #tpu.memory_space<vmem_shared>> -> memref<100352x16xf32, #tpu.memory_space<vmem_shared>>
      tpu.wait_indirect_dma semaphore(%arg10 : memref<!tpu.dma_semaphore, #tpu.memory_space<semaphore_mem>>) src(%dma_wait3A_128 : memref<125x16xf32, #tpu.memory_space<vmem>>) dst(%dma_wait3A_134 : memref<100352x16xf32, #tpu.memory_space<vmem_shared>>)
      %dma_wait3A_135 = arith.constant 1 : i32
      %dma_wait3A_136 = arith.constant 125 : i32
      %dma_wait3A_137 = arith.constant 0 : i32
      %dma_wait3A_138 = tpu.memref_slice %arg9[%dma_wait3A_136, %dma_wait3A_137] : memref<1250x16xf32, #tpu.memory_space<vmem>> -> memref<125x16xf32, #tpu.memory_space<vmem>>
      %dma_wait3A_139 = arith.constant 0 : i32
      %dma_wait3A_140 = tpu.memref_slice %arg8[%dma_wait3A_135, %dma_wait3A_139] : memref<10x125xi32, #tpu.memory_space<vmem>> -> memref<1x125xi32, #tpu.memory_space<vmem>>
      %dma_wait3A_141 = tpu.memref_squeeze %dma_wait3A_140 : memref<1x125xi32, #tpu.memory_space<vmem>> -> memref<125xi32, #tpu.memory_space<vmem>>
      %dma_wait3A_142 = arith.constant 0 : i32
      %dma_wait3A_143 = arith.constant 0 : i32
      %dma_wait3A_144 = tpu.memref_slice %arg7[%dma_wait3A_142, %dma_wait3A_143] : memref<100352x16xf32, #tpu.memory_space<vmem_shared>> -> memref<100352x16xf32, #tpu.memory_space<vmem_shared>>
      tpu.wait_indirect_dma semaphore(%arg10 : memref<!tpu.dma_semaphore, #tpu.memory_space<semaphore_mem>>) src(%dma_wait3A_138 : memref<125x16xf32, #tpu.memory_space<vmem>>) dst(%dma_wait3A_144 : memref<100352x16xf32, #tpu.memory_space<vmem_shared>>)
      %dma_wait3A_145 = arith.constant 2 : i32
      %dma_wait3A_146 = arith.constant 250 : i32
      %dma_wait3A_147 = arith.constant 0 : i32
      %dma_wait3A_148 = tpu.memref_slice %arg9[%dma_wait3A_146, %dma_wait3A_147] : memref<1250x16xf32, #tpu.memory_space<vmem>> -> memref<125x16xf32, #tpu.memory_space<vmem>>
      %dma_wait3A_149 = arith.constant 0 : i32
      %dma_wait3A_150 = tpu.memref_slice %arg8[%dma_wait3A_145, %dma_wait3A_149] : memref<10x125xi32, #tpu.memory_space<vmem>> -> memref<1x125xi32, #tpu.memory_space<vmem>>
      %dma_wait3A_151 = tpu.memref_squeeze %dma_wait3A_150 : memref<1x125xi32, #tpu.memory_space<vmem>> -> memref<125xi32, #tpu.memory_space<vmem>>
      %dma_wait3A_152 = arith.constant 0 : i32
      %dma_wait3A_153 = arith.constant 0 : i32
      %dma_wait3A_154 = tpu.memref_slice %arg7[%dma_wait3A_152, %dma_wait3A_153] : memref<100352x16xf32, #tpu.memory_space<vmem_shared>> -> memref<100352x16xf32, #tpu.memory_space<vmem_shared>>
      tpu.wait_indirect_dma semaphore(%arg10 : memref<!tpu.dma_semaphore, #tpu.memory_space<semaphore_mem>>) src(%dma_wait3A_148 : memref<125x16xf32, #tpu.memory_space<vmem>>) dst(%dma_wait3A_154 : memref<100352x16xf32, #tpu.memory_space<vmem_shared>>)
      %dma_wait3A_155 = arith.constant 3 : i32
      %dma_wait3A_156 = arith.constant 375 : i32
      %dma_wait3A_157 = arith.constant 0 : i32
      %dma_wait3A_158 = tpu.memref_slice %arg9[%dma_wait3A_156, %dma_wait3A_157] : memref<1250x16xf32, #tpu.memory_space<vmem>> -> memref<125x16xf32, #tpu.memory_space<vmem>>
      %dma_wait3A_159 = arith.constant 0 : i32
      %dma_wait3A_160 = tpu.memref_slice %arg8[%dma_wait3A_155, %dma_wait3A_159] : memref<10x125xi32, #tpu.memory_space<vmem>> -> memref<1x125xi32, #tpu.memory_space<vmem>>
      %dma_wait3A_161 = tpu.memref_squeeze %dma_wait3A_160 : memref<1x125xi32, #tpu.memory_space<vmem>> -> memref<125xi32, #tpu.memory_space<vmem>>
      %dma_wait3A_162 = arith.constant 0 : i32
      %dma_wait3A_163 = arith.constant 0 : i32
      %dma_wait3A_164 = tpu.memref_slice %arg7[%dma_wait3A_162, %dma_wait3A_163] : memref<100352x16xf32, #tpu.memory_space<vmem_shared>> -> memref<100352x16xf32, #tpu.memory_space<vmem_shared>>
      tpu.wait_indirect_dma semaphore(%arg10 : memref<!tpu.dma_semaphore, #tpu.memory_space<semaphore_mem>>) src(%dma_wait3A_158 : memref<125x16xf32, #tpu.memory_space<vmem>>) dst(%dma_wait3A_164 : memref<100352x16xf32, #tpu.memory_space<vmem_shared>>)
      %dma_wait3A_165 = arith.constant 4 : i32
      %dma_wait3A_166 = arith.constant 500 : i32
      %dma_wait3A_167 = arith.constant 0 : i32
      %dma_wait3A_168 = tpu.memref_slice %arg9[%dma_wait3A_166, %dma_wait3A_167] : memref<1250x16xf32, #tpu.memory_space<vmem>> -> memref<125x16xf32, #tpu.memory_space<vmem>>
      %dma_wait3A_169 = arith.constant 0 : i32
      %dma_wait3A_170 = tpu.memref_slice %arg8[%dma_wait3A_165, %dma_wait3A_169] : memref<10x125xi32, #tpu.memory_space<vmem>> -> memref<1x125xi32, #tpu.memory_space<vmem>>
      %dma_wait3A_171 = tpu.memref_squeeze %dma_wait3A_170 : memref<1x125xi32, #tpu.memory_space<vmem>> -> memref<125xi32, #tpu.memory_space<vmem>>
      %dma_wait3A_172 = arith.constant 0 : i32
      %dma_wait3A_173 = arith.constant 0 : i32
      %dma_wait3A_174 = tpu.memref_slice %arg7[%dma_wait3A_172, %dma_wait3A_173] : memref<100352x16xf32, #tpu.memory_space<vmem_shared>> -> memref<100352x16xf32, #tpu.memory_space<vmem_shared>>
      tpu.wait_indirect_dma semaphore(%arg10 : memref<!tpu.dma_semaphore, #tpu.memory_space<semaphore_mem>>) src(%dma_wait3A_168 : memref<125x16xf32, #tpu.memory_space<vmem>>) dst(%dma_wait3A_174 : memref<100352x16xf32, #tpu.memory_space<vmem_shared>>)
      %dma_wait3A_175 = arith.constant 5 : i32
      %dma_wait3A_176 = arith.constant 625 : i32
      %dma_wait3A_177 = arith.constant 0 : i32
      %dma_wait3A_178 = tpu.memref_slice %arg9[%dma_wait3A_176, %dma_wait3A_177] : memref<1250x16xf32, #tpu.memory_space<vmem>> -> memref<125x16xf32, #tpu.memory_space<vmem>>
      %dma_wait3A_179 = arith.constant 0 : i32
      %dma_wait3A_180 = tpu.memref_slice %arg8[%dma_wait3A_175, %dma_wait3A_179] : memref<10x125xi32, #tpu.memory_space<vmem>> -> memref<1x125xi32, #tpu.memory_space<vmem>>
      %dma_wait3A_181 = tpu.memref_squeeze %dma_wait3A_180 : memref<1x125xi32, #tpu.memory_space<vmem>> -> memref<125xi32, #tpu.memory_space<vmem>>
      %dma_wait3A_182 = arith.constant 0 : i32
      %dma_wait3A_183 = arith.constant 0 : i32
      %dma_wait3A_184 = tpu.memref_slice %arg7[%dma_wait3A_182, %dma_wait3A_183] : memref<100352x16xf32, #tpu.memory_space<vmem_shared>> -> memref<100352x16xf32, #tpu.memory_space<vmem_shared>>
      tpu.wait_indirect_dma semaphore(%arg10 : memref<!tpu.dma_semaphore, #tpu.memory_space<semaphore_mem>>) src(%dma_wait3A_178 : memref<125x16xf32, #tpu.memory_space<vmem>>) dst(%dma_wait3A_184 : memref<100352x16xf32, #tpu.memory_space<vmem_shared>>)
      %dma_wait3A_185 = arith.constant 6 : i32
      %dma_wait3A_186 = arith.constant 750 : i32
      %dma_wait3A_187 = arith.constant 0 : i32
      %dma_wait3A_188 = tpu.memref_slice %arg9[%dma_wait3A_186, %dma_wait3A_187] : memref<1250x16xf32, #tpu.memory_space<vmem>> -> memref<125x16xf32, #tpu.memory_space<vmem>>
      %dma_wait3A_189 = arith.constant 0 : i32
      %dma_wait3A_190 = tpu.memref_slice %arg8[%dma_wait3A_185, %dma_wait3A_189] : memref<10x125xi32, #tpu.memory_space<vmem>> -> memref<1x125xi32, #tpu.memory_space<vmem>>
      %dma_wait3A_191 = tpu.memref_squeeze %dma_wait3A_190 : memref<1x125xi32, #tpu.memory_space<vmem>> -> memref<125xi32, #tpu.memory_space<vmem>>
      %dma_wait3A_192 = arith.constant 0 : i32
      %dma_wait3A_193 = arith.constant 0 : i32
      %dma_wait3A_194 = tpu.memref_slice %arg7[%dma_wait3A_192, %dma_wait3A_193] : memref<100352x16xf32, #tpu.memory_space<vmem_shared>> -> memref<100352x16xf32, #tpu.memory_space<vmem_shared>>
      tpu.wait_indirect_dma semaphore(%arg10 : memref<!tpu.dma_semaphore, #tpu.memory_space<semaphore_mem>>) src(%dma_wait3A_188 : memref<125x16xf32, #tpu.memory_space<vmem>>) dst(%dma_wait3A_194 : memref<100352x16xf32, #tpu.memory_space<vmem_shared>>)
      %dma_wait3A_195 = arith.constant 7 : i32
      %dma_wait3A_196 = arith.constant 875 : i32
      %dma_wait3A_197 = arith.constant 0 : i32
      %dma_wait3A_198 = tpu.memref_slice %arg9[%dma_wait3A_196, %dma_wait3A_197] : memref<1250x16xf32, #tpu.memory_space<vmem>> -> memref<125x16xf32, #tpu.memory_space<vmem>>
      %dma_wait3A_199 = arith.constant 0 : i32
      %dma_wait3A_200 = tpu.memref_slice %arg8[%dma_wait3A_195, %dma_wait3A_199] : memref<10x125xi32, #tpu.memory_space<vmem>> -> memref<1x125xi32, #tpu.memory_space<vmem>>
      %dma_wait3A_201 = tpu.memref_squeeze %dma_wait3A_200 : memref<1x125xi32, #tpu.memory_space<vmem>> -> memref<125xi32, #tpu.memory_space<vmem>>
      %dma_wait3A_202 = arith.constant 0 : i32
      %dma_wait3A_203 = arith.constant 0 : i32
      %dma_wait3A_204 = tpu.memref_slice %arg7[%dma_wait3A_202, %dma_wait3A_203] : memref<100352x16xf32, #tpu.memory_space<vmem_shared>> -> memref<100352x16xf32, #tpu.memory_space<vmem_shared>>
      tpu.wait_indirect_dma semaphore(%arg10 : memref<!tpu.dma_semaphore, #tpu.memory_space<semaphore_mem>>) src(%dma_wait3A_198 : memref<125x16xf32, #tpu.memory_space<vmem>>) dst(%dma_wait3A_204 : memref<100352x16xf32, #tpu.memory_space<vmem_shared>>)
      %dma_wait3A_205 = arith.constant 8 : i32
      %dma_wait3A_206 = arith.constant 1000 : i32
      %dma_wait3A_207 = arith.constant 0 : i32
      %dma_wait3A_208 = tpu.memref_slice %arg9[%dma_wait3A_206, %dma_wait3A_207] : memref<1250x16xf32, #tpu.memory_space<vmem>> -> memref<125x16xf32, #tpu.memory_space<vmem>>
      %dma_wait3A_209 = arith.constant 0 : i32
      %dma_wait3A_210 = tpu.memref_slice %arg8[%dma_wait3A_205, %dma_wait3A_209] : memref<10x125xi32, #tpu.memory_space<vmem>> -> memref<1x125xi32, #tpu.memory_space<vmem>>
      %dma_wait3A_211 = tpu.memref_squeeze %dma_wait3A_210 : memref<1x125xi32, #tpu.memory_space<vmem>> -> memref<125xi32, #tpu.memory_space<vmem>>
      %dma_wait3A_212 = arith.constant 0 : i32
      %dma_wait3A_213 = arith.constant 0 : i32
      %dma_wait3A_214 = tpu.memref_slice %arg7[%dma_wait3A_212, %dma_wait3A_213] : memref<100352x16xf32, #tpu.memory_space<vmem_shared>> -> memref<100352x16xf32, #tpu.memory_space<vmem_shared>>
      tpu.wait_indirect_dma semaphore(%arg10 : memref<!tpu.dma_semaphore, #tpu.memory_space<semaphore_mem>>) src(%dma_wait3A_208 : memref<125x16xf32, #tpu.memory_space<vmem>>) dst(%dma_wait3A_214 : memref<100352x16xf32, #tpu.memory_space<vmem_shared>>)
      %dma_wait3A_215 = arith.constant 9 : i32
      %dma_wait3A_216 = arith.constant 1125 : i32
      %dma_wait3A_217 = arith.constant 0 : i32
      %dma_wait3A_218 = tpu.memref_slice %arg9[%dma_wait3A_216, %dma_wait3A_217] : memref<1250x16xf32, #tpu.memory_space<vmem>> -> memref<125x16xf32, #tpu.memory_space<vmem>>
      %dma_wait3A_219 = arith.constant 0 : i32
      %dma_wait3A_220 = tpu.memref_slice %arg8[%dma_wait3A_215, %dma_wait3A_219] : memref<10x125xi32, #tpu.memory_space<vmem>> -> memref<1x125xi32, #tpu.memory_space<vmem>>
      %dma_wait3A_221 = tpu.memref_squeeze %dma_wait3A_220 : memref<1x125xi32, #tpu.memory_space<vmem>> -> memref<125xi32, #tpu.memory_space<vmem>>
      %dma_wait3A_222 = arith.constant 0 : i32
      %dma_wait3A_223 = arith.constant 0 : i32
      %dma_wait3A_224 = tpu.memref_slice %arg7[%dma_wait3A_222, %dma_wait3A_223] : memref<100352x16xf32, #tpu.memory_space<vmem_shared>> -> memref<100352x16xf32, #tpu.memory_space<vmem_shared>>
      tpu.wait_indirect_dma semaphore(%arg10 : memref<!tpu.dma_semaphore, #tpu.memory_space<semaphore_mem>>) src(%dma_wait3A_218 : memref<125x16xf32, #tpu.memory_space<vmem>>) dst(%dma_wait3A_224 : memref<100352x16xf32, #tpu.memory_space<vmem_shared>>)
    }
    %scan3A_9 = arith.constant 40 : i32
    %barrier3A_10 = arith.constant 0 : index
    tpu.barrier barrier_id(%barrier3A_10)
    %eq3A = arith.constant 0 : i32
    %eq3A_11 = arith.cmpi eq, %arg0, %eq3A : i32
    %convert_element_type3A = arith.extui %eq3A_11 : i1 to i32
    %cond3A = arith.constant 0 : i32
    %cond3A_12 = arith.cmpi ne, %convert_element_type3A, %cond3A : i32
    scf.if %cond3A_12 {
      %mul3A_18 = arith.constant 6272 : i32
      %mul3A_19 = arith.muli %arg1, %mul3A_18 : i32
      %mul3A_20 = arith.constant 6272 : i32
      %mul3A_21 = arith.muli %arg1, %mul3A_20 : i32
      "tpu.region"() ({
        %run_scoped3A = tpu.sem_alloc : memref<!tpu.dma_semaphore, #tpu.memory_space<semaphore_mem>>
        %dma_start3A = arith.constant 0 : i32
        %dma_start3A_22 = tpu.memref_slice %arg5[%mul3A_21, %dma_start3A] : memref<100352x16xf32, #tpu.memory_space<hbm>> -> memref<6272x16xf32, #tpu.memory_space<hbm>>
        %dma_start3A_23 = arith.constant 0 : i32
        %dma_start3A_24 = tpu.memref_slice %arg7[%mul3A_19, %dma_start3A_23] : memref<100352x16xf32, #tpu.memory_space<vmem_shared>> -> memref<6272x16xf32, #tpu.memory_space<vmem_shared>>
        tpu.enqueue_dma source(%dma_start3A_24 : memref<6272x16xf32, #tpu.memory_space<vmem_shared>>) target(%dma_start3A_22 : memref<6272x16xf32, #tpu.memory_space<hbm>>) target_semaphore(%run_scoped3A : memref<!tpu.dma_semaphore, #tpu.memory_space<semaphore_mem>>)
        %dma_wait3A = arith.constant 0 : i32
        %dma_wait3A_25 = tpu.memref_slice %arg5[%mul3A_21, %dma_wait3A] : memref<100352x16xf32, #tpu.memory_space<hbm>> -> memref<6272x16xf32, #tpu.memory_space<hbm>>
        %dma_wait3A_26 = arith.constant 0 : i32
        %dma_wait3A_27 = tpu.memref_slice %arg7[%mul3A_19, %dma_wait3A_26] : memref<100352x16xf32, #tpu.memory_space<vmem_shared>> -> memref<6272x16xf32, #tpu.memory_space<vmem_shared>>
        tpu.wait_dma2 semaphore(%run_scoped3A : memref<!tpu.dma_semaphore, #tpu.memory_space<semaphore_mem>>) src(%dma_wait3A_27 : memref<6272x16xf32, #tpu.memory_space<vmem_shared>>) dst(%dma_wait3A_25 : memref<6272x16xf32, #tpu.memory_space<hbm>>)
        tpu.yield
      }) : () -> ()
    } else {
    }
    %eq3A_13 = arith.constant 1 : i32
    %eq3A_14 = arith.cmpi eq, %arg0, %eq3A_13 : i32
    %convert_element_type3A_15 = arith.extui %eq3A_14 : i1 to i32
    %cond3A_16 = arith.constant 0 : i32
    %cond3A_17 = arith.cmpi ne, %convert_element_type3A_15, %cond3A_16 : i32
    scf.if %cond3A_17 {
      %mul3A_18 = arith.constant 6272 : i32
      %mul3A_19 = arith.muli %arg1, %mul3A_18 : i32
      %mul3A_20 = arith.constant 6272 : i32
      %mul3A_21 = arith.muli %arg1, %mul3A_20 : i32
      "tpu.region"() ({
        %run_scoped3A = tpu.sem_alloc : memref<!tpu.dma_semaphore, #tpu.memory_space<semaphore_mem>>
        %dma_start3A = arith.constant 0 : i32
        %dma_start3A_22 = tpu.memref_slice %arg6[%mul3A_21, %dma_start3A] : memref<100352x16xf32, #tpu.memory_space<hbm>> -> memref<6272x16xf32, #tpu.memory_space<hbm>>
        %dma_start3A_23 = arith.constant 0 : i32
        %dma_start3A_24 = tpu.memref_slice %arg7[%mul3A_19, %dma_start3A_23] : memref<100352x16xf32, #tpu.memory_space<vmem_shared>> -> memref<6272x16xf32, #tpu.memory_space<vmem_shared>>
        tpu.enqueue_dma source(%dma_start3A_24 : memref<6272x16xf32, #tpu.memory_space<vmem_shared>>) target(%dma_start3A_22 : memref<6272x16xf32, #tpu.memory_space<hbm>>) target_semaphore(%run_scoped3A : memref<!tpu.dma_semaphore, #tpu.memory_space<semaphore_mem>>)
        %dma_wait3A = arith.constant 0 : i32
        %dma_wait3A_25 = tpu.memref_slice %arg6[%mul3A_21, %dma_wait3A] : memref<100352x16xf32, #tpu.memory_space<hbm>> -> memref<6272x16xf32, #tpu.memory_space<hbm>>
        %dma_wait3A_26 = arith.constant 0 : i32
        %dma_wait3A_27 = tpu.memref_slice %arg7[%mul3A_19, %dma_wait3A_26] : memref<100352x16xf32, #tpu.memory_space<vmem_shared>> -> memref<6272x16xf32, #tpu.memory_space<vmem_shared>>
        tpu.wait_dma2 semaphore(%run_scoped3A : memref<!tpu.dma_semaphore, #tpu.memory_space<semaphore_mem>>) src(%dma_wait3A_27 : memref<6272x16xf32, #tpu.memory_space<vmem_shared>>) dst(%dma_wait3A_25 : memref<6272x16xf32, #tpu.memory_space<hbm>>)
        tpu.yield
      }) : () -> ()
    } else {
    }
    return
  }
}

module attributes {stable_mosaic.version = 14 : i64} {
  func.func @_edge_mlp_body(%arg0: i32, %arg1: memref<4000x16xf32, #tpu.memory_space<vmem>>, %arg2: memref<4000x16xf32, #tpu.memory_space<vmem>>, %arg3: memref<4000x8xf32, #tpu.memory_space<vmem>>, %arg4: memref<16x25xf32, #tpu.memory_space<vmem>>, %arg5: memref<16x25xf32, #tpu.memory_space<vmem>>, %arg6: memref<8x25xf32, #tpu.memory_space<vmem>>, %arg7: memref<1x25xf32, #tpu.memory_space<vmem>>, %arg8: memref<25x20xf32, #tpu.memory_space<vmem>>, %arg9: memref<1x20xf32, #tpu.memory_space<vmem>>, %arg10: memref<20x16xf32, #tpu.memory_space<vmem>>, %arg11: memref<1x16xf32, #tpu.memory_space<vmem>>, %arg12: memref<4000x10xf32, #tpu.memory_space<vmem>>, %arg13: memref<4000x16xf32, #tpu.memory_space<vmem>>, %arg14: memref<1x1x16xf32, #tpu.memory_space<vmem>>) attributes {dimension_semantics = [#tpu.dimension_semantics<arbitrary>], iteration_bounds = array<i64: 400>, scalar_prefetch = 0 : i64, scratch_operands = 0 : i64, tpu.core_type = #tpu.core_type<tc>, window_params = [{transform_indices = @transform_0, window_bounds = array<i64: 4000, 16>}, {transform_indices = @transform_1, window_bounds = array<i64: 4000, 16>}, {transform_indices = @transform_2, window_bounds = array<i64: 4000, 8>}, {pipeline_mode = #tpu.pipeline_mode<synchronous>, transform_indices = @transform_3, window_bounds = array<i64: 16, 25>}, {pipeline_mode = #tpu.pipeline_mode<synchronous>, transform_indices = @transform_4, window_bounds = array<i64: 16, 25>}, {pipeline_mode = #tpu.pipeline_mode<synchronous>, transform_indices = @transform_5, window_bounds = array<i64: 8, 25>}, {pipeline_mode = #tpu.pipeline_mode<synchronous>, transform_indices = @transform_6, window_bounds = array<i64: 1, 25>}, {pipeline_mode = #tpu.pipeline_mode<synchronous>, transform_indices = @transform_7, window_bounds = array<i64: 25, 20>}, {pipeline_mode = #tpu.pipeline_mode<synchronous>, transform_indices = @transform_8, window_bounds = array<i64: 1, 20>}, {pipeline_mode = #tpu.pipeline_mode<synchronous>, transform_indices = @transform_9, window_bounds = array<i64: 20, 16>}, {pipeline_mode = #tpu.pipeline_mode<synchronous>, transform_indices = @transform_10, window_bounds = array<i64: 1, 16>}, {transform_indices = @transform_11, window_bounds = array<i64: 4000, 10>}, {transform_indices = @transform_12, window_bounds = array<i64: 4000, 16>}, {transform_indices = @transform_13, window_bounds = array<i64: 1, 1, 16>}]} {
    %get3A = arith.constant 0 : index
    %get3A_0 = arith.constant 0 : index
    %get3A_1 = vector.load %arg1[%get3A, %get3A_0] : memref<4000x16xf32, #tpu.memory_space<vmem>>, vector<4000x16xf32>
    %get3A_2 = arith.constant 0 : index
    %get3A_3 = arith.constant 0 : index
    %get3A_4 = vector.load %arg4[%get3A_2, %get3A_3] : memref<16x25xf32, #tpu.memory_space<vmem>>, vector<16x25xf32>
    %dot_general3A = arith.constant dense<0.000000e+00> : vector<4000x25xf32>
    %dot_general3A_5 = tpu.matmul %get3A_1, %get3A_4, %dot_general3A {dimension_numbers = #tpu.dot_dimension_numbers<[1], [0], [0], [1], [0, 0, 1, 1], [], []>, transpose_lhs_hint = false} : vector<4000x16xf32>, vector<16x25xf32>, vector<4000x25xf32> -> vector<4000x25xf32>
    %get3A_6 = arith.constant 0 : index
    %get3A_7 = arith.constant 0 : index
    %get3A_8 = vector.load %arg2[%get3A_6, %get3A_7] : memref<4000x16xf32, #tpu.memory_space<vmem>>, vector<4000x16xf32>
    %get3A_9 = arith.constant 0 : index
    %get3A_10 = arith.constant 0 : index
    %get3A_11 = vector.load %arg5[%get3A_9, %get3A_10] : memref<16x25xf32, #tpu.memory_space<vmem>>, vector<16x25xf32>
    %dot_general3A_12 = arith.constant dense<0.000000e+00> : vector<4000x25xf32>
    %dot_general3A_13 = tpu.matmul %get3A_8, %get3A_11, %dot_general3A_12 {dimension_numbers = #tpu.dot_dimension_numbers<[1], [0], [0], [1], [0, 0, 1, 1], [], []>, transpose_lhs_hint = false} : vector<4000x16xf32>, vector<16x25xf32>, vector<4000x25xf32> -> vector<4000x25xf32>
    %add3A = arith.addf %dot_general3A_5, %dot_general3A_13 : vector<4000x25xf32>
    %get3A_14 = arith.constant 0 : index
    %get3A_15 = arith.constant 0 : index
    %get3A_16 = vector.load %arg3[%get3A_14, %get3A_15] : memref<4000x8xf32, #tpu.memory_space<vmem>>, vector<4000x8xf32>
    %get3A_17 = arith.constant 0 : index
    %get3A_18 = arith.constant 0 : index
    %get3A_19 = vector.load %arg6[%get3A_17, %get3A_18] : memref<8x25xf32, #tpu.memory_space<vmem>>, vector<8x25xf32>
    %dot_general3A_20 = arith.constant dense<0.000000e+00> : vector<4000x25xf32>
    %dot_general3A_21 = tpu.matmul %get3A_16, %get3A_19, %dot_general3A_20 {dimension_numbers = #tpu.dot_dimension_numbers<[1], [0], [0], [1], [0, 0, 1, 1], [], []>, transpose_lhs_hint = false} : vector<4000x8xf32>, vector<8x25xf32>, vector<4000x25xf32> -> vector<4000x25xf32>
    %add3A_22 = arith.addf %add3A, %dot_general3A_21 : vector<4000x25xf32>
    %get3A_23 = arith.constant 0 : index
    %get3A_24 = arith.constant 0 : index
    %get3A_25 = vector.load %arg7[%get3A_23, %get3A_24] : memref<1x25xf32, #tpu.memory_space<vmem>>, vector<1x25xf32>
    %add3A_26 = vector.broadcast %get3A_25 : vector<1x25xf32> to vector<4000x25xf32>
    %add3A_27 = arith.addf %add3A_22, %add3A_26 : vector<4000x25xf32>
    %gt3A = arith.constant 0.000000e+00 : f32
    %gt3A_28 = vector.broadcast %gt3A : f32 to vector<4000x25xf32>
    %gt3A_29 = arith.cmpf ogt, %add3A_27, %gt3A_28 : vector<4000x25xf32>
    %exp3A = math.exp %add3A_27 : vector<4000x25xf32>
    %sub3A = arith.constant 1.000000e+00 : f32
    %sub3A_30 = vector.broadcast %sub3A : f32 to vector<4000x25xf32>
    %sub3A_31 = arith.subf %exp3A, %sub3A_30 : vector<4000x25xf32>
    %mul3A = arith.constant 1.67326319 : f32
    %mul3A_32 = vector.broadcast %mul3A : f32 to vector<4000x25xf32>
    %mul3A_33 = arith.mulf %mul3A_32, %sub3A_31 : vector<4000x25xf32>
    %select_n3A = arith.select %gt3A_29, %add3A_27, %mul3A_33 : vector<4000x25xi1>, vector<4000x25xf32>
    %mul3A_34 = arith.constant 1.05070102 : f32
    %mul3A_35 = vector.broadcast %mul3A_34 : f32 to vector<4000x25xf32>
    %mul3A_36 = arith.mulf %mul3A_35, %select_n3A : vector<4000x25xf32>
    %get3A_37 = arith.constant 0 : index
    %get3A_38 = arith.constant 0 : index
    %get3A_39 = vector.load %arg8[%get3A_37, %get3A_38] : memref<25x20xf32, #tpu.memory_space<vmem>>, vector<25x20xf32>
    %dot_general3A_40 = arith.constant dense<0.000000e+00> : vector<4000x20xf32>
    %dot_general3A_41 = tpu.matmul %mul3A_36, %get3A_39, %dot_general3A_40 {dimension_numbers = #tpu.dot_dimension_numbers<[1], [0], [0], [1], [0, 0, 1, 1], [], []>, transpose_lhs_hint = false} : vector<4000x25xf32>, vector<25x20xf32>, vector<4000x20xf32> -> vector<4000x20xf32>
    %get3A_42 = arith.constant 0 : index
    %get3A_43 = arith.constant 0 : index
    %get3A_44 = vector.load %arg9[%get3A_42, %get3A_43] : memref<1x20xf32, #tpu.memory_space<vmem>>, vector<1x20xf32>
    %add3A_45 = vector.broadcast %get3A_44 : vector<1x20xf32> to vector<4000x20xf32>
    %add3A_46 = arith.addf %dot_general3A_41, %add3A_45 : vector<4000x20xf32>
    %gt3A_47 = arith.constant 0.000000e+00 : f32
    %gt3A_48 = vector.broadcast %gt3A_47 : f32 to vector<4000x20xf32>
    %gt3A_49 = arith.cmpf ogt, %add3A_46, %gt3A_48 : vector<4000x20xf32>
    %exp3A_50 = math.exp %add3A_46 : vector<4000x20xf32>
    %sub3A_51 = arith.constant 1.000000e+00 : f32
    %sub3A_52 = vector.broadcast %sub3A_51 : f32 to vector<4000x20xf32>
    %sub3A_53 = arith.subf %exp3A_50, %sub3A_52 : vector<4000x20xf32>
    %mul3A_54 = arith.constant 1.67326319 : f32
    %mul3A_55 = vector.broadcast %mul3A_54 : f32 to vector<4000x20xf32>
    %mul3A_56 = arith.mulf %mul3A_55, %sub3A_53 : vector<4000x20xf32>
    %select_n3A_57 = arith.select %gt3A_49, %add3A_46, %mul3A_56 : vector<4000x20xi1>, vector<4000x20xf32>
    %mul3A_58 = arith.constant 1.05070102 : f32
    %mul3A_59 = vector.broadcast %mul3A_58 : f32 to vector<4000x20xf32>
    %mul3A_60 = arith.mulf %mul3A_59, %select_n3A_57 : vector<4000x20xf32>
    %get3A_61 = arith.constant 0 : index
    %get3A_62 = arith.constant 0 : index
    %get3A_63 = vector.load %arg10[%get3A_61, %get3A_62] : memref<20x16xf32, #tpu.memory_space<vmem>>, vector<20x16xf32>
    %dot_general3A_64 = arith.constant dense<0.000000e+00> : vector<4000x16xf32>
    %dot_general3A_65 = tpu.matmul %mul3A_60, %get3A_63, %dot_general3A_64 {dimension_numbers = #tpu.dot_dimension_numbers<[1], [0], [0], [1], [0, 0, 1, 1], [], []>, transpose_lhs_hint = false} : vector<4000x20xf32>, vector<20x16xf32>, vector<4000x16xf32> -> vector<4000x16xf32>
    %get3A_66 = arith.constant 0 : index
    %get3A_67 = arith.constant 0 : index
    %get3A_68 = vector.load %arg11[%get3A_66, %get3A_67] : memref<1x16xf32, #tpu.memory_space<vmem>>, vector<1x16xf32>
    %add3A_69 = vector.broadcast %get3A_68 : vector<1x16xf32> to vector<4000x16xf32>
    %add3A_70 = arith.addf %dot_general3A_65, %add3A_69 : vector<4000x16xf32>
    %swap3A = arith.constant 0 : index
    %swap3A_71 = arith.constant 0 : index
    %swap3A_72 = vector.load %arg13[%swap3A, %swap3A_71] : memref<4000x16xf32, #tpu.memory_space<vmem>>, vector<4000x16xf32>
    tpu.vector_store %arg13[%swap3A, %swap3A_71], %add3A_70 {strides = array<i32>} : memref<4000x16xf32, #tpu.memory_space<vmem>>, vector<4000x16xf32>,
    %slice3A = vector.extract_strided_slice %add3A_70 {offsets = [0, 0], sizes = [4000, 10], strides = [1, 1]} : vector<4000x16xf32> to vector<4000x10xf32>
    %swap3A_73 = arith.constant 0 : index
    %swap3A_74 = arith.constant 0 : index
    %swap3A_75 = vector.load %arg12[%swap3A_73, %swap3A_74] : memref<4000x10xf32, #tpu.memory_space<vmem>>, vector<4000x10xf32>
    tpu.vector_store %arg12[%swap3A_73, %swap3A_74], %slice3A {strides = array<i32>} : memref<4000x10xf32, #tpu.memory_space<vmem>>, vector<4000x10xf32>,
    %reduce_sum3A = arith.constant dense<0.000000e+00> : vector<16xf32>
    %reduce_sum3A_76 = vector.multi_reduction <add>, %add3A_70, %reduce_sum3A [0] : vector<4000x16xf32> to vector<16xf32>
    %broadcast_in_dim3A = vector.shape_cast %reduce_sum3A_76 : vector<16xf32> to vector<1x16xf32>
    %broadcast_in_dim3A_77 = vector.shape_cast %broadcast_in_dim3A : vector<1x16xf32> to vector<1x1x16xf32>
    %swap3A_78 = arith.constant 0 : index
    %swap3A_79 = arith.constant 0 : index
    %swap3A_80 = arith.constant 0 : index
    %swap3A_81 = vector.load %arg14[%swap3A_78, %swap3A_79, %swap3A_80] : memref<1x1x16xf32, #tpu.memory_space<vmem>>, vector<1x1x16xf32>
    tpu.vector_store %arg14[%swap3A_78, %swap3A_79, %swap3A_80], %broadcast_in_dim3A_77 {strides = array<i32>} : memref<1x1x16xf32, #tpu.memory_space<vmem>>, vector<1x1x16xf32>,
    return
  }
  func.func @transform_0(%arg0: i32) -> (i32, i32) {
    %c0_i32 = arith.constant 0 : i32
    %c0_i32_0 = arith.constant 0 : i32
    return %arg0, %c0_i32 : i32, i32
  }
  func.func @transform_1(%arg0: i32) -> (i32, i32) {
    %c0_i32 = arith.constant 0 : i32
    %c0_i32_0 = arith.constant 0 : i32
    return %arg0, %c0_i32 : i32, i32
  }
  func.func @transform_2(%arg0: i32) -> (i32, i32) {
    %c0_i32 = arith.constant 0 : i32
    %c0_i32_0 = arith.constant 0 : i32
    return %arg0, %c0_i32 : i32, i32
  }
  func.func @transform_3(%arg0: i32) -> (i32, i32) {
    %c0_i32 = arith.constant 0 : i32
    %c0_i32_0 = arith.constant 0 : i32
    %c0_i32_1 = arith.constant 0 : i32
    return %c0_i32, %c0_i32_0 : i32, i32
  }
  func.func @transform_4(%arg0: i32) -> (i32, i32) {
    %c0_i32 = arith.constant 0 : i32
    %c0_i32_0 = arith.constant 0 : i32
    %c0_i32_1 = arith.constant 0 : i32
    return %c0_i32, %c0_i32_0 : i32, i32
  }
  func.func @transform_5(%arg0: i32) -> (i32, i32) {
    %c0_i32 = arith.constant 0 : i32
    %c0_i32_0 = arith.constant 0 : i32
    %c0_i32_1 = arith.constant 0 : i32
    return %c0_i32, %c0_i32_0 : i32, i32
  }
  func.func @transform_6(%arg0: i32) -> (i32, i32) {
    %c0_i32 = arith.constant 0 : i32
    %c0_i32_0 = arith.constant 0 : i32
    %c0_i32_1 = arith.constant 0 : i32
    return %c0_i32, %c0_i32_0 : i32, i32
  }
  func.func @transform_7(%arg0: i32) -> (i32, i32) {
    %c0_i32 = arith.constant 0 : i32
    %c0_i32_0 = arith.constant 0 : i32
    %c0_i32_1 = arith.constant 0 : i32
    return %c0_i32, %c0_i32_0 : i32, i32
  }
  func.func @transform_8(%arg0: i32) -> (i32, i32) {
    %c0_i32 = arith.constant 0 : i32
    %c0_i32_0 = arith.constant 0 : i32
    %c0_i32_1 = arith.constant 0 : i32
    return %c0_i32, %c0_i32_0 : i32, i32
  }
  func.func @transform_9(%arg0: i32) -> (i32, i32) {
    %c0_i32 = arith.constant 0 : i32
    %c0_i32_0 = arith.constant 0 : i32
    %c0_i32_1 = arith.constant 0 : i32
    return %c0_i32, %c0_i32_0 : i32, i32
  }
  func.func @transform_10(%arg0: i32) -> (i32, i32) {
    %c0_i32 = arith.constant 0 : i32
    %c0_i32_0 = arith.constant 0 : i32
    %c0_i32_1 = arith.constant 0 : i32
    return %c0_i32, %c0_i32_0 : i32, i32
  }
  func.func @transform_11(%arg0: i32) -> (i32, i32) {
    %c0_i32 = arith.constant 0 : i32
    %c0_i32_0 = arith.constant 0 : i32
    return %arg0, %c0_i32 : i32, i32
  }
  func.func @transform_12(%arg0: i32) -> (i32, i32) {
    %c0_i32 = arith.constant 0 : i32
    %c0_i32_0 = arith.constant 0 : i32
    return %arg0, %c0_i32 : i32, i32
  }
  func.func @transform_13(%arg0: i32) -> (i32, i32, i32) {
    %c0_i32 = arith.constant 0 : i32
    %c0_i32_0 = arith.constant 0 : i32
    %c0_i32_1 = arith.constant 0 : i32
    return %arg0, %c0_i32, %c0_i32_0 : i32, i32, i32
  }
}

module attributes {stable_mosaic.version = 14 : i64} {
  func.func @_node_mlp_body(%arg0: i32, %arg1: memref<4000x16xf32, #tpu.memory_space<vmem>>, %arg2: memref<4000x16xf32, #tpu.memory_space<vmem>>, %arg3: memref<4000x16xf32, #tpu.memory_space<vmem>>, %arg4: memref<16x18xf32, #tpu.memory_space<vmem>>, %arg5: memref<16x18xf32, #tpu.memory_space<vmem>>, %arg6: memref<1x18xf32, #tpu.memory_space<vmem>>, %arg7: memref<18x16xf32, #tpu.memory_space<vmem>>, %arg8: memref<1x16xf32, #tpu.memory_space<vmem>>, %arg9: memref<4000x10xf32, #tpu.memory_space<vmem>>, %arg10: memref<1x1x16xf32, #tpu.memory_space<vmem>>) attributes {dimension_semantics = [#tpu.dimension_semantics<arbitrary>], iteration_bounds = array<i64: 25>, scalar_prefetch = 0 : i64, scratch_operands = 0 : i64, tpu.core_type = #tpu.core_type<tc>, window_params = [{transform_indices = @transform_0, window_bounds = array<i64: 4000, 16>}, {transform_indices = @transform_1, window_bounds = array<i64: 4000, 16>}, {transform_indices = @transform_2, window_bounds = array<i64: 4000, 16>}, {pipeline_mode = #tpu.pipeline_mode<synchronous>, transform_indices = @transform_3, window_bounds = array<i64: 16, 18>}, {pipeline_mode = #tpu.pipeline_mode<synchronous>, transform_indices = @transform_4, window_bounds = array<i64: 16, 18>}, {pipeline_mode = #tpu.pipeline_mode<synchronous>, transform_indices = @transform_5, window_bounds = array<i64: 1, 18>}, {pipeline_mode = #tpu.pipeline_mode<synchronous>, transform_indices = @transform_6, window_bounds = array<i64: 18, 16>}, {pipeline_mode = #tpu.pipeline_mode<synchronous>, transform_indices = @transform_7, window_bounds = array<i64: 1, 16>}, {transform_indices = @transform_8, window_bounds = array<i64: 4000, 10>}, {transform_indices = @transform_9, window_bounds = array<i64: 1, 1, 16>}]} {
    %get3A = arith.constant 0 : index
    %get3A_0 = arith.constant 0 : index
    %get3A_1 = vector.load %arg1[%get3A, %get3A_0] : memref<4000x16xf32, #tpu.memory_space<vmem>>, vector<4000x16xf32>
    %get3A_2 = arith.constant 0 : index
    %get3A_3 = arith.constant 0 : index
    %get3A_4 = vector.load %arg2[%get3A_2, %get3A_3] : memref<4000x16xf32, #tpu.memory_space<vmem>>, vector<4000x16xf32>
    %add3A = arith.addf %get3A_1, %get3A_4 : vector<4000x16xf32>
    %get3A_5 = arith.constant 0 : index
    %get3A_6 = arith.constant 0 : index
    %get3A_7 = vector.load %arg4[%get3A_5, %get3A_6] : memref<16x18xf32, #tpu.memory_space<vmem>>, vector<16x18xf32>
    %dot_general3A = arith.constant dense<0.000000e+00> : vector<4000x18xf32>
    %dot_general3A_8 = tpu.matmul %add3A, %get3A_7, %dot_general3A {dimension_numbers = #tpu.dot_dimension_numbers<[1], [0], [0], [1], [0, 0, 1, 1], [], []>, transpose_lhs_hint = false} : vector<4000x16xf32>, vector<16x18xf32>, vector<4000x18xf32> -> vector<4000x18xf32>
    %get3A_9 = arith.constant 0 : index
    %get3A_10 = arith.constant 0 : index
    %get3A_11 = vector.load %arg3[%get3A_9, %get3A_10] : memref<4000x16xf32, #tpu.memory_space<vmem>>, vector<4000x16xf32>
    %get3A_12 = arith.constant 0 : index
    %get3A_13 = arith.constant 0 : index
    %get3A_14 = vector.load %arg5[%get3A_12, %get3A_13] : memref<16x18xf32, #tpu.memory_space<vmem>>, vector<16x18xf32>
    %dot_general3A_15 = arith.constant dense<0.000000e+00> : vector<4000x18xf32>
    %dot_general3A_16 = tpu.matmul %get3A_11, %get3A_14, %dot_general3A_15 {dimension_numbers = #tpu.dot_dimension_numbers<[1], [0], [0], [1], [0, 0, 1, 1], [], []>, transpose_lhs_hint = false} : vector<4000x16xf32>, vector<16x18xf32>, vector<4000x18xf32> -> vector<4000x18xf32>
    %add3A_17 = arith.addf %dot_general3A_8, %dot_general3A_16 : vector<4000x18xf32>
    %get3A_18 = arith.constant 0 : index
    %get3A_19 = arith.constant 0 : index
    %get3A_20 = vector.load %arg6[%get3A_18, %get3A_19] : memref<1x18xf32, #tpu.memory_space<vmem>>, vector<1x18xf32>
    %add3A_21 = vector.broadcast %get3A_20 : vector<1x18xf32> to vector<4000x18xf32>
    %add3A_22 = arith.addf %add3A_17, %add3A_21 : vector<4000x18xf32>
    %gt3A = arith.constant 0.000000e+00 : f32
    %gt3A_23 = vector.broadcast %gt3A : f32 to vector<4000x18xf32>
    %gt3A_24 = arith.cmpf ogt, %add3A_22, %gt3A_23 : vector<4000x18xf32>
    %exp3A = math.exp %add3A_22 : vector<4000x18xf32>
    %sub3A = arith.constant 1.000000e+00 : f32
    %sub3A_25 = vector.broadcast %sub3A : f32 to vector<4000x18xf32>
    %sub3A_26 = arith.subf %exp3A, %sub3A_25 : vector<4000x18xf32>
    %mul3A = arith.constant 1.67326319 : f32
    %mul3A_27 = vector.broadcast %mul3A : f32 to vector<4000x18xf32>
    %mul3A_28 = arith.mulf %mul3A_27, %sub3A_26 : vector<4000x18xf32>
    %select_n3A = arith.select %gt3A_24, %add3A_22, %mul3A_28 : vector<4000x18xi1>, vector<4000x18xf32>
    %mul3A_29 = arith.constant 1.05070102 : f32
    %mul3A_30 = vector.broadcast %mul3A_29 : f32 to vector<4000x18xf32>
    %mul3A_31 = arith.mulf %mul3A_30, %select_n3A : vector<4000x18xf32>
    %get3A_32 = arith.constant 0 : index
    %get3A_33 = arith.constant 0 : index
    %get3A_34 = vector.load %arg7[%get3A_32, %get3A_33] : memref<18x16xf32, #tpu.memory_space<vmem>>, vector<18x16xf32>
    %dot_general3A_35 = arith.constant dense<0.000000e+00> : vector<4000x16xf32>
    %dot_general3A_36 = tpu.matmul %mul3A_31, %get3A_34, %dot_general3A_35 {dimension_numbers = #tpu.dot_dimension_numbers<[1], [0], [0], [1], [0, 0, 1, 1], [], []>, transpose_lhs_hint = false} : vector<4000x18xf32>, vector<18x16xf32>, vector<4000x16xf32> -> vector<4000x16xf32>
    %get3A_37 = arith.constant 0 : index
    %get3A_38 = arith.constant 0 : index
    %get3A_39 = vector.load %arg8[%get3A_37, %get3A_38] : memref<1x16xf32, #tpu.memory_space<vmem>>, vector<1x16xf32>
    %add3A_40 = vector.broadcast %get3A_39 : vector<1x16xf32> to vector<4000x16xf32>
    %add3A_41 = arith.addf %dot_general3A_36, %add3A_40 : vector<4000x16xf32>
    %slice3A = vector.extract_strided_slice %add3A_41 {offsets = [0, 0], sizes = [4000, 10], strides = [1, 1]} : vector<4000x16xf32> to vector<4000x10xf32>
    %swap3A = arith.constant 0 : index
    %swap3A_42 = arith.constant 0 : index
    %swap3A_43 = vector.load %arg9[%swap3A, %swap3A_42] : memref<4000x10xf32, #tpu.memory_space<vmem>>, vector<4000x10xf32>
    tpu.vector_store %arg9[%swap3A, %swap3A_42], %slice3A {strides = array<i32>} : memref<4000x10xf32, #tpu.memory_space<vmem>>, vector<4000x10xf32>,
    %reduce_sum3A = arith.constant dense<0.000000e+00> : vector<16xf32>
    %reduce_sum3A_44 = vector.multi_reduction <add>, %add3A_41, %reduce_sum3A [0] : vector<4000x16xf32> to vector<16xf32>
    %broadcast_in_dim3A = vector.shape_cast %reduce_sum3A_44 : vector<16xf32> to vector<1x16xf32>
    %broadcast_in_dim3A_45 = vector.shape_cast %broadcast_in_dim3A : vector<1x16xf32> to vector<1x1x16xf32>
    %swap3A_46 = arith.constant 0 : index
    %swap3A_47 = arith.constant 0 : index
    %swap3A_48 = arith.constant 0 : index
    %swap3A_49 = vector.load %arg10[%swap3A_46, %swap3A_47, %swap3A_48] : memref<1x1x16xf32, #tpu.memory_space<vmem>>, vector<1x1x16xf32>
    tpu.vector_store %arg10[%swap3A_46, %swap3A_47, %swap3A_48], %broadcast_in_dim3A_45 {strides = array<i32>} : memref<1x1x16xf32, #tpu.memory_space<vmem>>, vector<1x1x16xf32>,
    return
  }
  func.func @transform_0(%arg0: i32) -> (i32, i32) {
    %c0_i32 = arith.constant 0 : i32
    %c0_i32_0 = arith.constant 0 : i32
    return %arg0, %c0_i32 : i32, i32
  }
  func.func @transform_1(%arg0: i32) -> (i32, i32) {
    %c0_i32 = arith.constant 0 : i32
    %c0_i32_0 = arith.constant 0 : i32
    return %arg0, %c0_i32 : i32, i32
  }
  func.func @transform_2(%arg0: i32) -> (i32, i32) {
    %c0_i32 = arith.constant 0 : i32
    %c0_i32_0 = arith.constant 0 : i32
    return %arg0, %c0_i32 : i32, i32
  }
  func.func @transform_3(%arg0: i32) -> (i32, i32) {
    %c0_i32 = arith.constant 0 : i32
    %c0_i32_0 = arith.constant 0 : i32
    %c0_i32_1 = arith.constant 0 : i32
    return %c0_i32, %c0_i32_0 : i32, i32
  }
  func.func @transform_4(%arg0: i32) -> (i32, i32) {
    %c0_i32 = arith.constant 0 : i32
    %c0_i32_0 = arith.constant 0 : i32
    %c0_i32_1 = arith.constant 0 : i32
    return %c0_i32, %c0_i32_0 : i32, i32
  }
  func.func @transform_5(%arg0: i32) -> (i32, i32) {
    %c0_i32 = arith.constant 0 : i32
    %c0_i32_0 = arith.constant 0 : i32
    %c0_i32_1 = arith.constant 0 : i32
    return %c0_i32, %c0_i32_0 : i32, i32
  }
  func.func @transform_6(%arg0: i32) -> (i32, i32) {
    %c0_i32 = arith.constant 0 : i32
    %c0_i32_0 = arith.constant 0 : i32
    %c0_i32_1 = arith.constant 0 : i32
    return %c0_i32, %c0_i32_0 : i32, i32
  }
  func.func @transform_7(%arg0: i32) -> (i32, i32) {
    %c0_i32 = arith.constant 0 : i32
    %c0_i32_0 = arith.constant 0 : i32
    %c0_i32_1 = arith.constant 0 : i32
    return %c0_i32, %c0_i32_0 : i32, i32
  }
  func.func @transform_8(%arg0: i32) -> (i32, i32) {
    %c0_i32 = arith.constant 0 : i32
    %c0_i32_0 = arith.constant 0 : i32
    return %arg0, %c0_i32 : i32, i32
  }
  func.func @transform_9(%arg0: i32) -> (i32, i32, i32) {
    %c0_i32 = arith.constant 0 : i32
    %c0_i32_0 = arith.constant 0 : i32
    %c0_i32_1 = arith.constant 0 : i32
    return %arg0, %c0_i32, %c0_i32_0 : i32, i32, i32
  }
}

module attributes {stable_mosaic.version = 14 : i64} {
  func.func @_global_body(%arg0: memref<400x1x16xf32, #tpu.memory_space<vmem>>, %arg1: memref<25x1x16xf32, #tpu.memory_space<vmem>>, %arg2: memref<20x15xf32, #tpu.memory_space<vmem>>, %arg3: memref<1x15xf32, #tpu.memory_space<vmem>>, %arg4: memref<15x15xf32, #tpu.memory_space<vmem>>, %arg5: memref<1x15xf32, #tpu.memory_space<vmem>>, %arg6: memref<15x10xf32, #tpu.memory_space<vmem>>, %arg7: memref<1x10xf32, #tpu.memory_space<vmem>>, %arg8: memref<1x10xf32, #tpu.memory_space<vmem>>) attributes {dimension_semantics = [], scalar_prefetch = 0 : i64, scratch_operands = 0 : i64, tpu.core_type = #tpu.core_type<tc>} {
    %get3A = arith.constant 0 : index
    %get3A_0 = arith.constant 0 : index
    %get3A_1 = arith.constant 0 : index
    %get3A_2 = vector.load %arg0[%get3A, %get3A_0, %get3A_1] : memref<400x1x16xf32, #tpu.memory_space<vmem>>, vector<400x1x16xf32>
    %reduce_sum3A = arith.constant dense<0.000000e+00> : vector<16xf32>
    %reduce_sum3A_3 = vector.multi_reduction <add>, %get3A_2, %reduce_sum3A [0, 1] : vector<400x1x16xf32> to vector<16xf32>
    %broadcast_in_dim3A = vector.shape_cast %reduce_sum3A_3 : vector<16xf32> to vector<1x16xf32>
    %get3A_4 = arith.constant 0 : index
    %get3A_5 = arith.constant 0 : index
    %get3A_6 = arith.constant 0 : index
    %get3A_7 = vector.load %arg1[%get3A_4, %get3A_5, %get3A_6] : memref<25x1x16xf32, #tpu.memory_space<vmem>>, vector<25x1x16xf32>
    %reduce_sum3A_8 = arith.constant dense<0.000000e+00> : vector<16xf32>
    %reduce_sum3A_9 = vector.multi_reduction <add>, %get3A_7, %reduce_sum3A_8 [0, 1] : vector<25x1x16xf32> to vector<16xf32>
    %broadcast_in_dim3A_10 = vector.shape_cast %reduce_sum3A_9 : vector<16xf32> to vector<1x16xf32>
    %slice3A = vector.extract_strided_slice %broadcast_in_dim3A {offsets = [0, 0], sizes = [1, 10], strides = [1, 1]} : vector<1x16xf32> to vector<1x10xf32>
    %slice3A_11 = vector.extract_strided_slice %broadcast_in_dim3A_10 {offsets = [0, 0], sizes = [1, 10], strides = [1, 1]} : vector<1x16xf32> to vector<1x10xf32>
    %concatenate3A = tpu.concatenate %slice3A, %slice3A_11 in 1 : vector<1x10xf32>, vector<1x10xf32> -> vector<1x20xf32>
    %get3A_12 = arith.constant 0 : index
    %get3A_13 = arith.constant 0 : index
    %get3A_14 = vector.load %arg2[%get3A_12, %get3A_13] : memref<20x15xf32, #tpu.memory_space<vmem>>, vector<20x15xf32>
    %dot_general3A = arith.constant dense<0.000000e+00> : vector<1x15xf32>
    %dot_general3A_15 = tpu.matmul %concatenate3A, %get3A_14, %dot_general3A {dimension_numbers = #tpu.dot_dimension_numbers<[1], [0], [0], [1], [0, 0, 1, 1], [], []>, transpose_lhs_hint = false} : vector<1x20xf32>, vector<20x15xf32>, vector<1x15xf32> -> vector<1x15xf32>
    %get3A_16 = arith.constant 0 : index
    %get3A_17 = arith.constant 0 : index
    %get3A_18 = vector.load %arg3[%get3A_16, %get3A_17] : memref<1x15xf32, #tpu.memory_space<vmem>>, vector<1x15xf32>
    %add3A = arith.addf %dot_general3A_15, %get3A_18 : vector<1x15xf32>
    %gt3A = arith.constant 0.000000e+00 : f32
    %gt3A_19 = vector.broadcast %gt3A : f32 to vector<1x15xf32>
    %gt3A_20 = arith.cmpf ogt, %add3A, %gt3A_19 : vector<1x15xf32>
    %exp3A = math.exp %add3A : vector<1x15xf32>
    %sub3A = arith.constant 1.000000e+00 : f32
    %sub3A_21 = vector.broadcast %sub3A : f32 to vector<1x15xf32>
    %sub3A_22 = arith.subf %exp3A, %sub3A_21 : vector<1x15xf32>
    %mul3A = arith.constant 1.67326319 : f32
    %mul3A_23 = vector.broadcast %mul3A : f32 to vector<1x15xf32>
    %mul3A_24 = arith.mulf %mul3A_23, %sub3A_22 : vector<1x15xf32>
    %select_n3A = arith.select %gt3A_20, %add3A, %mul3A_24 : vector<1x15xi1>, vector<1x15xf32>
    %mul3A_25 = arith.constant 1.05070102 : f32
    %mul3A_26 = vector.broadcast %mul3A_25 : f32 to vector<1x15xf32>
    %mul3A_27 = arith.mulf %mul3A_26, %select_n3A : vector<1x15xf32>
    %get3A_28 = arith.constant 0 : index
    %get3A_29 = arith.constant 0 : index
    %get3A_30 = vector.load %arg4[%get3A_28, %get3A_29] : memref<15x15xf32, #tpu.memory_space<vmem>>, vector<15x15xf32>
    %dot_general3A_31 = arith.constant dense<0.000000e+00> : vector<1x15xf32>
    %dot_general3A_32 = tpu.matmul %mul3A_27, %get3A_30, %dot_general3A_31 {dimension_numbers = #tpu.dot_dimension_numbers<[1], [0], [0], [1], [0, 0, 1, 1], [], []>, transpose_lhs_hint = false} : vector<1x15xf32>, vector<15x15xf32>, vector<1x15xf32> -> vector<1x15xf32>
    %get3A_33 = arith.constant 0 : index
    %get3A_34 = arith.constant 0 : index
    %get3A_35 = vector.load %arg5[%get3A_33, %get3A_34] : memref<1x15xf32, #tpu.memory_space<vmem>>, vector<1x15xf32>
    %add3A_36 = arith.addf %dot_general3A_32, %get3A_35 : vector<1x15xf32>
    %gt3A_37 = arith.constant 0.000000e+00 : f32
    %gt3A_38 = vector.broadcast %gt3A_37 : f32 to vector<1x15xf32>
    %gt3A_39 = arith.cmpf ogt, %add3A_36, %gt3A_38 : vector<1x15xf32>
    %exp3A_40 = math.exp %add3A_36 : vector<1x15xf32>
    %sub3A_41 = arith.constant 1.000000e+00 : f32
    %sub3A_42 = vector.broadcast %sub3A_41 : f32 to vector<1x15xf32>
    %sub3A_43 = arith.subf %exp3A_40, %sub3A_42 : vector<1x15xf32>
    %mul3A_44 = arith.constant 1.67326319 : f32
    %mul3A_45 = vector.broadcast %mul3A_44 : f32 to vector<1x15xf32>
    %mul3A_46 = arith.mulf %mul3A_45, %sub3A_43 : vector<1x15xf32>
    %select_n3A_47 = arith.select %gt3A_39, %add3A_36, %mul3A_46 : vector<1x15xi1>, vector<1x15xf32>
    %mul3A_48 = arith.constant 1.05070102 : f32
    %mul3A_49 = vector.broadcast %mul3A_48 : f32 to vector<1x15xf32>
    %mul3A_50 = arith.mulf %mul3A_49, %select_n3A_47 : vector<1x15xf32>
    %get3A_51 = arith.constant 0 : index
    %get3A_52 = arith.constant 0 : index
    %get3A_53 = vector.load %arg6[%get3A_51, %get3A_52] : memref<15x10xf32, #tpu.memory_space<vmem>>, vector<15x10xf32>
    %dot_general3A_54 = arith.constant dense<0.000000e+00> : vector<1x10xf32>
    %dot_general3A_55 = tpu.matmul %mul3A_50, %get3A_53, %dot_general3A_54 {dimension_numbers = #tpu.dot_dimension_numbers<[1], [0], [0], [1], [0, 0, 1, 1], [], []>, transpose_lhs_hint = false} : vector<1x15xf32>, vector<15x10xf32>, vector<1x10xf32> -> vector<1x10xf32>
    %get3A_56 = arith.constant 0 : index
    %get3A_57 = arith.constant 0 : index
    %get3A_58 = vector.load %arg7[%get3A_56, %get3A_57] : memref<1x10xf32, #tpu.memory_space<vmem>>, vector<1x10xf32>
    %add3A_59 = arith.addf %dot_general3A_55, %get3A_58 : vector<1x10xf32>
    %swap3A = arith.constant 0 : index
    %swap3A_60 = arith.constant 0 : index
    %swap3A_61 = vector.load %arg8[%swap3A, %swap3A_60] : memref<1x10xf32, #tpu.memory_space<vmem>>, vector<1x10xf32>
    tpu.vector_store %arg8[%swap3A, %swap3A_60], %add3A_59 {strides = array<i32>} : memref<1x10xf32, #tpu.memory_space<vmem>>, vector<1x10xf32>,
    return
  }
}

</mosaic_0001>

<sc_bundles>
// kernel: kernel.10.cloned.1.call-start
scs
__scs_entry_jumppad:
0x0: {  	(pc) =	sbr.rel $0x88, $3  }
0x1: {  	(tag) =	ssettag $0x0;
	lr =	simm.s32 $0x1  }
0x2: {  	[smem:$0x3F8D] =	sst lr;
	_ =	strace $0xD0000000  }
0x3: {  	_ = 	snop  }
0x4: {  	_ = 	snop  }
0x5: {  	_ = 	snop  }
0x6: {  	_ = 	snop  }
0x7: {  	_ = 	snop  }
__scs_overlays_trampoline_lowered:
0x8: {  	[smem:$0x3F9C] =	sst s0  }
0x9: {  	[smem:$0x3F9D] =	sst s1  }
0xa: {  	[smem:$0x3F9E] =	sst s2  }
0xb: {  	[smem:$0x3F9F] =	sst s3  }
0xc: {  	[smem:$0x3FA0] =	sst s4  }
0xd: {  	[smem:$0x3FA1] =	sst s5  }
0xe: {  	[smem:$0x3FA2] =	sst s6  }
0xf: {  	[smem:$0x3FA3] =	sst s7  }
0x10: {  	[smem:$0x3FA4] =	sst s8  }
0x11: {  	[smem:$0x3FA5] =	sst s9;
	s0 =	simm.s32 @!p0 $0x0  }
0x12: {  	s1 =	sld [smem:$0x3F8B];
	s0 =	simm.s32 @p0 $0x1  }
0x13: {  	[smem:$0x3FA6] =	sst s0;
	s0 =	simm.s32 @!p1 $0x0  }
0x14: {  	s2 =	sld [smem:$0x3F8A];
	s0 =	simm.s32 @p1 $0x1  }
0x15: {  	[smem:$0x3FA7] =	sst s0;
	s0 =	simm.s32 @!p2 $0x0  }
0x16: {  	s3 =	sld [smem:$0x3FDB];
	s0 =	simm.s32 @p2 $0x1  }
0x17: {  	s4 =	simm.s32 $0x1BF5;
	[smem:$0x3FA9] =	sst s0  }
0x18: {  	s0 =	sld [smem:$0x3F8C];
	_ =	swait.ge [sflag:s4], $0x0  }
0x19: {  	s7 =	sld [smem:$0x3F8D]  }
0x1a: {  	s8 =	sadd.s32 $0xFFFFE003, lr  }
0x1b: {  	s9 =	sadd.s32 $0xFFFFFEF7, lr;
	s5 =	simm.s32 $0xFFFFFFFF;
	p2 =	slt.u32 s8, $0xFFFFF086  }
0x1c: {  	p1 =	slt.u32 s9, $0xF7A;
	s5 =	simm.s32 @!p2 $0x0  }
0x1d: {  	s5 =	simm.s32 @p1 $0x1;
	p0 =	seq.s32 s7, s2  }
0x1e: {  	s7 =	smul.u32 @!p0 $0xF7A, s2;
	p2 =	seq.s32 @!p0 s5, $0x0  }
0x1f: {  	s9 =	smul.u32 $0xF7A, s1;
	s8 =	simm.s32 @!p0 $0x1BF5;
	p2 =	por !p2, p0  }
0x20: {  	[sflag:s8] =	ssyncset.s32 @!p0 $0xFFFFF086;
	s6 =	sadd.s32 @!p0 s3, s7;
	s7 =	simm.s32 @!p0 $0x108  }
0x21: {  	s3 =	sadd.s32 s3, s9;
	s6 =	sadd.s32 @!p0 $0x88, s6;
	s7 =	simm.s32 @p2 $0x1082  }
0x22: {  	[simem:s7], [sflag:s8] =	dma.local @!p0 [hbm:s6], $0xF7A  }
0x23: {  	s9 =	sor.u32 $0xD0000000, s2;
	s6 =	simm.s32 $0x108;
	_ =	swait.ge @!p0 [sflag:s8], $0x0  }
0x24: {  	s3 =	sadd.s32 $0x88, s3;
	s6 =	simm.s32 @!p1 $0x1082;
	[sflag:s4] =	ssyncset.s32 $0xFFFFF086  }
0x25: {  	[simem:s6], [sflag:s4] =	dma.local [hbm:s3], $0xF7A  }
0x26: {  	[smem:$0x3F8D] =	sst s1;
	(tag) =	ssettag s2;
	_ =	strace s9  }
0x27: {  	s1 =	sld [smem:$0x3F9D]  }
0x28: {  	s2 =	sld [smem:$0x3F9E]  }
0x29: {  	s4 =	sld [smem:$0x3FA0]  }
0x2a: {  	p0 =	seq.s32 s5, $0x0;
	s5 =	sld [smem:$0x3FA1]  }
0x2b: {  	s6 =	sld [smem:$0x3FA2]  }
0x2c: {  	s7 =	sld [smem:$0x3FA3]  }
0x2d: {  	s3 =	simm.s32 $0x108;
	s8 =	sld [smem:$0x3FA4]  }
0x2e: {  	s3 =	simm.s32 @!p0 $0x1082;
	s9 =	sld [smem:$0x3FA5]  }
0x2f: {  	lr =	sadd.s32 s0, s3;
	s0 =	sld [smem:$0x3F9C]  }
0x30: {  	s3 =	sld [smem:$0x3F9F]  }
0x31: {  	[smem:$0x3FA8] =	sst s10  }
0x32: {  	s10 =	sld [smem:$0x3FA6];
	_ =	sdelay $0x3  }
0x33: {  	p0 =	seq.s32 s10, $0x1;
	s10 =	sld [smem:$0x3FA8];
	_ =	sdelay $0x3  }
0x34: {  	[smem:$0x3FA8] =	sst s10  }
0x35: {  	s10 =	sld [smem:$0x3FA7];
	_ =	sdelay $0x3  }
0x36: {  	p1 =	seq.s32 s10, $0x1;
	s10 =	sld [smem:$0x3FA8];
	_ =	sdelay $0x3  }
0x37: {  	[smem:$0x3FA8] =	sst s10  }
0x38: {  	s10 =	sld [smem:$0x3FA9]  }
0x39: {  	_ = 	snop;
	(pc) =	sbr.ind lr, $3  }
0x3a: {  	_ = 	snop  }
0x3b: {  	_ = 	snop  }
0x3c: {  	p2 =	seq.s32 s10, $0x1;
	s10 =	sld [smem:$0x3FA8]  }
0x3d: {  	_ =	shalt  }
0x3e: {  	_ =	shalt  }
0x3f: {  	_ =	shalt  }
0x40: {  	_ =	shalt  }
0x41: {  	_ =	shalt  }
0x42: {  	_ =	shalt  }
0x43: {  	_ =	shalt  }
0x44: {  	_ =	shalt  }
0x45: {  	_ =	shalt  }
0x46: {  	_ =	shalt  }
0x47: {  	_ =	shalt  }
0x48: {  	_ =	shalt  }
0x49: {  	_ =	shalt  }
0x4a: {  	_ =	shalt  }
0x4b: {  	_ =	shalt  }
0x4c: {  	_ =	shalt  }
0x4d: {  	_ =	shalt  }
0x4e: {  	_ =	shalt  }
0x4f: {  	_ =	shalt  }
0x50: {  	_ =	shalt  }
0x51: {  	_ =	shalt  }
0x52: {  	_ =	shalt  }
0x53: {  	_ =	shalt  }
0x54: {  	_ =	shalt  }
0x55: {  	_ =	shalt  }
0x56: {  	_ =	shalt  }
0x57: {  	_ =	shalt  }
0x58: {  	_ =	shalt  }
0x59: {  	_ =	shalt  }
0x5a: {  	_ =	shalt  }
0x5b: {  	_ =	shalt  }
0x5c: {  	_ =	shalt  }
0x5d: {  	_ =	shalt  }
0x5e: {  	_ =	shalt  }
0x5f: {  	_ =	shalt  }
0x60: {  	_ =	shalt  }
0x61: {  	_ =	shalt  }
0x62: {  	_ =	shalt  }
0x63: {  	_ =	shalt  }
0x64: {  	_ =	shalt  }
0x65: {  	_ =	shalt  }
0x66: {  	_ =	shalt  }
0x67: {  	_ =	shalt  }
0x68: {  	_ =	shalt  }
0x69: {  	_ =	shalt  }
0x6a: {  	_ =	shalt  }
0x6b: {  	_ =	shalt  }
0x6c: {  	_ =	shalt  }
0x6d: {  	_ =	shalt  }
0x6e: {  	_ =	shalt  }
0x6f: {  	_ =	shalt  }
0x70: {  	_ =	shalt  }
0x71: {  	_ =	shalt  }
0x72: {  	_ =	shalt  }
0x73: {  	_ =	shalt  }
0x74: {  	_ =	shalt  }
0x75: {  	_ =	shalt  }
0x76: {  	_ =	shalt  }
0x77: {  	_ =	shalt  }
0x78: {  	_ =	shalt  }
0x79: {  	_ =	shalt  }
0x7a: {  	_ =	shalt  }
0x7b: {  	_ =	shalt  }
0x7c: {  	_ =	shalt  }
0x7d: {  	_ =	shalt  }
0x7e: {  	_ =	shalt  }
0x7f: {  	_ =	shalt  }
0x80: {  	_ =	shalt  }
0x81: {  	_ =	shalt  }
0x82: {  	_ =	shalt  }
0x83: {  	_ =	shalt  }
0x84: {  	_ =	shalt  }
0x85: {  	_ =	shalt  }
0x86: {  	_ =	shalt  }
0x87: {  	_ =	shalt  }
.Lfunc_end0:
.L_simem_size_0:
called_computation.1_lowered:
.L_overlay_start_0:
0x88: {  	s2 =	sld [smem:$0x3FD9]  }
0x89: {  	s3 =	sld [smem:$0x3FFE];
	_ =	sdelay $0x1  }
0x8a: {  	s1 =	srdreg.scid  }
0x8b: {  	s0 =	sand.u32 $0x1, s1  }
0x8c: {  	s14 =	sshll.u32 s0, $0xA;
	s2 =	sadd.s32 s3, s2  }
0x8d: {  	s2 =	sadd.s32 s2, s14  }
0x8e: {  	[smem:$0x3FB4] =	sst s2  }
0x8f: {  	_ = 	snop  }
0x90: {  	s2 =	sld [smem:$0x3FD0];
	_ =	sdelay $0x2  }
0x91: {  	s15 =	simm.s32 $0xA;
	s4 =	simm.s32 $0x10  }
0x92: {  	[smem:s4], [sflag:s15] =	dma.local [hbm:s2], $0x1  }
0x93: {  	_ =	swait.eq [sflag:s15], $0x1  }
0x94: {  	[sflag:s15] =	ssyncset.done $0x0  }
0x95: {  	[sflag:s15] =	ssyncadd.s32 $0xFFFFFFFF  }
0x96: {  	s16 =	sld [smem:$0x10];
	(tm) =	ssettm $0x1  }
0x97: {  	s17 =	sld [smem:$0x3FFB];
	_ =	sdelay $0x3  }
0x98: {  	_ =	strace s17  }
0x99: {  	s3 =	sld [smem:$0x3FFC];
	_ =	sdelay $0x3  }
0x9a: {  	_ =	strace s3  }
0x9b: {  	s3 =	sld [smem:$0x3FFD];
	_ =	sdelay $0x3  }
0x9c: {  	_ =	strace s3  }
0x9d: {  	_ =	strace $0x8FFFFFFF  }
0x9e: {  	s18 =	sld [smem:$0x3FDB];
	_ =	sdelay $0x1  }
0x9f: {  	s19 =	simm.s32 $_scs_section_size  }
0xa0: {  	s5 =	simm.s32 $_size__tile_overlayer_lowered;
	s6 =	simm.s32 $_tile_overlayer_lowered  }
0xa1: {  	s22 =	simm.s32 $0x1BFF;
	s21 =	sshll.u32 s6, $0x1;
	s3 =	sadd.s32 s19, s18  }
0xa2: {  	s7 =	simm.s32 $0x0;
	s20 =	sshll.u32 s5, $0x1;
	s5 =	sadd.s32 s21, s3  }
0xa3: {  	[timem:s7], [sflag:s22] =	dma.local [hbm:s5], s20  }
0xa4: {  	_ =	swait.ge [sflag:s22], s20  }
0xa5: {  	s4 =	ssub.s32 $0x0, s20;
	[sflag:s22] =	ssyncset.done $0x0  }
0xa6: {  	[sflag:s22] =	ssyncadd.s32 s4;
	_ =	sdelay $0x1  }
0xa7: {  	s23 =	simm.s32 $0x1B8B  }
0xa8: {  	_ =	swait.ge [sflag:s23], $0x1  }
0xa9: {  	[sflag:s23] =	ssyncset.done $0x0  }
0xaa: {  	s25 =	simm.s32 $0x1B8E;
	s24 =	sld [smem:$0x3FFE];
	[sflag:s23] =	ssyncadd.s32 $0xFFFFFFFF  }
0xab: {  	s26 =	simm.s32 $execute0_lowered;
	[smem:$0x3FD2] =	sst s25  }
0xac: {  	s5 =	sshll.u32 s26, $0x1;
	_ =	strace $0x80000049;
	[dreg:$0x1] =	wrdreg $0xFFFFFFFF  }
0xad: {  	s28 =	simm.s32 $_size_execute0_lowered;
	s3 =	sadd.s32 s3, s5;
	[dreg:$0x0] =	wrdreg $0x0  }
0xae: {  	s5 =	sshll.u32 s28, $0x1;
	[dreg:$0x2] =	wrdreg s3  }
0xaf: {  	[dreg:$0x3] =	wrdreg s5  }
0xb0: {  	[dreg:$0x4] =	wrdreg $0xC0  }
0xb1: {  	_ =	task [dreg:s7], $0x5FFFF  }
0xb2: {  	[dreg:$0x1] =	wrdreg $0xFFFFFFFF  }
0xb3: {  	[dreg:$0x0] =	wrdreg $0x60  }
0xb4: {  	[dreg:$0x2] =	wrdreg s24  }
0xb5: {  	[dreg:$0x3] =	wrdreg s16  }
0xb6: {  	[dreg:$0x4] =	wrdreg $0x0  }
0xb7: {  	[dreg:$0x5] =	wrdreg $0x9  }
0xb8: {  	_ =	task.clear_ibuf [dreg:s7], $0x6FFFF;
	_ =	strace $0x90000049  }
0xb9: {  	s29 =	simm.s32 $0x9;
	_ =	strace $0x8000004B  }
0xba: {  	_ =	swait.ge [sflag:s29], $0x1  }
0xbb: {  	[sflag:s29] =	ssyncadd.s32 $0xFFFFFFFF  }
0xbc: {  	_ =	strace $0x9000004B  }
0xbd: {  	_ =	sfence  }
0xbe: {  	s30 =	sld [smem:$0x0];
	_ =	sdelay $0x2  }
0xbf: {  	s31 =	sshll.u32 s1, $0xD;
	s1 =	sshrl.u32 s1, $0x2  }
0xc0: {  	s3 =	sand.u32 $0x4000, s31;
	s1 =	sadd.s32 s1, s30  }
0xc1: {  	s0 =	sor.u32 s3, s0;
	s1 =	sshll.u32 s1, $0x11  }
0xc2: {  	s0 =	sor.u32 s1, s0  }
0xc3: {  	s0 =	sadd.s32 $0x8F2B, s0  }
0xc4: {  	[sflag:s0] =	ssyncadd.remote.s32 $0x1  }
0xc5: {  	_ =	sfence.sel $0xFFFF  }
0xc6: {  	[dreg:$0x0] =	wrdreg $0xFFFFFFFF;
	(pc) =	sbr.abs _section_cstart, $3  }
0xc7: {  	[dreg:$0x1] =	wrdreg $0xFFFFFFFF  }
0xc8: {  	_ =	task.clear_ibuf [dreg:s7], $0x2FFFF;
	_ =	strace $0x9FFFFFFF  }
0xc9: {  	(tm) =	ssettm $0x7FFFFFFF  }
tec
execute0_lowered:
.L_overlay_start_1:
0x0: {  	(tag) =	ssettag $0x1  }
0x1: {  	s0 =	rddreg [dreg:$0x0]  }
0x2: {  	s1 =	srdreg.scid;
	s3 =	simm.s32 $0x0;
	s10 =	stileid.u32  }
0x3: {  	s12 =	simm.s32 $0x18D00;
	s13 =	simm.s32 $0x7D;
	s14 =	simm.s32 $0x18880  }
0x4: {  	s15 =	simm.s32 $0x194D0;
	s16 =	simm.s32 $0x18900;
	s17 =	simm.s32 $0x19CA0  }
0x5: {  	s18 =	simm.s32 $0x18980;
	s19 =	simm.s32 $0x1A470;
	s20 =	simm.s32 $0x18A00  }
0x6: {  	s21 =	simm.s32 $0x1AC40;
	s22 =	simm.s32 $0x18A80;
	s28 =	simm.s32 $0x1C3B0  }
0x7: {  	s29 =	simm.s32 $0x18C00;
	s30 =	simm.s32 $0x1CB80;
	s7 =	smul.u32 $0x18800, s10  }
0x8: {  	s31 =	simm.s32 $0x18C80;
	s1 =	sand.u32 $0x1, s1;
	s24 =	smul.u32 $0x1900, s10  }
0x9: {  	[smem:$0x7FF] =	sst s3;
	s9 =	sshll.u32 s10, $0x6;
	s10 =	smul.u32 $0x186A0, s10  }
0xa: {  	s2 =	rddreg [dreg:$0x2];
	s4 =	smul.u32 $0x186A00, s1;
	_ =	strace $0x8000004A  }
0xb: {  	s5 =	smul.u32 $0x19000, s1;
	s6 =	ssub.s32 $0x2, s1;
	s11 =	sor.u32 $0x1C02, s9  }
0xc: {  	p0 =	seq.s32 s1, $0x1;
	s1 =	simm.s32 $0x1BF000;
	s8 =	sshrl.u32 s6, $0x1  }
0xd: {  	s23 =	sadd.s32 s7, s2;
	s7 =	sshrl.u32 s7, $0x3;
	s1 =	simm.s32 @!p0 $0x1F0000  }
0xe: {  	s4 =	sadd.s32 s4, s0;
	s5 =	sadd.s32 s5, s0;
	s6 =	ssub.s32 s6, s8  }
0xf: {  	s0 =	sadd.s32 s1, s0;
	s6 =	smax.u32 s6, $0x1;
	s25 =	sadd.s32 s24, s5  }
0x10: {  	s0 =	sadd.s32 s0, s7;
	s26 =	sadd.s32 s10, s4;
	s7 =	sshrl.u32 s23, $0x3  }
0x11: {  	s10 =	simm.s32 $0x2;
	s23 =	simm.s32 $0x1B410;
	[dreg:$0x6] =	wrdreg s6  }
0x12: {  	s24 =	simm.s32 $0x18B00;
	s4 =	simm.s32 $0x1;
	[dreg:$0x7] =	wrdreg s0  }
0x13: {  	s6 =	smov.u32 s11;
	s0 =	sadd.s32 $0x1A2AA00, s26;
	[dreg:$0x9] =	wrdreg s7  }
0x14: {  	s1 =	sadd.s32 $0x18D000, s25;
	s11 =	simm.s32 $0x18800;
	[dreg:$0x8] =	wrdreg s0  }
0x15: {  	s25 =	simm.s32 $0x1BBE0;
	s26 =	simm.s32 $0x18B80;
	[dreg:$0x4] =	wrdreg s1  }
0x16: {  	s0 =	simm.s32 $0x1D350;
	s1 =	simm.s32 $0x0;
	[dreg:$0x5] =	wrdreg s6  }
.LBB2_1:
0x17: {  	s5 =	rddreg [dreg:$0x1]  }
0x18: {  	[spmem:s7], [sflag:s6] =	dma.local [hbm:s5], $0x3100  }
0x19: {  	_ =	swait.ge [sflag:s10], $0x3100  }
0x1a: {  	[sflag:s10] =	ssyncset.done $0x0  }
0x1b: {  	[sflag:s10] =	ssyncadd.s32 $0xFFFFCF00  }
0x1c: {  	[bflag:$0x0] =	sbarrier.arrive $0xFFFF  }
0x1d: {  	s9 =	rddreg [dreg:$0x4]  }
0x1e: {  	s5 =	sadd.s32 $0x0, s9  }
0x1f: {  	[tilespmem:s11], [sflag:$0x2] =	stream.linear.gather [hbm4b:s5+s3], $0x500, $0x38;
	[tilespmem:$0x1DB20] =	vst v63  }
0x20: {  	_ =	swait.ge [sflag:s10], $0x500  }
0x21: {  	[sflag:s10] =	ssyncset.done $0x0  }
0x22: {  	s8 =	rddreg [dreg:$0x8];
	[sflag:s10] =	ssyncadd.s32 $0xFFFFFB00  }
0x23: {  	[tilespmem:s12], [sflag:$0x2] =	stream.linear.gather [hbm4b:s8+s3], $0x4E20, $0x38;
	[tilespmem:$0x1DB20] =	vst v63  }
0x24: {  	_ =	swait.ge [sflag:s10], $0x4E20  }
0x25: {  	[sflag:s10] =	ssyncset.done $0x0  }
0x26: {  	[sflag:s10] =	ssyncadd.s32 $0xFFFFB1E0  }
0x27: {  	[spmem:s2] =	stream.indirect.scatter.add.f32 [tilespmem:s12], [sflag:$0x1], $0x10, s11, s13, $0xb8;
	[tilespmem:$0x1DB20] =	vst v63  }
0x28: {  	_ = 	snop  }
0x29: {  	[spmem:s2] =	stream.indirect.scatter.add.f32 [tilespmem:s15], [sflag:$0x1], $0x10, s14, s13, $0xb8;
	[tilespmem:$0x1DB20] =	vst v63  }
0x2a: {  	_ = 	snop  }
0x2b: {  	[spmem:s2] =	stream.indirect.scatter.add.f32 [tilespmem:s17], [sflag:$0x1], $0x10, s16, s13, $0xb8;
	[tilespmem:$0x1DB20] =	vst v63  }
0x2c: {  	_ = 	snop  }
0x2d: {  	[spmem:s2] =	stream.indirect.scatter.add.f32 [tilespmem:s19], [sflag:$0x1], $0x10, s18, s13, $0xb8;
	[tilespmem:$0x1DB20] =	vst v63  }
0x2e: {  	_ = 	snop  }
0x2f: {  	[spmem:s2] =	stream.indirect.scatter.add.f32 [tilespmem:s21], [sflag:$0x1], $0x10, s20, s13, $0xb8;
	[tilespmem:$0x1DB20] =	vst v63  }
0x30: {  	_ = 	snop  }
0x31: {  	[spmem:s2] =	stream.indirect.scatter.add.f32 [tilespmem:s23], [sflag:$0x1], $0x10, s22, s13, $0xb8;
	[tilespmem:$0x1DB20] =	vst v63  }
0x32: {  	_ = 	snop  }
0x33: {  	[spmem:s2] =	stream.indirect.scatter.add.f32 [tilespmem:s25], [sflag:$0x1], $0x10, s24, s13, $0xb8;
	[tilespmem:$0x1DB20] =	vst v63  }
0x34: {  	_ = 	snop  }
0x35: {  	[spmem:s2] =	stream.indirect.scatter.add.f32 [tilespmem:s28], [sflag:$0x1], $0x10, s26, s13, $0xb8;
	[tilespmem:$0x1DB20] =	vst v63  }
0x36: {  	_ = 	snop  }
0x37: {  	[spmem:s2] =	stream.indirect.scatter.add.f32 [tilespmem:s30], [sflag:$0x1], $0x10, s29, s13, $0xb8;
	[tilespmem:$0x1DB20] =	vst v63  }
0x38: {  	_ = 	snop  }
0x39: {  	[spmem:s2] =	stream.indirect.scatter.add.f32 [tilespmem:s0], [sflag:$0x1], $0x10, s31, s13, $0xb8;
	[tilespmem:$0x1DB20] =	vst v63  }
0x3a: {  	_ =	swait.ge [sflag:s4], $0x7D0  }
0x3b: {  	[sflag:s4] =	ssyncset.done $0x0  }
0x3c: {  	[sflag:s4] =	ssyncadd.s32 $0xFFFFF830  }
0x3d: {  	_ =	swait.ge [sflag:s4], $0x7D0  }
0x3e: {  	[sflag:s4] =	ssyncset.done $0x0  }
0x3f: {  	[sflag:s4] =	ssyncadd.s32 $0xFFFFF830  }
0x40: {  	_ =	swait.ge [sflag:s4], $0x7D0  }
0x41: {  	[sflag:s4] =	ssyncset.done $0x0  }
0x42: {  	[sflag:s4] =	ssyncadd.s32 $0xFFFFF830  }
0x43: {  	_ =	swait.ge [sflag:s4], $0x7D0  }
0x44: {  	[sflag:s4] =	ssyncset.done $0x0  }
0x45: {  	[sflag:s4] =	ssyncadd.s32 $0xFFFFF830  }
0x46: {  	_ =	swait.ge [sflag:s4], $0x7D0  }
0x47: {  	[sflag:s4] =	ssyncset.done $0x0  }
0x48: {  	[sflag:s4] =	ssyncadd.s32 $0xFFFFF830  }
0x49: {  	_ =	swait.ge [sflag:s4], $0x7D0  }
0x4a: {  	[sflag:s4] =	ssyncset.done $0x0  }
0x4b: {  	[sflag:s4] =	ssyncadd.s32 $0xFFFFF830  }
0x4c: {  	_ =	swait.ge [sflag:s4], $0x7D0  }
0x4d: {  	[sflag:s4] =	ssyncset.done $0x0  }
0x4e: {  	[sflag:s4] =	ssyncadd.s32 $0xFFFFF830  }
0x4f: {  	_ =	swait.ge [sflag:s4], $0x7D0  }
0x50: {  	[sflag:s4] =	ssyncset.done $0x0  }
0x51: {  	[sflag:s4] =	ssyncadd.s32 $0xFFFFF830  }
0x52: {  	_ =	swait.ge [sflag:s4], $0x7D0  }
0x53: {  	[sflag:s4] =	ssyncset.done $0x0  }
0x54: {  	[sflag:s4] =	ssyncadd.s32 $0xFFFFF830  }
0x55: {  	s7 =	simm.s32 $0xA0;
	_ =	swait.ge [sflag:s4], $0x7D0  }
0x56: {  	s5 =	simm.s32 $0x140;
	s9 =	rddreg [dreg:$0x4];
	[sflag:s4] =	ssyncset.done $0x0  }
.LBB2_2:
0x57: {  	[sflag:s4] =	ssyncadd.s32 $0xFFFFF830;
	s9 =	sadd.s32 s7, s9  }
0x58: {  	[tilespmem:s11], [sflag:$0x2] =	stream.linear.gather [hbm4b:s9+s3], $0x500, $0x38;
	[tilespmem:$0x1DB20] =	vst v63  }
0x59: {  	_ =	swait.ge [sflag:s10], $0x500  }
0x5a: {  	[sflag:s10] =	ssyncset.done $0x0  }
0x5b: {  	s8 =	sadd.s32 $0x9C4, s8;
	[sflag:s10] =	ssyncadd.s32 $0xFFFFFB00  }
0x5c: {  	[tilespmem:s12], [sflag:$0x2] =	stream.linear.gather [hbm4b:s8+s3], $0x4E20, $0x38;
	[tilespmem:$0x1DB20] =	vst v63  }
0x5d: {  	_ =	swait.ge [sflag:s10], $0x4E20  }
0x5e: {  	[sflag:s10] =	ssyncset.done $0x0  }
0x5f: {  	[sflag:s10] =	ssyncadd.s32 $0xFFFFB1E0  }
0x60: {  	[spmem:s2] =	stream.indirect.scatter.add.f32 [tilespmem:s12], [sflag:$0x1], $0x10, s11, s13, $0xb8;
	[tilespmem:$0x1DB20] =	vst v63  }
0x61: {  	_ = 	snop  }
0x62: {  	[spmem:s2] =	stream.indirect.scatter.add.f32 [tilespmem:s15], [sflag:$0x1], $0x10, s14, s13, $0xb8;
	[tilespmem:$0x1DB20] =	vst v63  }
0x63: {  	_ = 	snop  }
0x64: {  	[spmem:s2] =	stream.indirect.scatter.add.f32 [tilespmem:s17], [sflag:$0x1], $0x10, s16, s13, $0xb8;
	[tilespmem:$0x1DB20] =	vst v63  }
0x65: {  	_ = 	snop  }
0x66: {  	[spmem:s2] =	stream.indirect.scatter.add.f32 [tilespmem:s19], [sflag:$0x1], $0x10, s18, s13, $0xb8;
	[tilespmem:$0x1DB20] =	vst v63  }
0x67: {  	_ = 	snop  }
0x68: {  	[spmem:s2] =	stream.indirect.scatter.add.f32 [tilespmem:s21], [sflag:$0x1], $0x10, s20, s13, $0xb8;
	[tilespmem:$0x1DB20] =	vst v63  }
0x69: {  	_ = 	snop  }
0x6a: {  	[spmem:s2] =	stream.indirect.scatter.add.f32 [tilespmem:s23], [sflag:$0x1], $0x10, s22, s13, $0xb8;
	[tilespmem:$0x1DB20] =	vst v63  }
0x6b: {  	_ = 	snop  }
0x6c: {  	[spmem:s2] =	stream.indirect.scatter.add.f32 [tilespmem:s25], [sflag:$0x1], $0x10, s24, s13, $0xb8;
	[tilespmem:$0x1DB20] =	vst v63  }
0x6d: {  	_ = 	snop  }
0x6e: {  	[spmem:s2] =	stream.indirect.scatter.add.f32 [tilespmem:s28], [sflag:$0x1], $0x10, s26, s13, $0xb8;
	[tilespmem:$0x1DB20] =	vst v63  }
0x6f: {  	_ = 	snop  }
0x70: {  	[spmem:s2] =	stream.indirect.scatter.add.f32 [tilespmem:s30], [sflag:$0x1], $0x10, s29, s13, $0xb8;
	[tilespmem:$0x1DB20] =	vst v63  }
0x71: {  	_ = 	snop  }
0x72: {  	[spmem:s2] =	stream.indirect.scatter.add.f32 [tilespmem:s0], [sflag:$0x1], $0x10, s31, s13, $0xb8;
	[tilespmem:$0x1DB20] =	vst v63  }
0x73: {  	_ =	swait.ge [sflag:s4], $0x7D0  }
0x74: {  	[sflag:s4] =	ssyncset.done $0x0  }
0x75: {  	[sflag:s4] =	ssyncadd.s32 $0xFFFFF830  }
0x76: {  	_ =	swait.ge [sflag:s4], $0x7D0  }
0x77: {  	[sflag:s4] =	ssyncset.done $0x0  }
0x78: {  	[sflag:s4] =	ssyncadd.s32 $0xFFFFF830  }
0x79: {  	_ =	swait.ge [sflag:s4], $0x7D0  }
0x7a: {  	[sflag:s4] =	ssyncset.done $0x0  }
0x7b: {  	[sflag:s4] =	ssyncadd.s32 $0xFFFFF830  }
0x7c: {  	_ =	swait.ge [sflag:s4], $0x7D0  }
0x7d: {  	[sflag:s4] =	ssyncset.done $0x0  }
0x7e: {  	[sflag:s4] =	ssyncadd.s32 $0xFFFFF830  }
0x7f: {  	_ =	swait.ge [sflag:s4], $0x7D0  }
0x80: {  	[sflag:s4] =	ssyncset.done $0x0  }
0x81: {  	[sflag:s4] =	ssyncadd.s32 $0xFFFFF830  }
0x82: {  	_ =	swait.ge [sflag:s4], $0x7D0  }
0x83: {  	[sflag:s4] =	ssyncset.done $0x0  }
0x84: {  	[sflag:s4] =	ssyncadd.s32 $0xFFFFF830  }
0x85: {  	_ =	swait.ge [sflag:s4], $0x7D0  }
0x86: {  	[sflag:s4] =	ssyncset.done $0x0  }
0x87: {  	[sflag:s4] =	ssyncadd.s32 $0xFFFFF830  }
0x88: {  	_ =	swait.ge [sflag:s4], $0x7D0  }
0x89: {  	[sflag:s4] =	ssyncset.done $0x0  }
0x8a: {  	p0 =	sne.s32 s5, $0x1860;
	[sflag:s4] =	ssyncadd.s32 $0xFFFFF830  }
.Ltmp0:
0x8b: {  	_ =	swait.ge [sflag:s4], $0x7D0;
	(pc) =	sbr.rel @p0 .LBB2_2-.Ltmp0, $4  }
0x8c: {  	[sflag:s4] =	ssyncset.done $0x0  }
0x8d: {  	[sflag:s4] =	ssyncadd.s32 $0xFFFFF830  }
0x8e: {  	s6 =	smov.u32 s5;
	s5 =	sadd.s32 $0xA0, s5;
	_ =	swait.ge [sflag:s4], $0x7D0  }
0x8f: {  	s7 =	smov.u32 s6;
	s9 =	rddreg [dreg:$0x4];
	[sflag:s4] =	ssyncset.done $0x0  }
0x90: {  	s5 =	sadd.s32 s7, s9;
	[sflag:s4] =	ssyncadd.s32 $0xFFFFF830  }
0x91: {  	[tilespmem:s11], [sflag:$0x2] =	stream.linear.gather [hbm4b:s5+s3], $0x500, $0x38;
	[tilespmem:$0x1DB20] =	vst v63  }
0x92: {  	_ =	swait.ge [sflag:s10], $0x500  }
0x93: {  	[sflag:s10] =	ssyncset.done $0x0  }
0x94: {  	s7 =	sadd.s32 $0x9C4, s8;
	[sflag:s10] =	ssyncadd.s32 $0xFFFFFB00  }
0x95: {  	[tilespmem:s12], [sflag:$0x2] =	stream.linear.gather [hbm4b:s7+s3], $0x4E20, $0x38;
	[tilespmem:$0x1DB20] =	vst v63  }
0x96: {  	_ =	swait.ge [sflag:s10], $0x4E20  }
0x97: {  	[sflag:s10] =	ssyncset.done $0x0  }
0x98: {  	[sflag:s10] =	ssyncadd.s32 $0xFFFFB1E0  }
0x99: {  	[spmem:s2] =	stream.indirect.scatter.add.f32 [tilespmem:s12], [sflag:$0x1], $0x10, s11, s13, $0xb8;
	[tilespmem:$0x1DB20] =	vst v63  }
0x9a: {  	_ = 	snop  }
0x9b: {  	[spmem:s2] =	stream.indirect.scatter.add.f32 [tilespmem:s15], [sflag:$0x1], $0x10, s14, s13, $0xb8;
	[tilespmem:$0x1DB20] =	vst v63  }
0x9c: {  	_ = 	snop  }
0x9d: {  	[spmem:s2] =	stream.indirect.scatter.add.f32 [tilespmem:s17], [sflag:$0x1], $0x10, s16, s13, $0xb8;
	[tilespmem:$0x1DB20] =	vst v63  }
0x9e: {  	_ = 	snop  }
0x9f: {  	[spmem:s2] =	stream.indirect.scatter.add.f32 [tilespmem:s19], [sflag:$0x1], $0x10, s18, s13, $0xb8;
	[tilespmem:$0x1DB20] =	vst v63  }
0xa0: {  	_ = 	snop  }
0xa1: {  	[spmem:s2] =	stream.indirect.scatter.add.f32 [tilespmem:s21], [sflag:$0x1], $0x10, s20, s13, $0xb8;
	[tilespmem:$0x1DB20] =	vst v63  }
0xa2: {  	_ = 	snop  }
0xa3: {  	[spmem:s2] =	stream.indirect.scatter.add.f32 [tilespmem:s23], [sflag:$0x1], $0x10, s22, s13, $0xb8;
	[tilespmem:$0x1DB20] =	vst v63  }
0xa4: {  	_ = 	snop  }
0xa5: {  	[spmem:s2] =	stream.indirect.scatter.add.f32 [tilespmem:s25], [sflag:$0x1], $0x10, s24, s13, $0xb8;
	[tilespmem:$0x1DB20] =	vst v63  }
0xa6: {  	_ = 	snop  }
0xa7: {  	[spmem:s2] =	stream.indirect.scatter.add.f32 [tilespmem:s28], [sflag:$0x1], $0x10, s26, s13, $0xb8;
	[tilespmem:$0x1DB20] =	vst v63  }
0xa8: {  	_ = 	snop  }
0xa9: {  	[spmem:s2] =	stream.indirect.scatter.add.f32 [tilespmem:s30], [sflag:$0x1], $0x10, s29, s13, $0xb8;
	[tilespmem:$0x1DB20] =	vst v63  }
0xaa: {  	_ = 	snop  }
0xab: {  	[spmem:s2] =	stream.indirect.scatter.add.f32 [tilespmem:s0], [sflag:$0x1], $0x10, s31, s13, $0xb8;
	[tilespmem:$0x1DB20] =	vst v63  }
0xac: {  	_ =	swait.ge [sflag:s4], $0x7D0  }
0xad: {  	[sflag:s4] =	ssyncset.done $0x0  }
0xae: {  	[sflag:s4] =	ssyncadd.s32 $0xFFFFF830  }
0xaf: {  	_ =	swait.ge [sflag:s4], $0x7D0  }
0xb0: {  	[sflag:s4] =	ssyncset.done $0x0  }
0xb1: {  	[sflag:s4] =	ssyncadd.s32 $0xFFFFF830  }
0xb2: {  	_ =	swait.ge [sflag:s4], $0x7D0  }
0xb3: {  	[sflag:s4] =	ssyncset.done $0x0  }
0xb4: {  	[sflag:s4] =	ssyncadd.s32 $0xFFFFF830  }
0xb5: {  	_ =	swait.ge [sflag:s4], $0x7D0  }
0xb6: {  	[sflag:s4] =	ssyncset.done $0x0  }
0xb7: {  	[sflag:s4] =	ssyncadd.s32 $0xFFFFF830  }
0xb8: {  	_ =	swait.ge [sflag:s4], $0x7D0  }
0xb9: {  	[sflag:s4] =	ssyncset.done $0x0  }
0xba: {  	[sflag:s4] =	ssyncadd.s32 $0xFFFFF830  }
0xbb: {  	_ =	swait.ge [sflag:s4], $0x7D0  }
0xbc: {  	[sflag:s4] =	ssyncset.done $0x0  }
0xbd: {  	[sflag:s4] =	ssyncadd.s32 $0xFFFFF830  }
0xbe: {  	_ =	swait.ge [sflag:s4], $0x7D0  }
0xbf: {  	[sflag:s4] =	ssyncset.done $0x0  }
0xc0: {  	[sflag:s4] =	ssyncadd.s32 $0xFFFFF830  }
0xc1: {  	_ =	swait.ge [sflag:s4], $0x7D0  }
0xc2: {  	[sflag:s4] =	ssyncset.done $0x0  }
0xc3: {  	[sflag:s4] =	ssyncadd.s32 $0xFFFFF830  }
0xc4: {  	_ =	swait.ge [sflag:s4], $0x7D0  }
0xc5: {  	[sflag:s4] =	ssyncset.done $0x0  }
0xc6: {  	[sflag:s4] =	ssyncadd.s32 $0xFFFFF830  }
0xc7: {  	_ =	swait.ge [sflag:s4], $0x7D0  }
0xc8: {  	[sflag:s4] =	ssyncset.done $0x0  }
0xc9: {  	[sflag:s4] =	ssyncadd.s32 $0xFFFFF830  }
0xca: {  	[bflag:$0x0] =	sbarrier.arrive $0xFFFF  }
0xcb: {  	s6 =	rddreg [dreg:$0x5]  }
0xcc: {  	s8 =	rddreg [dreg:$0x7]  }
0xcd: {  	s7 =	rddreg [dreg:$0x9]  }
0xce: {  	[hbm:s8], [sflag:s6] =	dma.local [spmem:s7], $0x3100  }
0xcf: {  	_ =	swait.ge [sflag:s10], $0x3100  }
0xd0: {  	s1 =	sadd.s32 $0x1, s1;
	s9 =	rddreg [dreg:$0x6]  }
0xd1: {  	p0 =	sne.s32 s1, s9  }
.Ltmp1:
0xd2: {  	_ = 	snop;
	(pc) =	sbr.rel @p0 .LBB2_1-.Ltmp1, $3  }
0xd3: {  	_ =	sdelay $0x1  }
0xd4: {  	[sflag:s10] =	ssyncset.done $0x0  }
0xd5: {  	[sflag:s10] =	ssyncadd.s32 $0xFFFFCF00  }
0xd6: {  	_ =	sfence.sel $0x180000  }
0xd7: {  	[bflag:$0x0] =	sbarrier.arrive $0xFFFF  }
0xd8: {  	_ =	strace $0x9000004A  }
0xd9: {  	s0 =	stileid.u32;
	[bflag:$0x2] =	sbarrier.arrive $0xFFFF  }
0xda: {  	p0 =	sne.s32 s0, $0x0;
	s0 =	rddreg [dreg:$0x3]  }
0xdb: {  	s0 =	sadd.s32 @!p0 $0x100000, s0  }
0xdc: {  	[sflag:s0] =	ssyncadd.tile.s32 @!p0 $0x1;
	_ =	shalt  }
.Lfunc_end2:
_tile_overlayer_lowered:
.L_overlay_start_2:
0xdd: {  	(tag) =	ssettag $0x2  }
0xde: {  	s0 =	rddreg [dreg:$0x0];
	s2 =	stileid.u32  }
0xdf: {  	s1 =	rddreg [dreg:$0x1];
	p0 =	sne.s32 s2, $0x0  }
0xe0: {  	s3 =	rddreg [dreg:$0x2];
	[bflag:$0x3] =	sbarrier.arrive $0xFFFF;
	s2 =	simm.s32 @!p0 $0x1C02  }
0xe1: {  	[timem:s3], [sflag:s2] =	dma.local @!p0 [hbm:s0], s1  }
0xe2: {  	s0 =	simm.s32 @!p0 $0x2  }
0xe3: {  	_ =	swait.ge @!p0 [sflag:s0], s1  }
0xe4: {  	s1 =	ssub.s32 @!p0 $0x0, s1;
	[sflag:s0] =	ssyncset.done @!p0 $0x0  }
0xe5: {  	[sflag:s0] =	ssyncadd.s32 @!p0 s1  }
0xe6: {  	[bflag:$0x3] =	sbarrier.arrive $0xFFFF  }
0xe7: {  	_ =	shalt  }

// kernel: kernel.7.cloned.1.call-start
scs
__scs_entry_jumppad:
0x0: {  	(pc) =	sbr.rel $0x88, $3  }
0x1: {  	(tag) =	ssettag $0x0;
	lr =	simm.s32 $0x1  }
0x2: {  	[smem:$0x3F8D] =	sst lr;
	_ =	strace $0xD0000000  }
0x3: {  	_ = 	snop  }
0x4: {  	_ = 	snop  }
0x5: {  	_ = 	snop  }
0x6: {  	_ = 	snop  }
0x7: {  	_ = 	snop  }
__scs_overlays_trampoline_lowered:
0x8: {  	[smem:$0x3F9C] =	sst s0  }
0x9: {  	[smem:$0x3F9D] =	sst s1  }
0xa: {  	[smem:$0x3F9E] =	sst s2  }
0xb: {  	[smem:$0x3F9F] =	sst s3  }
0xc: {  	[smem:$0x3FA0] =	sst s4  }
0xd: {  	[smem:$0x3FA1] =	sst s5  }
0xe: {  	[smem:$0x3FA2] =	sst s6  }
0xf: {  	[smem:$0x3FA3] =	sst s7  }
0x10: {  	[smem:$0x3FA4] =	sst s8  }
0x11: {  	[smem:$0x3FA5] =	sst s9;
	s0 =	simm.s32 @!p0 $0x0  }
0x12: {  	s1 =	sld [smem:$0x3F8B];
	s0 =	simm.s32 @p0 $0x1  }
0x13: {  	[smem:$0x3FA6] =	sst s0;
	s0 =	simm.s32 @!p1 $0x0  }
0x14: {  	s2 =	sld [smem:$0x3F8A];
	s0 =	simm.s32 @p1 $0x1  }
0x15: {  	[smem:$0x3FA7] =	sst s0;
	s0 =	simm.s32 @!p2 $0x0  }
0x16: {  	s3 =	sld [smem:$0x3FDB];
	s0 =	simm.s32 @p2 $0x1  }
0x17: {  	s4 =	simm.s32 $0x1BF5;
	[smem:$0x3FA9] =	sst s0  }
0x18: {  	s0 =	sld [smem:$0x3F8C];
	_ =	swait.ge [sflag:s4], $0x0  }
0x19: {  	s7 =	sld [smem:$0x3F8D]  }
0x1a: {  	s8 =	sadd.s32 $0xFFFFE003, lr  }
0x1b: {  	s9 =	sadd.s32 $0xFFFFFEF7, lr;
	s5 =	simm.s32 $0xFFFFFFFF;
	p2 =	slt.u32 s8, $0xFFFFF086  }
0x1c: {  	p1 =	slt.u32 s9, $0xF7A;
	s5 =	simm.s32 @!p2 $0x0  }
0x1d: {  	s5 =	simm.s32 @p1 $0x1;
	p0 =	seq.s32 s7, s2  }
0x1e: {  	s7 =	smul.u32 @!p0 $0xF7A, s2;
	p2 =	seq.s32 @!p0 s5, $0x0  }
0x1f: {  	s9 =	smul.u32 $0xF7A, s1;
	s8 =	simm.s32 @!p0 $0x1BF5;
	p2 =	por !p2, p0  }
0x20: {  	[sflag:s8] =	ssyncset.s32 @!p0 $0xFFFFF086;
	s6 =	sadd.s32 @!p0 s3, s7;
	s7 =	simm.s32 @!p0 $0x108  }
0x21: {  	s3 =	sadd.s32 s3, s9;
	s6 =	sadd.s32 @!p0 $0x88, s6;
	s7 =	simm.s32 @p2 $0x1082  }
0x22: {  	[simem:s7], [sflag:s8] =	dma.local @!p0 [hbm:s6], $0xF7A  }
0x23: {  	s9 =	sor.u32 $0xD0000000, s2;
	s6 =	simm.s32 $0x108;
	_ =	swait.ge @!p0 [sflag:s8], $0x0  }
0x24: {  	s3 =	sadd.s32 $0x88, s3;
	s6 =	simm.s32 @!p1 $0x1082;
	[sflag:s4] =	ssyncset.s32 $0xFFFFF086  }
0x25: {  	[simem:s6], [sflag:s4] =	dma.local [hbm:s3], $0xF7A  }
0x26: {  	[smem:$0x3F8D] =	sst s1;
	(tag) =	ssettag s2;
	_ =	strace s9  }
0x27: {  	s1 =	sld [smem:$0x3F9D]  }
0x28: {  	s2 =	sld [smem:$0x3F9E]  }
0x29: {  	s4 =	sld [smem:$0x3FA0]  }
0x2a: {  	p0 =	seq.s32 s5, $0x0;
	s5 =	sld [smem:$0x3FA1]  }
0x2b: {  	s6 =	sld [smem:$0x3FA2]  }
0x2c: {  	s7 =	sld [smem:$0x3FA3]  }
0x2d: {  	s3 =	simm.s32 $0x108;
	s8 =	sld [smem:$0x3FA4]  }
0x2e: {  	s3 =	simm.s32 @!p0 $0x1082;
	s9 =	sld [smem:$0x3FA5]  }
0x2f: {  	lr =	sadd.s32 s0, s3;
	s0 =	sld [smem:$0x3F9C]  }
0x30: {  	s3 =	sld [smem:$0x3F9F]  }
0x31: {  	[smem:$0x3FA8] =	sst s10  }
0x32: {  	s10 =	sld [smem:$0x3FA6];
	_ =	sdelay $0x3  }
0x33: {  	p0 =	seq.s32 s10, $0x1;
	s10 =	sld [smem:$0x3FA8];
	_ =	sdelay $0x3  }
0x34: {  	[smem:$0x3FA8] =	sst s10  }
0x35: {  	s10 =	sld [smem:$0x3FA7];
	_ =	sdelay $0x3  }
0x36: {  	p1 =	seq.s32 s10, $0x1;
	s10 =	sld [smem:$0x3FA8];
	_ =	sdelay $0x3  }
0x37: {  	[smem:$0x3FA8] =	sst s10  }
0x38: {  	s10 =	sld [smem:$0x3FA9]  }
0x39: {  	_ = 	snop;
	(pc) =	sbr.ind lr, $3  }
0x3a: {  	_ = 	snop  }
0x3b: {  	_ = 	snop  }
0x3c: {  	p2 =	seq.s32 s10, $0x1;
	s10 =	sld [smem:$0x3FA8]  }
0x3d: {  	_ =	shalt  }
0x3e: {  	_ =	shalt  }
0x3f: {  	_ =	shalt  }
0x40: {  	_ =	shalt  }
0x41: {  	_ =	shalt  }
0x42: {  	_ =	shalt  }
0x43: {  	_ =	shalt  }
0x44: {  	_ =	shalt  }
0x45: {  	_ =	shalt  }
0x46: {  	_ =	shalt  }
0x47: {  	_ =	shalt  }
0x48: {  	_ =	shalt  }
0x49: {  	_ =	shalt  }
0x4a: {  	_ =	shalt  }
0x4b: {  	_ =	shalt  }
0x4c: {  	_ =	shalt  }
0x4d: {  	_ =	shalt  }
0x4e: {  	_ =	shalt  }
0x4f: {  	_ =	shalt  }
0x50: {  	_ =	shalt  }
0x51: {  	_ =	shalt  }
0x52: {  	_ =	shalt  }
0x53: {  	_ =	shalt  }
0x54: {  	_ =	shalt  }
0x55: {  	_ =	shalt  }
0x56: {  	_ =	shalt  }
0x57: {  	_ =	shalt  }
0x58: {  	_ =	shalt  }
0x59: {  	_ =	shalt  }
0x5a: {  	_ =	shalt  }
0x5b: {  	_ =	shalt  }
0x5c: {  	_ =	shalt  }
0x5d: {  	_ =	shalt  }
0x5e: {  	_ =	shalt  }
0x5f: {  	_ =	shalt  }
0x60: {  	_ =	shalt  }
0x61: {  	_ =	shalt  }
0x62: {  	_ =	shalt  }
0x63: {  	_ =	shalt  }
0x64: {  	_ =	shalt  }
0x65: {  	_ =	shalt  }
0x66: {  	_ =	shalt  }
0x67: {  	_ =	shalt  }
0x68: {  	_ =	shalt  }
0x69: {  	_ =	shalt  }
0x6a: {  	_ =	shalt  }
0x6b: {  	_ =	shalt  }
0x6c: {  	_ =	shalt  }
0x6d: {  	_ =	shalt  }
0x6e: {  	_ =	shalt  }
0x6f: {  	_ =	shalt  }
0x70: {  	_ =	shalt  }
0x71: {  	_ =	shalt  }
0x72: {  	_ =	shalt  }
0x73: {  	_ =	shalt  }
0x74: {  	_ =	shalt  }
0x75: {  	_ =	shalt  }
0x76: {  	_ =	shalt  }
0x77: {  	_ =	shalt  }
0x78: {  	_ =	shalt  }
0x79: {  	_ =	shalt  }
0x7a: {  	_ =	shalt  }
0x7b: {  	_ =	shalt  }
0x7c: {  	_ =	shalt  }
0x7d: {  	_ =	shalt  }
0x7e: {  	_ =	shalt  }
0x7f: {  	_ =	shalt  }
0x80: {  	_ =	shalt  }
0x81: {  	_ =	shalt  }
0x82: {  	_ =	shalt  }
0x83: {  	_ =	shalt  }
0x84: {  	_ =	shalt  }
0x85: {  	_ =	shalt  }
0x86: {  	_ =	shalt  }
0x87: {  	_ =	shalt  }
.Lfunc_end0:
.L_simem_size_0:
called_computation_lowered:
.L_overlay_start_0:
0x88: {  	s2 =	sld [smem:$0x3FD9]  }
0x89: {  	s3 =	sld [smem:$0x3FFE];
	_ =	sdelay $0x1  }
0x8a: {  	s1 =	srdreg.scid  }
0x8b: {  	s0 =	sand.u32 $0x1, s1  }
0x8c: {  	s14 =	sshll.u32 s0, $0xA;
	s2 =	sadd.s32 s3, s2  }
0x8d: {  	s2 =	sadd.s32 s2, s14  }
0x8e: {  	[smem:$0x3FB4] =	sst s2  }
0x8f: {  	_ = 	snop  }
0x90: {  	s2 =	sld [smem:$0x3FD0];
	_ =	sdelay $0x2  }
0x91: {  	s15 =	simm.s32 $0xA;
	s4 =	simm.s32 $0x10  }
0x92: {  	[smem:s4], [sflag:s15] =	dma.local [hbm:s2], $0x1  }
0x93: {  	_ =	swait.eq [sflag:s15], $0x1  }
0x94: {  	[sflag:s15] =	ssyncset.done $0x0  }
0x95: {  	s16 =	sld [smem:$0x10];
	[sflag:s15] =	ssyncadd.s32 $0xFFFFFFFF  }
0x96: {  	s17 =	sld [smem:$0x11];
	(tm) =	ssettm $0x1  }
0x97: {  	s18 =	sld [smem:$0x3FFB];
	_ =	sdelay $0x3  }
0x98: {  	_ =	strace s18  }
0x99: {  	s4 =	sld [smem:$0x3FFC];
	_ =	sdelay $0x3  }
0x9a: {  	_ =	strace s4  }
0x9b: {  	s4 =	sld [smem:$0x3FFD];
	_ =	sdelay $0x3  }
0x9c: {  	_ =	strace s4  }
0x9d: {  	_ =	strace $0x8FFFFFFF  }
0x9e: {  	s19 =	sld [smem:$0x3FDB];
	_ =	sdelay $0x1  }
0x9f: {  	s5 =	simm.s32 $_scs_section_size  }
0xa0: {  	s6 =	simm.s32 $_size__tile_overlayer_lowered;
	s7 =	simm.s32 $_tile_overlayer_lowered  }
0xa1: {  	s22 =	simm.s32 $0x1BFF;
	s21 =	sshll.u32 s7, $0x1;
	s4 =	sadd.s32 s5, s19  }
0xa2: {  	s8 =	simm.s32 $0x0;
	s20 =	sshll.u32 s6, $0x1;
	s6 =	sadd.s32 s21, s4  }
0xa3: {  	[timem:s8], [sflag:s22] =	dma.local [hbm:s6], s20  }
0xa4: {  	_ =	swait.ge [sflag:s22], s20  }
0xa5: {  	s5 =	ssub.s32 $0x0, s20;
	[sflag:s22] =	ssyncset.done $0x0  }
0xa6: {  	[sflag:s22] =	ssyncadd.s32 s5;
	_ =	sdelay $0x1  }
0xa7: {  	s23 =	simm.s32 $0x1B8B  }
0xa8: {  	_ =	swait.ge [sflag:s23], $0x1  }
0xa9: {  	[sflag:s23] =	ssyncset.done $0x0  }
0xaa: {  	s25 =	simm.s32 $0x1B8E;
	s24 =	sld [smem:$0x3FFE];
	[sflag:s23] =	ssyncadd.s32 $0xFFFFFFFF  }
0xab: {  	s26 =	simm.s32 $execute0_lowered;
	[smem:$0x3FD2] =	sst s25  }
0xac: {  	s6 =	sshll.u32 s26, $0x1;
	_ =	strace $0x80000046;
	[dreg:$0x1] =	wrdreg $0xFFFFFFFF  }
0xad: {  	s28 =	simm.s32 $_size_execute0_lowered;
	s4 =	sadd.s32 s4, s6;
	[dreg:$0x0] =	wrdreg $0x0  }
0xae: {  	s6 =	sshll.u32 s28, $0x1;
	[dreg:$0x2] =	wrdreg s4  }
0xaf: {  	[dreg:$0x3] =	wrdreg s6  }
0xb0: {  	[dreg:$0x4] =	wrdreg $0xC0  }
0xb1: {  	_ =	task [dreg:s8], $0x5FFFF  }
0xb2: {  	[dreg:$0x1] =	wrdreg $0xFFFFFFFF  }
0xb3: {  	[dreg:$0x0] =	wrdreg $0x60  }
0xb4: {  	[dreg:$0x2] =	wrdreg s16  }
0xb5: {  	[dreg:$0x3] =	wrdreg s24  }
0xb6: {  	[dreg:$0x4] =	wrdreg s17  }
0xb7: {  	[dreg:$0x5] =	wrdreg $0x9  }
0xb8: {  	_ =	task.clear_ibuf [dreg:s8], $0x6FFFF;
	_ =	strace $0x90000046  }
0xb9: {  	s29 =	simm.s32 $0x9;
	_ =	strace $0x80000048  }
0xba: {  	_ =	swait.ge [sflag:s29], $0x1  }
0xbb: {  	[sflag:s29] =	ssyncadd.s32 $0xFFFFFFFF  }
0xbc: {  	_ =	strace $0x90000048  }
0xbd: {  	_ =	sfence  }
0xbe: {  	s30 =	sld [smem:$0x0];
	_ =	sdelay $0x2  }
0xbf: {  	s31 =	sshll.u32 s1, $0xD;
	s1 =	sshrl.u32 s1, $0x2  }
0xc0: {  	s3 =	sand.u32 $0x4000, s31;
	s1 =	sadd.s32 s1, s30  }
0xc1: {  	s0 =	sor.u32 s3, s0;
	s1 =	sshll.u32 s1, $0x11  }
0xc2: {  	s0 =	sor.u32 s1, s0  }
0xc3: {  	s0 =	sadd.s32 $0x8F2B, s0  }
0xc4: {  	[sflag:s0] =	ssyncadd.remote.s32 $0x1  }
0xc5: {  	_ =	sfence.sel $0xFFFF  }
0xc6: {  	[dreg:$0x0] =	wrdreg $0xFFFFFFFF;
	(pc) =	sbr.abs _section_cstart, $3  }
0xc7: {  	[dreg:$0x1] =	wrdreg $0xFFFFFFFF  }
0xc8: {  	_ =	task.clear_ibuf [dreg:s8], $0x2FFFF;
	_ =	strace $0x9FFFFFFF  }
0xc9: {  	(tm) =	ssettm $0x7FFFFFFF  }
tec
execute0_lowered:
.L_overlay_start_1:
0x0: {  	(tag) =	ssettag $0x1  }
0x1: {  	s0 =	rddreg [dreg:$0x0]  }
0x2: {  	s2 =	srdreg.scid;
	s8 =	stileid.u32  }
0x3: {  	s1 =	rddreg [dreg:$0x1];
	s2 =	sand.u32 $0x1, s2;
	s6 =	smul.u32 $0xC800, s8  }
0x4: {  	s4 =	rddreg [dreg:$0x2];
	s3 =	simm.s32 $0x0;
	s5 =	smul.u32 $0xC8000, s2  }
0x5: {  	s21 =	simm.s32 $0x2;
	[smem:$0x7FF] =	sst s3;
	s28 =	ssub.s32 $0x2, s2  }
0x6: {  	s29 =	smul.u32 $0x186A0, s8;
	s7 =	sshrl.u32 s28, $0x1;
	s5 =	sadd.s32 s6, s5  }
0x7: {  	s2 =	smul.u32 $0x186A00, s2;
	s6 =	ssub.s32 s28, s7;
	s5 =	sshrl.u32 s5, $0x3  }
0x8: {  	_ =	strace $0x80000047;
	s6 =	smax.u32 s6, $0x1;
	s5 =	sadd.s32 s5, s1  }
0x9: {  	s1 =	sadd.s32 s2, s1;
	[dreg:$0x6] =	wrdreg s6;
	s30 =	sadd.s32 $0x18D000, s5  }
0xa: {  	s5 =	sadd.s32 $0x1BF000, s5;
	s1 =	sadd.s32 s29, s1;
	[dreg:$0x4] =	wrdreg s30  }
0xb: {  	s31 =	sadd.s32 s2, s4;
	[dreg:$0x5] =	wrdreg s5;
	s1 =	sadd.s32 $0x1F1000, s1  }
0xc: {  	s14 =	simm.s32 $0x1;
	[dreg:$0x7] =	wrdreg s1;
	s1 =	sadd.s32 s29, s31  }
0xd: {  	s8 =	simm.s32 $0x7D;
	[dreg:$0x8] =	wrdreg s1;
	s1 =	simm.s32 $0x0  }
.LBB2_1:
0xe: {  	s15 =	rddreg [dreg:$0x5]  }
0xf: {  	[dreg:$0x9] =	wrdreg s1;
	s28 =	simm.s32 $0x0;
	s15 =	sadd.s32 $0x0, s15  }
0x10: {  	[tilespmem:s28], [sflag:$0x2] =	stream.linear.gather [hbm4b:s15+s28], $0x800, $0x38;
	[tilespmem:$0x8500] =	vst v63  }
0x11: {  	_ =	swait.ge [sflag:s21], $0x800  }
0x12: {  	[sflag:s21] =	ssyncset.done $0x0  }
0x13: {  	s3 =	simm.s32 $0x800;
	[sflag:s21] =	ssyncadd.s32 $0xFFFFF800  }
0x14: {  	[tilespmem:s3], [sflag:$0x1] =	stream.indirect.gather [hbm4b:s0+s8], $0x10, s28, s8, $0xb8;
	[tilespmem:$0x8500] =	vst v63  }
0x15: {  	s16 =	simm.s32 $0x80;
	s18 =	simm.s32 $0xFD0  }
0x16: {  	[tilespmem:s18], [sflag:$0x1] =	stream.indirect.gather [hbm4b:s0+s8], $0x10, s16, s8, $0xb8;
	[tilespmem:$0x8500] =	vst v63  }
0x17: {  	s19 =	simm.s32 $0x100;
	s20 =	simm.s32 $0x17A0  }
0x18: {  	[tilespmem:s20], [sflag:$0x1] =	stream.indirect.gather [hbm4b:s0+s8], $0x10, s19, s8, $0xb8;
	[tilespmem:$0x8500] =	vst v63  }
0x19: {  	s7 =	simm.s32 $0x180;
	s22 =	simm.s32 $0x1F70  }
0x1a: {  	[tilespmem:s22], [sflag:$0x1] =	stream.indirect.gather [hbm4b:s0+s8], $0x10, s7, s8, $0xb8;
	[tilespmem:$0x8500] =	vst v63  }
0x1b: {  	s23 =	simm.s32 $0x200;
	s24 =	simm.s32 $0x2740  }
0x1c: {  	[tilespmem:s24], [sflag:$0x1] =	stream.indirect.gather [hbm4b:s0+s8], $0x10, s23, s8, $0xb8;
	[tilespmem:$0x8500] =	vst v63  }
0x1d: {  	s25 =	simm.s32 $0x280;
	s26 =	simm.s32 $0x2F10  }
0x1e: {  	[tilespmem:s26], [sflag:$0x1] =	stream.indirect.gather [hbm4b:s0+s8], $0x10, s25, s8, $0xb8;
	[tilespmem:$0x8500] =	vst v63  }
0x1f: {  	s11 =	simm.s32 $0x300;
	s2 =	simm.s32 $0x36E0  }
0x20: {  	[tilespmem:s2], [sflag:$0x1] =	stream.indirect.gather [hbm4b:s0+s8], $0x10, s11, s8, $0xb8;
	[tilespmem:$0x8500] =	vst v63  }
0x21: {  	s12 =	simm.s32 $0x380;
	s5 =	simm.s32 $0x3EB0  }
0x22: {  	[tilespmem:s5], [sflag:$0x1] =	stream.indirect.gather [hbm4b:s0+s8], $0x10, s12, s8, $0xb8;
	[tilespmem:$0x8500] =	vst v63  }
0x23: {  	s13 =	simm.s32 $0x400;
	s10 =	simm.s32 $0x4680  }
0x24: {  	[tilespmem:s10], [sflag:$0x1] =	stream.indirect.gather [hbm4b:s0+s8], $0x10, s13, s8, $0xb8;
	[tilespmem:$0x8500] =	vst v63  }
0x25: {  	s15 =	simm.s32 $0x480;
	s12 =	simm.s32 $0x4E50  }
0x26: {  	[tilespmem:s12], [sflag:$0x1] =	stream.indirect.gather [hbm4b:s0+s8], $0x10, s15, s8, $0xb8;
	[tilespmem:$0x8500] =	vst v63  }
0x27: {  	s9 =	simm.s32 $0x5620;
	s13 =	simm.s32 $0x500  }
0x28: {  	[tilespmem:s9], [sflag:$0x1] =	stream.indirect.gather [hbm4b:s0+s8], $0x10, s13, s8, $0xb8;
	[tilespmem:$0x8500] =	vst v63  }
0x29: {  	s29 =	simm.s32 $0x580;
	s30 =	simm.s32 $0x5DF0  }
0x2a: {  	[tilespmem:s30], [sflag:$0x1] =	stream.indirect.gather [hbm4b:s0+s8], $0x10, s29, s8, $0xb8;
	[tilespmem:$0x8500] =	vst v63  }
0x2b: {  	s31 =	simm.s32 $0x600;
	s1 =	simm.s32 $0x65C0  }
0x2c: {  	[tilespmem:s1], [sflag:$0x1] =	stream.indirect.gather [hbm4b:s0+s8], $0x10, s31, s8, $0xb8;
	[tilespmem:$0x8500] =	vst v63  }
0x2d: {  	s6 =	simm.s32 $0x680;
	s4 =	simm.s32 $0x6D90  }
0x2e: {  	[tilespmem:s4], [sflag:$0x1] =	stream.indirect.gather [hbm4b:s0+s8], $0x10, s6, s8, $0xb8;
	[tilespmem:$0x8500] =	vst v63  }
0x2f: {  	s11 =	simm.s32 $0x700;
	s6 =	simm.s32 $0x7560  }
0x30: {  	[tilespmem:s6], [sflag:$0x1] =	stream.indirect.gather [hbm4b:s0+s8], $0x10, s11, s8, $0xb8;
	[tilespmem:$0x8500] =	vst v63  }
0x31: {  	s17 =	simm.s32 $0x780;
	s11 =	simm.s32 $0x7D30  }
0x32: {  	[tilespmem:s11], [sflag:$0x1] =	stream.indirect.gather [hbm4b:s0+s8], $0x10, s17, s8, $0xb8;
	[tilespmem:$0x8500] =	vst v63  }
0x33: {  	_ =	swait.ge [sflag:s14], $0x7D0  }
0x34: {  	[sflag:s14] =	ssyncset.done $0x0  }
0x35: {  	[sflag:s14] =	ssyncadd.s32 $0xFFFFF830  }
0x36: {  	_ =	swait.ge [sflag:s14], $0x7D0  }
0x37: {  	[sflag:s14] =	ssyncset.done $0x0  }
0x38: {  	[sflag:s14] =	ssyncadd.s32 $0xFFFFF830  }
0x39: {  	_ =	swait.ge [sflag:s14], $0x7D0  }
0x3a: {  	[sflag:s14] =	ssyncset.done $0x0  }
0x3b: {  	[sflag:s14] =	ssyncadd.s32 $0xFFFFF830  }
0x3c: {  	_ =	swait.ge [sflag:s14], $0x7D0  }
0x3d: {  	[sflag:s14] =	ssyncset.done $0x0  }
0x3e: {  	[sflag:s14] =	ssyncadd.s32 $0xFFFFF830  }
0x3f: {  	_ =	swait.ge [sflag:s14], $0x7D0  }
0x40: {  	[sflag:s14] =	ssyncset.done $0x0  }
0x41: {  	[sflag:s14] =	ssyncadd.s32 $0xFFFFF830  }
0x42: {  	_ =	swait.ge [sflag:s14], $0x7D0  }
0x43: {  	[sflag:s14] =	ssyncset.done $0x0  }
0x44: {  	[sflag:s14] =	ssyncadd.s32 $0xFFFFF830  }
0x45: {  	_ =	swait.ge [sflag:s14], $0x7D0  }
0x46: {  	[sflag:s14] =	ssyncset.done $0x0  }
0x47: {  	[sflag:s14] =	ssyncadd.s32 $0xFFFFF830  }
0x48: {  	_ =	swait.ge [sflag:s14], $0x7D0  }
0x49: {  	[sflag:s14] =	ssyncset.done $0x0  }
0x4a: {  	[sflag:s14] =	ssyncadd.s32 $0xFFFFF830  }
0x4b: {  	_ =	swait.ge [sflag:s14], $0x7D0  }
0x4c: {  	[sflag:s14] =	ssyncset.done $0x0  }
0x4d: {  	[sflag:s14] =	ssyncadd.s32 $0xFFFFF830  }
0x4e: {  	_ =	swait.ge [sflag:s14], $0x7D0  }
0x4f: {  	[sflag:s14] =	ssyncset.done $0x0  }
0x50: {  	[sflag:s14] =	ssyncadd.s32 $0xFFFFF830  }
0x51: {  	_ =	swait.ge [sflag:s14], $0x7D0  }
0x52: {  	[sflag:s14] =	ssyncset.done $0x0  }
0x53: {  	[sflag:s14] =	ssyncadd.s32 $0xFFFFF830  }
0x54: {  	_ =	swait.ge [sflag:s14], $0x7D0  }
0x55: {  	[sflag:s14] =	ssyncset.done $0x0  }
0x56: {  	[sflag:s14] =	ssyncadd.s32 $0xFFFFF830  }
0x57: {  	_ =	swait.ge [sflag:s14], $0x7D0  }
0x58: {  	[sflag:s14] =	ssyncset.done $0x0  }
0x59: {  	[sflag:s14] =	ssyncadd.s32 $0xFFFFF830  }
0x5a: {  	_ =	swait.ge [sflag:s14], $0x7D0  }
0x5b: {  	[sflag:s14] =	ssyncset.done $0x0  }
0x5c: {  	[sflag:s14] =	ssyncadd.s32 $0xFFFFF830  }
0x5d: {  	_ =	swait.ge [sflag:s14], $0x7D0  }
0x5e: {  	[sflag:s14] =	ssyncset.done $0x0  }
0x5f: {  	[sflag:s14] =	ssyncadd.s32 $0xFFFFF830  }
0x60: {  	_ =	swait.ge [sflag:s14], $0x7D0  }
0x61: {  	[sflag:s14] =	ssyncset.done $0x0  }
0x62: {  	s17 =	rddreg [dreg:$0x8];
	[sflag:s14] =	ssyncadd.s32 $0xFFFFF830  }
0x63: {  	[hbm4b:s17+s28] =	stream.linear.scatter [tilespmem:s3], [sflag:$0x2], $0x7D00, $0x38;
	[tilespmem:$0x8500] =	vst v63  }
0x64: {  	_ =	swait.ge [sflag:s21], $0x7D00  }
0x65: {  	s15 =	rddreg [dreg:$0x4];
	[sflag:s21] =	ssyncset.done $0x0  }
0x66: {  	[sflag:s21] =	ssyncadd.s32 $0xFFFF8300;
	s15 =	sadd.s32 $0x0, s15  }
0x67: {  	[tilespmem:s28], [sflag:$0x2] =	stream.linear.gather [hbm4b:s15+s28], $0x800, $0x38;
	[tilespmem:$0x8500] =	vst v63  }
0x68: {  	_ =	swait.ge [sflag:s21], $0x800  }
0x69: {  	[sflag:s21] =	ssyncset.done $0x0  }
0x6a: {  	[sflag:s21] =	ssyncadd.s32 $0xFFFFF800  }
0x6b: {  	[tilespmem:s3], [sflag:$0x1] =	stream.indirect.gather [hbm4b:s0+s8], $0x10, s28, s8, $0xb8;
	[tilespmem:$0x8500] =	vst v63  }
0x6c: {  	_ = 	snop  }
0x6d: {  	[tilespmem:s18], [sflag:$0x1] =	stream.indirect.gather [hbm4b:s0+s8], $0x10, s16, s8, $0xb8;
	[tilespmem:$0x8500] =	vst v63  }
0x6e: {  	_ = 	snop  }
0x6f: {  	[tilespmem:s20], [sflag:$0x1] =	stream.indirect.gather [hbm4b:s0+s8], $0x10, s19, s8, $0xb8;
	[tilespmem:$0x8500] =	vst v63  }
0x70: {  	_ = 	snop  }
0x71: {  	[tilespmem:s22], [sflag:$0x1] =	stream.indirect.gather [hbm4b:s0+s8], $0x10, s7, s8, $0xb8;
	[tilespmem:$0x8500] =	vst v63  }
0x72: {  	_ = 	snop  }
0x73: {  	[tilespmem:s24], [sflag:$0x1] =	stream.indirect.gather [hbm4b:s0+s8], $0x10, s23, s8, $0xb8;
	[tilespmem:$0x8500] =	vst v63  }
0x74: {  	_ = 	snop  }
0x75: {  	[tilespmem:s26], [sflag:$0x1] =	stream.indirect.gather [hbm4b:s0+s8], $0x10, s25, s8, $0xb8;
	[tilespmem:$0x8500] =	vst v63  }
0x76: {  	s23 =	simm.s32 $0x300  }
0x77: {  	[tilespmem:s2], [sflag:$0x1] =	stream.indirect.gather [hbm4b:s0+s8], $0x10, s23, s8, $0xb8;
	[tilespmem:$0x8500] =	vst v63  }
0x78: {  	s24 =	simm.s32 $0x380  }
0x79: {  	[tilespmem:s5], [sflag:$0x1] =	stream.indirect.gather [hbm4b:s0+s8], $0x10, s24, s8, $0xb8;
	[tilespmem:$0x8500] =	vst v63  }
0x7a: {  	s25 =	simm.s32 $0x400  }
0x7b: {  	[tilespmem:s10], [sflag:$0x1] =	stream.indirect.gather [hbm4b:s0+s8], $0x10, s25, s8, $0xb8;
	[tilespmem:$0x8500] =	vst v63  }
0x7c: {  	s26 =	simm.s32 $0x480  }
0x7d: {  	[tilespmem:s12], [sflag:$0x1] =	stream.indirect.gather [hbm4b:s0+s8], $0x10, s26, s8, $0xb8;
	[tilespmem:$0x8500] =	vst v63  }
0x7e: {  	_ = 	snop  }
0x7f: {  	[tilespmem:s9], [sflag:$0x1] =	stream.indirect.gather [hbm4b:s0+s8], $0x10, s13, s8, $0xb8;
	[tilespmem:$0x8500] =	vst v63  }
0x80: {  	_ = 	snop  }
0x81: {  	[tilespmem:s30], [sflag:$0x1] =	stream.indirect.gather [hbm4b:s0+s8], $0x10, s29, s8, $0xb8;
	[tilespmem:$0x8500] =	vst v63  }
0x82: {  	_ = 	snop  }
0x83: {  	[tilespmem:s1], [sflag:$0x1] =	stream.indirect.gather [hbm4b:s0+s8], $0x10, s31, s8, $0xb8;
	[tilespmem:$0x8500] =	vst v63  }
0x84: {  	s29 =	simm.s32 $0x680  }
0x85: {  	[tilespmem:s4], [sflag:$0x1] =	stream.indirect.gather [hbm4b:s0+s8], $0x10, s29, s8, $0xb8;
	[tilespmem:$0x8500] =	vst v63  }
0x86: {  	s30 =	simm.s32 $0x700  }
0x87: {  	[tilespmem:s6], [sflag:$0x1] =	stream.indirect.gather [hbm4b:s0+s8], $0x10, s30, s8, $0xb8;
	[tilespmem:$0x8500] =	vst v63  }
0x88: {  	s31 =	simm.s32 $0x780  }
0x89: {  	[tilespmem:s11], [sflag:$0x1] =	stream.indirect.gather [hbm4b:s0+s8], $0x10, s31, s8, $0xb8;
	[tilespmem:$0x8500] =	vst v63  }
0x8a: {  	_ =	swait.ge [sflag:s14], $0x7D0  }
0x8b: {  	[sflag:s14] =	ssyncset.done $0x0  }
0x8c: {  	[sflag:s14] =	ssyncadd.s32 $0xFFFFF830  }
0x8d: {  	_ =	swait.ge [sflag:s14], $0x7D0  }
0x8e: {  	[sflag:s14] =	ssyncset.done $0x0  }
0x8f: {  	[sflag:s14] =	ssyncadd.s32 $0xFFFFF830  }
0x90: {  	_ =	swait.ge [sflag:s14], $0x7D0  }
0x91: {  	[sflag:s14] =	ssyncset.done $0x0  }
0x92: {  	[sflag:s14] =	ssyncadd.s32 $0xFFFFF830  }
0x93: {  	_ =	swait.ge [sflag:s14], $0x7D0  }
0x94: {  	[sflag:s14] =	ssyncset.done $0x0  }
0x95: {  	[sflag:s14] =	ssyncadd.s32 $0xFFFFF830  }
0x96: {  	_ =	swait.ge [sflag:s14], $0x7D0  }
0x97: {  	[sflag:s14] =	ssyncset.done $0x0  }
0x98: {  	[sflag:s14] =	ssyncadd.s32 $0xFFFFF830  }
0x99: {  	_ =	swait.ge [sflag:s14], $0x7D0  }
0x9a: {  	[sflag:s14] =	ssyncset.done $0x0  }
0x9b: {  	[sflag:s14] =	ssyncadd.s32 $0xFFFFF830  }
0x9c: {  	_ =	swait.ge [sflag:s14], $0x7D0  }
0x9d: {  	[sflag:s14] =	ssyncset.done $0x0  }
0x9e: {  	[sflag:s14] =	ssyncadd.s32 $0xFFFFF830  }
0x9f: {  	_ =	swait.ge [sflag:s14], $0x7D0  }
0xa0: {  	[sflag:s14] =	ssyncset.done $0x0  }
0xa1: {  	[sflag:s14] =	ssyncadd.s32 $0xFFFFF830  }
0xa2: {  	_ =	swait.ge [sflag:s14], $0x7D0  }
0xa3: {  	[sflag:s14] =	ssyncset.done $0x0  }
0xa4: {  	[sflag:s14] =	ssyncadd.s32 $0xFFFFF830  }
0xa5: {  	_ =	swait.ge [sflag:s14], $0x7D0  }
0xa6: {  	[sflag:s14] =	ssyncset.done $0x0  }
0xa7: {  	[sflag:s14] =	ssyncadd.s32 $0xFFFFF830  }
0xa8: {  	_ =	swait.ge [sflag:s14], $0x7D0  }
0xa9: {  	[sflag:s14] =	ssyncset.done $0x0  }
0xaa: {  	[sflag:s14] =	ssyncadd.s32 $0xFFFFF830  }
0xab: {  	_ =	swait.ge [sflag:s14], $0x7D0  }
0xac: {  	[sflag:s14] =	ssyncset.done $0x0  }
0xad: {  	[sflag:s14] =	ssyncadd.s32 $0xFFFFF830  }
0xae: {  	_ =	swait.ge [sflag:s14], $0x7D0  }
0xaf: {  	[sflag:s14] =	ssyncset.done $0x0  }
0xb0: {  	[sflag:s14] =	ssyncadd.s32 $0xFFFFF830  }
0xb1: {  	_ =	swait.ge [sflag:s14], $0x7D0  }
0xb2: {  	[sflag:s14] =	ssyncset.done $0x0  }
0xb3: {  	[sflag:s14] =	ssyncadd.s32 $0xFFFFF830  }
0xb4: {  	_ =	swait.ge [sflag:s14], $0x7D0  }
0xb5: {  	[sflag:s14] =	ssyncset.done $0x0  }
0xb6: {  	[sflag:s14] =	ssyncadd.s32 $0xFFFFF830  }
0xb7: {  	_ =	swait.ge [sflag:s14], $0x7D0  }
0xb8: {  	[sflag:s14] =	ssyncset.done $0x0  }
0xb9: {  	s15 =	rddreg [dreg:$0x7];
	[sflag:s14] =	ssyncadd.s32 $0xFFFFF830  }
0xba: {  	[hbm4b:s15+s28] =	stream.linear.scatter [tilespmem:s3], [sflag:$0x2], $0x7D00, $0x38;
	[tilespmem:$0x8500] =	vst v63  }
0xbb: {  	s16 =	simm.s32 $0x100;
	_ =	swait.ge [sflag:s21], $0x7D00  }
0xbc: {  	s18 =	simm.s32 $0x200;
	s20 =	rddreg [dreg:$0x5];
	[sflag:s21] =	ssyncset.done $0x0  }
.LBB2_2:
0xbd: {  	[sflag:s21] =	ssyncadd.s32 $0xFFFF8300;
	s20 =	sadd.s32 s16, s20;
	s1 =	simm.s32 $0x0  }
0xbe: {  	[tilespmem:s1], [sflag:$0x2] =	stream.linear.gather [hbm4b:s20+s1], $0x800, $0x38;
	[tilespmem:$0x8500] =	vst v63  }
0xbf: {  	_ =	swait.ge [sflag:s21], $0x800  }
0xc0: {  	[sflag:s21] =	ssyncset.done $0x0  }
0xc1: {  	s2 =	simm.s32 $0x800;
	[sflag:s21] =	ssyncadd.s32 $0xFFFFF800  }
0xc2: {  	[tilespmem:s2], [sflag:$0x1] =	stream.indirect.gather [hbm4b:s0+s8], $0x10, s1, s8, $0xb8;
	[tilespmem:$0x8500] =	vst v63  }
0xc3: {  	s5 =	simm.s32 $0x80;
	s22 =	simm.s32 $0xFD0  }
0xc4: {  	[tilespmem:s22], [sflag:$0x1] =	stream.indirect.gather [hbm4b:s0+s8], $0x10, s5, s8, $0xb8;
	[tilespmem:$0x8500] =	vst v63  }
0xc5: {  	s23 =	simm.s32 $0x100;
	s24 =	simm.s32 $0x17A0  }
0xc6: {  	[tilespmem:s24], [sflag:$0x1] =	stream.indirect.gather [hbm4b:s0+s8], $0x10, s23, s8, $0xb8;
	[tilespmem:$0x8500] =	vst v63  }
0xc7: {  	s25 =	simm.s32 $0x180;
	s26 =	simm.s32 $0x1F70  }
0xc8: {  	[tilespmem:s26], [sflag:$0x1] =	stream.indirect.gather [hbm4b:s0+s8], $0x10, s25, s8, $0xb8;
	[tilespmem:$0x8500] =	vst v63  }
0xc9: {  	s28 =	simm.s32 $0x200;
	s29 =	simm.s32 $0x2740  }
0xca: {  	[tilespmem:s29], [sflag:$0x1] =	stream.indirect.gather [hbm4b:s0+s8], $0x10, s28, s8, $0xb8;
	[tilespmem:$0x8500] =	vst v63  }
0xcb: {  	s30 =	simm.s32 $0x280;
	s31 =	simm.s32 $0x2F10  }
0xcc: {  	[tilespmem:s31], [sflag:$0x1] =	stream.indirect.gather [hbm4b:s0+s8], $0x10, s30, s8, $0xb8;
	[tilespmem:$0x8500] =	vst v63  }
0xcd: {  	s3 =	simm.s32 $0x300;
	s2 =	simm.s32 $0x36E0  }
0xce: {  	[tilespmem:s2], [sflag:$0x1] =	stream.indirect.gather [hbm4b:s0+s8], $0x10, s3, s8, $0xb8;
	[tilespmem:$0x8500] =	vst v63  }
0xcf: {  	s6 =	simm.s32 $0x380;
	s5 =	simm.s32 $0x3EB0  }
0xd0: {  	[tilespmem:s5], [sflag:$0x1] =	stream.indirect.gather [hbm4b:s0+s8], $0x10, s6, s8, $0xb8;
	[tilespmem:$0x8500] =	vst v63  }
0xd1: {  	s7 =	simm.s32 $0x400;
	s10 =	simm.s32 $0x4680  }
0xd2: {  	[tilespmem:s10], [sflag:$0x1] =	stream.indirect.gather [hbm4b:s0+s8], $0x10, s7, s8, $0xb8;
	[tilespmem:$0x8500] =	vst v63  }
0xd3: {  	s9 =	simm.s32 $0x480;
	s12 =	simm.s32 $0x4E50  }
0xd4: {  	[tilespmem:s12], [sflag:$0x1] =	stream.indirect.gather [hbm4b:s0+s8], $0x10, s9, s8, $0xb8;
	[tilespmem:$0x8500] =	vst v63  }
0xd5: {  	s11 =	simm.s32 $0x500;
	s9 =	simm.s32 $0x5620  }
0xd6: {  	[tilespmem:s9], [sflag:$0x1] =	stream.indirect.gather [hbm4b:s0+s8], $0x10, s11, s8, $0xb8;
	[tilespmem:$0x8500] =	vst v63  }
0xd7: {  	s4 =	simm.s32 $0x580;
	s3 =	simm.s32 $0x5DF0  }
0xd8: {  	[tilespmem:s3], [sflag:$0x1] =	stream.indirect.gather [hbm4b:s0+s8], $0x10, s4, s8, $0xb8;
	[tilespmem:$0x8500] =	vst v63  }
0xd9: {  	s6 =	simm.s32 $0x600;
	s4 =	simm.s32 $0x65C0  }
0xda: {  	[tilespmem:s4], [sflag:$0x1] =	stream.indirect.gather [hbm4b:s0+s8], $0x10, s6, s8, $0xb8;
	[tilespmem:$0x8500] =	vst v63  }
0xdb: {  	s7 =	simm.s32 $0x680;
	s6 =	simm.s32 $0x6D90  }
0xdc: {  	[tilespmem:s6], [sflag:$0x1] =	stream.indirect.gather [hbm4b:s0+s8], $0x10, s7, s8, $0xb8;
	[tilespmem:$0x8500] =	vst v63  }
0xdd: {  	s13 =	simm.s32 $0x700;
	s11 =	simm.s32 $0x7560  }
0xde: {  	[tilespmem:s11], [sflag:$0x1] =	stream.indirect.gather [hbm4b:s0+s8], $0x10, s13, s8, $0xb8;
	[tilespmem:$0x8500] =	vst v63  }
0xdf: {  	s20 =	simm.s32 $0x780;
	s13 =	simm.s32 $0x7D30  }
0xe0: {  	[tilespmem:s13], [sflag:$0x1] =	stream.indirect.gather [hbm4b:s0+s8], $0x10, s20, s8, $0xb8;
	[tilespmem:$0x8500] =	vst v63  }
0xe1: {  	_ =	swait.ge [sflag:s14], $0x7D0  }
0xe2: {  	[sflag:s14] =	ssyncset.done $0x0  }
0xe3: {  	[sflag:s14] =	ssyncadd.s32 $0xFFFFF830  }
0xe4: {  	_ =	swait.ge [sflag:s14], $0x7D0  }
0xe5: {  	[sflag:s14] =	ssyncset.done $0x0  }
0xe6: {  	[sflag:s14] =	ssyncadd.s32 $0xFFFFF830  }
0xe7: {  	_ =	swait.ge [sflag:s14], $0x7D0  }
0xe8: {  	[sflag:s14] =	ssyncset.done $0x0  }
0xe9: {  	[sflag:s14] =	ssyncadd.s32 $0xFFFFF830  }
0xea: {  	_ =	swait.ge [sflag:s14], $0x7D0  }
0xeb: {  	[sflag:s14] =	ssyncset.done $0x0  }
0xec: {  	[sflag:s14] =	ssyncadd.s32 $0xFFFFF830  }
0xed: {  	_ =	swait.ge [sflag:s14], $0x7D0  }
0xee: {  	[sflag:s14] =	ssyncset.done $0x0  }
0xef: {  	[sflag:s14] =	ssyncadd.s32 $0xFFFFF830  }
0xf0: {  	_ =	swait.ge [sflag:s14], $0x7D0  }
0xf1: {  	[sflag:s14] =	ssyncset.done $0x0  }
0xf2: {  	[sflag:s14] =	ssyncadd.s32 $0xFFFFF830  }
0xf3: {  	_ =	swait.ge [sflag:s14], $0x7D0  }
0xf4: {  	[sflag:s14] =	ssyncset.done $0x0  }
0xf5: {  	[sflag:s14] =	ssyncadd.s32 $0xFFFFF830  }
0xf6: {  	_ =	swait.ge [sflag:s14], $0x7D0  }
0xf7: {  	[sflag:s14] =	ssyncset.done $0x0  }
0xf8: {  	[sflag:s14] =	ssyncadd.s32 $0xFFFFF830  }
0xf9: {  	_ =	swait.ge [sflag:s14], $0x7D0  }
0xfa: {  	[sflag:s14] =	ssyncset.done $0x0  }
0xfb: {  	[sflag:s14] =	ssyncadd.s32 $0xFFFFF830  }
0xfc: {  	_ =	swait.ge [sflag:s14], $0x7D0  }
0xfd: {  	[sflag:s14] =	ssyncset.done $0x0  }
0xfe: {  	[sflag:s14] =	ssyncadd.s32 $0xFFFFF830  }
0xff: {  	_ =	swait.ge [sflag:s14], $0x7D0  }
0x100: {  	[sflag:s14] =	ssyncset.done $0x0  }
0x101: {  	[sflag:s14] =	ssyncadd.s32 $0xFFFFF830  }
0x102: {  	_ =	swait.ge [sflag:s14], $0x7D0  }
0x103: {  	[sflag:s14] =	ssyncset.done $0x0  }
0x104: {  	[sflag:s14] =	ssyncadd.s32 $0xFFFFF830  }
0x105: {  	_ =	swait.ge [sflag:s14], $0x7D0  }
0x106: {  	[sflag:s14] =	ssyncset.done $0x0  }
0x107: {  	[sflag:s14] =	ssyncadd.s32 $0xFFFFF830  }
0x108: {  	_ =	swait.ge [sflag:s14], $0x7D0  }
0x109: {  	[sflag:s14] =	ssyncset.done $0x0  }
0x10a: {  	[sflag:s14] =	ssyncadd.s32 $0xFFFFF830  }
0x10b: {  	_ =	swait.ge [sflag:s14], $0x7D0  }
0x10c: {  	[sflag:s14] =	ssyncset.done $0x0  }
0x10d: {  	[sflag:s14] =	ssyncadd.s32 $0xFFFFF830  }
0x10e: {  	_ =	swait.ge [sflag:s14], $0x7D0  }
0x10f: {  	[sflag:s14] =	ssyncset.done $0x0  }
0x110: {  	s17 =	sadd.s32 $0xFA0, s17;
	s7 =	simm.s32 $0x800;
	[sflag:s14] =	ssyncadd.s32 $0xFFFFF830  }
0x111: {  	[hbm4b:s17+s1] =	stream.linear.scatter [tilespmem:s7], [sflag:$0x2], $0x7D00, $0x38;
	[tilespmem:$0x8500] =	vst v63  }
0x112: {  	_ =	swait.ge [sflag:s21], $0x7D00  }
0x113: {  	s20 =	rddreg [dreg:$0x4];
	[sflag:s21] =	ssyncset.done $0x0  }
0x114: {  	[sflag:s21] =	ssyncadd.s32 $0xFFFF8300;
	s20 =	sadd.s32 s16, s20  }
0x115: {  	[tilespmem:s1], [sflag:$0x2] =	stream.linear.gather [hbm4b:s20+s1], $0x800, $0x38;
	[tilespmem:$0x8500] =	vst v63  }
0x116: {  	_ =	swait.ge [sflag:s21], $0x800  }
0x117: {  	[sflag:s21] =	ssyncset.done $0x0  }
0x118: {  	[sflag:s21] =	ssyncadd.s32 $0xFFFFF800  }
0x119: {  	[tilespmem:s7], [sflag:$0x1] =	stream.indirect.gather [hbm4b:s0+s8], $0x10, s1, s8, $0xb8;
	[tilespmem:$0x8500] =	vst v63  }
0x11a: {  	s20 =	simm.s32 $0x80  }
0x11b: {  	[tilespmem:s22], [sflag:$0x1] =	stream.indirect.gather [hbm4b:s0+s8], $0x10, s20, s8, $0xb8;
	[tilespmem:$0x8500] =	vst v63  }
0x11c: {  	_ = 	snop  }
0x11d: {  	[tilespmem:s24], [sflag:$0x1] =	stream.indirect.gather [hbm4b:s0+s8], $0x10, s23, s8, $0xb8;
	[tilespmem:$0x8500] =	vst v63  }
0x11e: {  	_ = 	snop  }
0x11f: {  	[tilespmem:s26], [sflag:$0x1] =	stream.indirect.gather [hbm4b:s0+s8], $0x10, s25, s8, $0xb8;
	[tilespmem:$0x8500] =	vst v63  }
0x120: {  	_ = 	snop  }
0x121: {  	[tilespmem:s29], [sflag:$0x1] =	stream.indirect.gather [hbm4b:s0+s8], $0x10, s28, s8, $0xb8;
	[tilespmem:$0x8500] =	vst v63  }
0x122: {  	_ = 	snop  }
0x123: {  	[tilespmem:s31], [sflag:$0x1] =	stream.indirect.gather [hbm4b:s0+s8], $0x10, s30, s8, $0xb8;
	[tilespmem:$0x8500] =	vst v63  }
0x124: {  	s20 =	simm.s32 $0x300  }
0x125: {  	[tilespmem:s2], [sflag:$0x1] =	stream.indirect.gather [hbm4b:s0+s8], $0x10, s20, s8, $0xb8;
	[tilespmem:$0x8500] =	vst v63  }
0x126: {  	s22 =	simm.s32 $0x380  }
0x127: {  	[tilespmem:s5], [sflag:$0x1] =	stream.indirect.gather [hbm4b:s0+s8], $0x10, s22, s8, $0xb8;
	[tilespmem:$0x8500] =	vst v63  }
0x128: {  	s23 =	simm.s32 $0x400  }
0x129: {  	[tilespmem:s10], [sflag:$0x1] =	stream.indirect.gather [hbm4b:s0+s8], $0x10, s23, s8, $0xb8;
	[tilespmem:$0x8500] =	vst v63  }
0x12a: {  	s24 =	simm.s32 $0x480  }
0x12b: {  	[tilespmem:s12], [sflag:$0x1] =	stream.indirect.gather [hbm4b:s0+s8], $0x10, s24, s8, $0xb8;
	[tilespmem:$0x8500] =	vst v63  }
0x12c: {  	s25 =	simm.s32 $0x500  }
0x12d: {  	[tilespmem:s9], [sflag:$0x1] =	stream.indirect.gather [hbm4b:s0+s8], $0x10, s25, s8, $0xb8;
	[tilespmem:$0x8500] =	vst v63  }
0x12e: {  	s26 =	simm.s32 $0x580  }
0x12f: {  	[tilespmem:s3], [sflag:$0x1] =	stream.indirect.gather [hbm4b:s0+s8], $0x10, s26, s8, $0xb8;
	[tilespmem:$0x8500] =	vst v63  }
0x130: {  	s28 =	simm.s32 $0x600  }
0x131: {  	[tilespmem:s4], [sflag:$0x1] =	stream.indirect.gather [hbm4b:s0+s8], $0x10, s28, s8, $0xb8;
	[tilespmem:$0x8500] =	vst v63  }
0x132: {  	s29 =	simm.s32 $0x680  }
0x133: {  	[tilespmem:s6], [sflag:$0x1] =	stream.indirect.gather [hbm4b:s0+s8], $0x10, s29, s8, $0xb8;
	[tilespmem:$0x8500] =	vst v63  }
0x134: {  	s30 =	simm.s32 $0x700  }
0x135: {  	[tilespmem:s11], [sflag:$0x1] =	stream.indirect.gather [hbm4b:s0+s8], $0x10, s30, s8, $0xb8;
	[tilespmem:$0x8500] =	vst v63  }
0x136: {  	s31 =	simm.s32 $0x780  }
0x137: {  	[tilespmem:s13], [sflag:$0x1] =	stream.indirect.gather [hbm4b:s0+s8], $0x10, s31, s8, $0xb8;
	[tilespmem:$0x8500] =	vst v63  }
0x138: {  	_ =	swait.ge [sflag:s14], $0x7D0  }
0x139: {  	[sflag:s14] =	ssyncset.done $0x0  }
0x13a: {  	[sflag:s14] =	ssyncadd.s32 $0xFFFFF830  }
0x13b: {  	_ =	swait.ge [sflag:s14], $0x7D0  }
0x13c: {  	[sflag:s14] =	ssyncset.done $0x0  }
0x13d: {  	[sflag:s14] =	ssyncadd.s32 $0xFFFFF830  }
0x13e: {  	_ =	swait.ge [sflag:s14], $0x7D0  }
0x13f: {  	[sflag:s14] =	ssyncset.done $0x0  }
0x140: {  	[sflag:s14] =	ssyncadd.s32 $0xFFFFF830  }
0x141: {  	_ =	swait.ge [sflag:s14], $0x7D0  }
0x142: {  	[sflag:s14] =	ssyncset.done $0x0  }
0x143: {  	[sflag:s14] =	ssyncadd.s32 $0xFFFFF830  }
0x144: {  	_ =	swait.ge [sflag:s14], $0x7D0  }
0x145: {  	[sflag:s14] =	ssyncset.done $0x0  }
0x146: {  	[sflag:s14] =	ssyncadd.s32 $0xFFFFF830  }
0x147: {  	_ =	swait.ge [sflag:s14], $0x7D0  }
0x148: {  	[sflag:s14] =	ssyncset.done $0x0  }
0x149: {  	[sflag:s14] =	ssyncadd.s32 $0xFFFFF830  }
0x14a: {  	_ =	swait.ge [sflag:s14], $0x7D0  }
0x14b: {  	[sflag:s14] =	ssyncset.done $0x0  }
0x14c: {  	[sflag:s14] =	ssyncadd.s32 $0xFFFFF830  }
0x14d: {  	_ =	swait.ge [sflag:s14], $0x7D0  }
0x14e: {  	[sflag:s14] =	ssyncset.done $0x0  }
0x14f: {  	[sflag:s14] =	ssyncadd.s32 $0xFFFFF830  }
0x150: {  	_ =	swait.ge [sflag:s14], $0x7D0  }
0x151: {  	[sflag:s14] =	ssyncset.done $0x0  }
0x152: {  	[sflag:s14] =	ssyncadd.s32 $0xFFFFF830  }
0x153: {  	_ =	swait.ge [sflag:s14], $0x7D0  }
0x154: {  	[sflag:s14] =	ssyncset.done $0x0  }
0x155: {  	[sflag:s14] =	ssyncadd.s32 $0xFFFFF830  }
0x156: {  	_ =	swait.ge [sflag:s14], $0x7D0  }
0x157: {  	[sflag:s14] =	ssyncset.done $0x0  }
0x158: {  	[sflag:s14] =	ssyncadd.s32 $0xFFFFF830  }
0x159: {  	_ =	swait.ge [sflag:s14], $0x7D0  }
0x15a: {  	[sflag:s14] =	ssyncset.done $0x0  }
0x15b: {  	[sflag:s14] =	ssyncadd.s32 $0xFFFFF830  }
0x15c: {  	_ =	swait.ge [sflag:s14], $0x7D0  }
0x15d: {  	[sflag:s14] =	ssyncset.done $0x0  }
0x15e: {  	[sflag:s14] =	ssyncadd.s32 $0xFFFFF830  }
0x15f: {  	_ =	swait.ge [sflag:s14], $0x7D0  }
0x160: {  	[sflag:s14] =	ssyncset.done $0x0  }
0x161: {  	[sflag:s14] =	ssyncadd.s32 $0xFFFFF830  }
0x162: {  	_ =	swait.ge [sflag:s14], $0x7D0  }
0x163: {  	[sflag:s14] =	ssyncset.done $0x0  }
0x164: {  	[sflag:s14] =	ssyncadd.s32 $0xFFFFF830  }
0x165: {  	s15 =	sadd.s32 $0xFA0, s15;
	p0 =	sne.s32 s18, $0x1800;
	_ =	swait.ge [sflag:s14], $0x7D0  }
.Ltmp0:
0x166: {  	s19 =	smov.u32 s18;
	[sflag:s14] =	ssyncset.done $0x0;
	(pc) =	sbr.rel @p0 .LBB2_2-.Ltmp0, $4  }
0x167: {  	s16 =	smov.u32 s19;
	s19 =	simm.s32 $0x800;
	[sflag:s14] =	ssyncadd.s32 $0xFFFFF830  }
0x168: {  	[hbm4b:s15+s1] =	stream.linear.scatter [tilespmem:s19], [sflag:$0x2], $0x7D00, $0x38;
	[tilespmem:$0x8500] =	vst v63  }
0x169: {  	_ =	swait.ge [sflag:s21], $0x7D00  }
0x16a: {  	s18 =	sadd.s32 $0x100, s18;
	s20 =	rddreg [dreg:$0x5];
	[sflag:s21] =	ssyncset.done $0x0  }
0x16b: {  	[sflag:s21] =	ssyncadd.s32 $0xFFFF8300;
	s18 =	sadd.s32 s16, s20;
	s29 =	simm.s32 $0x0  }
0x16c: {  	[tilespmem:s29], [sflag:$0x2] =	stream.linear.gather [hbm4b:s18+s29], $0x800, $0x38;
	[tilespmem:$0x8500] =	vst v63  }
0x16d: {  	_ =	swait.ge [sflag:s21], $0x800  }
0x16e: {  	[sflag:s21] =	ssyncset.done $0x0  }
0x16f: {  	s3 =	simm.s32 $0x800;
	[sflag:s21] =	ssyncadd.s32 $0xFFFFF800  }
0x170: {  	[tilespmem:s3], [sflag:$0x1] =	stream.indirect.gather [hbm4b:s0+s8], $0x10, s29, s8, $0xb8;
	[tilespmem:$0x8500] =	vst v63  }
0x171: {  	s19 =	simm.s32 $0xFD0;
	s18 =	simm.s32 $0x80  }
0x172: {  	[tilespmem:s19], [sflag:$0x1] =	stream.indirect.gather [hbm4b:s0+s8], $0x10, s18, s8, $0xb8;
	[tilespmem:$0x8500] =	vst v63  }
0x173: {  	s20 =	simm.s32 $0x100;
	s7 =	simm.s32 $0x17A0  }
0x174: {  	[tilespmem:s7], [sflag:$0x1] =	stream.indirect.gather [hbm4b:s0+s8], $0x10, s20, s8, $0xb8;
	[tilespmem:$0x8500] =	vst v63  }
0x175: {  	s22 =	simm.s32 $0x180;
	s23 =	simm.s32 $0x1F70  }
0x176: {  	[tilespmem:s23], [sflag:$0x1] =	stream.indirect.gather [hbm4b:s0+s8], $0x10, s22, s8, $0xb8;
	[tilespmem:$0x8500] =	vst v63  }
0x177: {  	s24 =	simm.s32 $0x200;
	s25 =	simm.s32 $0x2740  }
0x178: {  	[tilespmem:s25], [sflag:$0x1] =	stream.indirect.gather [hbm4b:s0+s8], $0x10, s24, s8, $0xb8;
	[tilespmem:$0x8500] =	vst v63  }
0x179: {  	s26 =	simm.s32 $0x280;
	s28 =	simm.s32 $0x2F10  }
0x17a: {  	[tilespmem:s28], [sflag:$0x1] =	stream.indirect.gather [hbm4b:s0+s8], $0x10, s26, s8, $0xb8;
	[tilespmem:$0x8500] =	vst v63  }
0x17b: {  	s1 =	simm.s32 $0x300;
	s2 =	simm.s32 $0x36E0  }
0x17c: {  	[tilespmem:s2], [sflag:$0x1] =	stream.indirect.gather [hbm4b:s0+s8], $0x10, s1, s8, $0xb8;
	[tilespmem:$0x8500] =	vst v63  }
0x17d: {  	s12 =	simm.s32 $0x380;
	s5 =	simm.s32 $0x3EB0  }
0x17e: {  	[tilespmem:s5], [sflag:$0x1] =	stream.indirect.gather [hbm4b:s0+s8], $0x10, s12, s8, $0xb8;
	[tilespmem:$0x8500] =	vst v63  }
0x17f: {  	s13 =	simm.s32 $0x400;
	s10 =	simm.s32 $0x4680  }
0x180: {  	[tilespmem:s10], [sflag:$0x1] =	stream.indirect.gather [hbm4b:s0+s8], $0x10, s13, s8, $0xb8;
	[tilespmem:$0x8500] =	vst v63  }
0x181: {  	s30 =	simm.s32 $0x480;
	s12 =	simm.s32 $0x4E50  }
0x182: {  	[tilespmem:s12], [sflag:$0x1] =	stream.indirect.gather [hbm4b:s0+s8], $0x10, s30, s8, $0xb8;
	[tilespmem:$0x8500] =	vst v63  }
0x183: {  	s31 =	simm.s32 $0x500;
	s9 =	simm.s32 $0x5620  }
0x184: {  	[tilespmem:s9], [sflag:$0x1] =	stream.indirect.gather [hbm4b:s0+s8], $0x10, s31, s8, $0xb8;
	[tilespmem:$0x8500] =	vst v63  }
0x185: {  	s30 =	simm.s32 $0x580;
	s31 =	simm.s32 $0x5DF0  }
0x186: {  	[tilespmem:s31], [sflag:$0x1] =	stream.indirect.gather [hbm4b:s0+s8], $0x10, s30, s8, $0xb8;
	[tilespmem:$0x8500] =	vst v63  }
0x187: {  	s4 =	simm.s32 $0x600;
	s13 =	simm.s32 $0x65C0  }
0x188: {  	[tilespmem:s13], [sflag:$0x1] =	stream.indirect.gather [hbm4b:s0+s8], $0x10, s4, s8, $0xb8;
	[tilespmem:$0x8500] =	vst v63  }
0x189: {  	s6 =	simm.s32 $0x680;
	s4 =	simm.s32 $0x6D90  }
0x18a: {  	[tilespmem:s4], [sflag:$0x1] =	stream.indirect.gather [hbm4b:s0+s8], $0x10, s6, s8, $0xb8;
	[tilespmem:$0x8500] =	vst v63  }
0x18b: {  	s11 =	simm.s32 $0x700;
	s6 =	simm.s32 $0x7560  }
0x18c: {  	[tilespmem:s6], [sflag:$0x1] =	stream.indirect.gather [hbm4b:s0+s8], $0x10, s11, s8, $0xb8;
	[tilespmem:$0x8500] =	vst v63  }
0x18d: {  	s1 =	simm.s32 $0x780;
	s11 =	simm.s32 $0x7D30  }
0x18e: {  	[tilespmem:s11], [sflag:$0x1] =	stream.indirect.gather [hbm4b:s0+s8], $0x10, s1, s8, $0xb8;
	[tilespmem:$0x8500] =	vst v63  }
0x18f: {  	_ =	swait.ge [sflag:s14], $0x7D0  }
0x190: {  	[sflag:s14] =	ssyncset.done $0x0  }
0x191: {  	[sflag:s14] =	ssyncadd.s32 $0xFFFFF830  }
0x192: {  	_ =	swait.ge [sflag:s14], $0x7D0  }
0x193: {  	[sflag:s14] =	ssyncset.done $0x0  }
0x194: {  	[sflag:s14] =	ssyncadd.s32 $0xFFFFF830  }
0x195: {  	_ =	swait.ge [sflag:s14], $0x7D0  }
0x196: {  	[sflag:s14] =	ssyncset.done $0x0  }
0x197: {  	[sflag:s14] =	ssyncadd.s32 $0xFFFFF830  }
0x198: {  	_ =	swait.ge [sflag:s14], $0x7D0  }
0x199: {  	[sflag:s14] =	ssyncset.done $0x0  }
0x19a: {  	[sflag:s14] =	ssyncadd.s32 $0xFFFFF830  }
0x19b: {  	_ =	swait.ge [sflag:s14], $0x7D0  }
0x19c: {  	[sflag:s14] =	ssyncset.done $0x0  }
0x19d: {  	[sflag:s14] =	ssyncadd.s32 $0xFFFFF830  }
0x19e: {  	_ =	swait.ge [sflag:s14], $0x7D0  }
0x19f: {  	[sflag:s14] =	ssyncset.done $0x0  }
0x1a0: {  	[sflag:s14] =	ssyncadd.s32 $0xFFFFF830  }
0x1a1: {  	_ =	swait.ge [sflag:s14], $0x7D0  }
0x1a2: {  	[sflag:s14] =	ssyncset.done $0x0  }
0x1a3: {  	[sflag:s14] =	ssyncadd.s32 $0xFFFFF830  }
0x1a4: {  	_ =	swait.ge [sflag:s14], $0x7D0  }
0x1a5: {  	[sflag:s14] =	ssyncset.done $0x0  }
0x1a6: {  	[sflag:s14] =	ssyncadd.s32 $0xFFFFF830  }
0x1a7: {  	_ =	swait.ge [sflag:s14], $0x7D0  }
0x1a8: {  	[sflag:s14] =	ssyncset.done $0x0  }
0x1a9: {  	[sflag:s14] =	ssyncadd.s32 $0xFFFFF830  }
0x1aa: {  	_ =	swait.ge [sflag:s14], $0x7D0  }
0x1ab: {  	[sflag:s14] =	ssyncset.done $0x0  }
0x1ac: {  	[sflag:s14] =	ssyncadd.s32 $0xFFFFF830  }
0x1ad: {  	_ =	swait.ge [sflag:s14], $0x7D0  }
0x1ae: {  	[sflag:s14] =	ssyncset.done $0x0  }
0x1af: {  	[sflag:s14] =	ssyncadd.s32 $0xFFFFF830  }
0x1b0: {  	_ =	swait.ge [sflag:s14], $0x7D0  }
0x1b1: {  	[sflag:s14] =	ssyncset.done $0x0  }
0x1b2: {  	[sflag:s14] =	ssyncadd.s32 $0xFFFFF830  }
0x1b3: {  	_ =	swait.ge [sflag:s14], $0x7D0  }
0x1b4: {  	[sflag:s14] =	ssyncset.done $0x0  }
0x1b5: {  	[sflag:s14] =	ssyncadd.s32 $0xFFFFF830  }
0x1b6: {  	_ =	swait.ge [sflag:s14], $0x7D0  }
0x1b7: {  	[sflag:s14] =	ssyncset.done $0x0  }
0x1b8: {  	[sflag:s14] =	ssyncadd.s32 $0xFFFFF830  }
0x1b9: {  	_ =	swait.ge [sflag:s14], $0x7D0  }
0x1ba: {  	[sflag:s14] =	ssyncset.done $0x0  }
0x1bb: {  	[sflag:s14] =	ssyncadd.s32 $0xFFFFF830  }
0x1bc: {  	_ =	swait.ge [sflag:s14], $0x7D0  }
0x1bd: {  	[sflag:s14] =	ssyncset.done $0x0  }
0x1be: {  	s17 =	sadd.s32 $0xFA0, s17;
	[sflag:s14] =	ssyncadd.s32 $0xFFFFF830  }
0x1bf: {  	[hbm4b:s17+s29] =	stream.linear.scatter [tilespmem:s3], [sflag:$0x2], $0x7D00, $0x38;
	[tilespmem:$0x8500] =	vst v63  }
0x1c0: {  	_ =	swait.ge [sflag:s21], $0x7D00  }
0x1c1: {  	s1 =	rddreg [dreg:$0x4];
	[sflag:s21] =	ssyncset.done $0x0  }
0x1c2: {  	s17 =	sadd.s32 s16, s1;
	[sflag:s21] =	ssyncadd.s32 $0xFFFF8300  }
0x1c3: {  	[tilespmem:s29], [sflag:$0x2] =	stream.linear.gather [hbm4b:s17+s29], $0x800, $0x38;
	[tilespmem:$0x8500] =	vst v63  }
0x1c4: {  	_ =	swait.ge [sflag:s21], $0x800  }
0x1c5: {  	[sflag:s21] =	ssyncset.done $0x0  }
0x1c6: {  	[sflag:s21] =	ssyncadd.s32 $0xFFFFF800  }
0x1c7: {  	[tilespmem:s3], [sflag:$0x1] =	stream.indirect.gather [hbm4b:s0+s8], $0x10, s29, s8, $0xb8;
	[tilespmem:$0x8500] =	vst v63  }
0x1c8: {  	_ = 	snop  }
0x1c9: {  	[tilespmem:s19], [sflag:$0x1] =	stream.indirect.gather [hbm4b:s0+s8], $0x10, s18, s8, $0xb8;
	[tilespmem:$0x8500] =	vst v63  }
0x1ca: {  	_ = 	snop  }
0x1cb: {  	[tilespmem:s7], [sflag:$0x1] =	stream.indirect.gather [hbm4b:s0+s8], $0x10, s20, s8, $0xb8;
	[tilespmem:$0x8500] =	vst v63  }
0x1cc: {  	_ = 	snop  }
0x1cd: {  	[tilespmem:s23], [sflag:$0x1] =	stream.indirect.gather [hbm4b:s0+s8], $0x10, s22, s8, $0xb8;
	[tilespmem:$0x8500] =	vst v63  }
0x1ce: {  	_ = 	snop  }
0x1cf: {  	[tilespmem:s25], [sflag:$0x1] =	stream.indirect.gather [hbm4b:s0+s8], $0x10, s24, s8, $0xb8;
	[tilespmem:$0x8500] =	vst v63  }
0x1d0: {  	_ = 	snop  }
0x1d1: {  	[tilespmem:s28], [sflag:$0x1] =	stream.indirect.gather [hbm4b:s0+s8], $0x10, s26, s8, $0xb8;
	[tilespmem:$0x8500] =	vst v63  }
0x1d2: {  	s18 =	simm.s32 $0x300  }
0x1d3: {  	[tilespmem:s2], [sflag:$0x1] =	stream.indirect.gather [hbm4b:s0+s8], $0x10, s18, s8, $0xb8;
	[tilespmem:$0x8500] =	vst v63  }
0x1d4: {  	s19 =	simm.s32 $0x380  }
0x1d5: {  	[tilespmem:s5], [sflag:$0x1] =	stream.indirect.gather [hbm4b:s0+s8], $0x10, s19, s8, $0xb8;
	[tilespmem:$0x8500] =	vst v63  }
0x1d6: {  	s20 =	simm.s32 $0x400  }
0x1d7: {  	[tilespmem:s10], [sflag:$0x1] =	stream.indirect.gather [hbm4b:s0+s8], $0x10, s20, s8, $0xb8;
	[tilespmem:$0x8500] =	vst v63  }
0x1d8: {  	s22 =	simm.s32 $0x480  }
0x1d9: {  	[tilespmem:s12], [sflag:$0x1] =	stream.indirect.gather [hbm4b:s0+s8], $0x10, s22, s8, $0xb8;
	[tilespmem:$0x8500] =	vst v63  }
0x1da: {  	s23 =	simm.s32 $0x500  }
0x1db: {  	[tilespmem:s9], [sflag:$0x1] =	stream.indirect.gather [hbm4b:s0+s8], $0x10, s23, s8, $0xb8;
	[tilespmem:$0x8500] =	vst v63  }
0x1dc: {  	_ = 	snop  }
0x1dd: {  	[tilespmem:s31], [sflag:$0x1] =	stream.indirect.gather [hbm4b:s0+s8], $0x10, s30, s8, $0xb8;
	[tilespmem:$0x8500] =	vst v63  }
0x1de: {  	s24 =	simm.s32 $0x600  }
0x1df: {  	[tilespmem:s13], [sflag:$0x1] =	stream.indirect.gather [hbm4b:s0+s8], $0x10, s24, s8, $0xb8;
	[tilespmem:$0x8500] =	vst v63  }
0x1e0: {  	s25 =	simm.s32 $0x680  }
0x1e1: {  	[tilespmem:s4], [sflag:$0x1] =	stream.indirect.gather [hbm4b:s0+s8], $0x10, s25, s8, $0xb8;
	[tilespmem:$0x8500] =	vst v63  }
0x1e2: {  	s26 =	simm.s32 $0x700  }
0x1e3: {  	[tilespmem:s6], [sflag:$0x1] =	stream.indirect.gather [hbm4b:s0+s8], $0x10, s26, s8, $0xb8;
	[tilespmem:$0x8500] =	vst v63  }
0x1e4: {  	s28 =	simm.s32 $0x780  }
0x1e5: {  	[tilespmem:s11], [sflag:$0x1] =	stream.indirect.gather [hbm4b:s0+s8], $0x10, s28, s8, $0xb8;
	[tilespmem:$0x8500] =	vst v63  }
0x1e6: {  	_ =	swait.ge [sflag:s14], $0x7D0  }
0x1e7: {  	[sflag:s14] =	ssyncset.done $0x0  }
0x1e8: {  	[sflag:s14] =	ssyncadd.s32 $0xFFFFF830  }
0x1e9: {  	_ =	swait.ge [sflag:s14], $0x7D0  }
0x1ea: {  	[sflag:s14] =	ssyncset.done $0x0  }
0x1eb: {  	[sflag:s14] =	ssyncadd.s32 $0xFFFFF830  }
0x1ec: {  	_ =	swait.ge [sflag:s14], $0x7D0  }
0x1ed: {  	[sflag:s14] =	ssyncset.done $0x0  }
0x1ee: {  	[sflag:s14] =	ssyncadd.s32 $0xFFFFF830  }
0x1ef: {  	_ =	swait.ge [sflag:s14], $0x7D0  }
0x1f0: {  	[sflag:s14] =	ssyncset.done $0x0  }
0x1f1: {  	[sflag:s14] =	ssyncadd.s32 $0xFFFFF830  }
0x1f2: {  	_ =	swait.ge [sflag:s14], $0x7D0  }
0x1f3: {  	[sflag:s14] =	ssyncset.done $0x0  }
0x1f4: {  	[sflag:s14] =	ssyncadd.s32 $0xFFFFF830  }
0x1f5: {  	_ =	swait.ge [sflag:s14], $0x7D0  }
0x1f6: {  	[sflag:s14] =	ssyncset.done $0x0  }
0x1f7: {  	[sflag:s14] =	ssyncadd.s32 $0xFFFFF830  }
0x1f8: {  	_ =	swait.ge [sflag:s14], $0x7D0  }
0x1f9: {  	[sflag:s14] =	ssyncset.done $0x0  }
0x1fa: {  	[sflag:s14] =	ssyncadd.s32 $0xFFFFF830  }
0x1fb: {  	_ =	swait.ge [sflag:s14], $0x7D0  }
0x1fc: {  	[sflag:s14] =	ssyncset.done $0x0  }
0x1fd: {  	[sflag:s14] =	ssyncadd.s32 $0xFFFFF830  }
0x1fe: {  	_ =	swait.ge [sflag:s14], $0x7D0  }
0x1ff: {  	[sflag:s14] =	ssyncset.done $0x0  }
0x200: {  	[sflag:s14] =	ssyncadd.s32 $0xFFFFF830  }
0x201: {  	_ =	swait.ge [sflag:s14], $0x7D0  }
0x202: {  	[sflag:s14] =	ssyncset.done $0x0  }
0x203: {  	[sflag:s14] =	ssyncadd.s32 $0xFFFFF830  }
0x204: {  	_ =	swait.ge [sflag:s14], $0x7D0  }
0x205: {  	[sflag:s14] =	ssyncset.done $0x0  }
0x206: {  	[sflag:s14] =	ssyncadd.s32 $0xFFFFF830  }
0x207: {  	_ =	swait.ge [sflag:s14], $0x7D0  }
0x208: {  	[sflag:s14] =	ssyncset.done $0x0  }
0x209: {  	[sflag:s14] =	ssyncadd.s32 $0xFFFFF830  }
0x20a: {  	_ =	swait.ge [sflag:s14], $0x7D0  }
0x20b: {  	[sflag:s14] =	ssyncset.done $0x0  }
0x20c: {  	[sflag:s14] =	ssyncadd.s32 $0xFFFFF830  }
0x20d: {  	_ =	swait.ge [sflag:s14], $0x7D0  }
0x20e: {  	[sflag:s14] =	ssyncset.done $0x0  }
0x20f: {  	[sflag:s14] =	ssyncadd.s32 $0xFFFFF830  }
0x210: {  	_ =	swait.ge [sflag:s14], $0x7D0  }
0x211: {  	[sflag:s14] =	ssyncset.done $0x0  }
0x212: {  	[sflag:s14] =	ssyncadd.s32 $0xFFFFF830  }
0x213: {  	_ =	swait.ge [sflag:s14], $0x7D0  }
0x214: {  	[sflag:s14] =	ssyncset.done $0x0  }
0x215: {  	s15 =	sadd.s32 $0xFA0, s15;
	[sflag:s14] =	ssyncadd.s32 $0xFFFFF830  }
0x216: {  	[hbm4b:s15+s29] =	stream.linear.scatter [tilespmem:s3], [sflag:$0x2], $0x7D00, $0x38;
	[tilespmem:$0x8500] =	vst v63  }
0x217: {  	_ =	swait.ge [sflag:s21], $0x7D00  }
0x218: {  	s30 =	rddreg [dreg:$0x9]  }
0x219: {  	s31 =	rddreg [dreg:$0x6];
	s1 =	sadd.s32 $0x1, s30  }
0x21a: {  	p0 =	sne.s32 s1, s31  }
.Ltmp1:
0x21b: {  	_ = 	snop;
	(pc) =	sbr.rel @p0 .LBB2_1-.Ltmp1, $3  }
0x21c: {  	_ =	sdelay $0x1  }
0x21d: {  	[sflag:s21] =	ssyncset.done $0x0  }
0x21e: {  	[sflag:s21] =	ssyncadd.s32 $0xFFFF8300  }
0x21f: {  	_ =	sfence.sel $0x180000  }
0x220: {  	[bflag:$0x0] =	sbarrier.arrive $0xFFFF  }
0x221: {  	_ =	strace $0x90000047  }
0x222: {  	s0 =	stileid.u32;
	[bflag:$0x2] =	sbarrier.arrive $0xFFFF  }
0x223: {  	p0 =	sne.s32 s0, $0x0;
	s0 =	rddreg [dreg:$0x3]  }
0x224: {  	s0 =	sadd.s32 @!p0 $0x100000, s0  }
0x225: {  	[sflag:s0] =	ssyncadd.tile.s32 @!p0 $0x1;
	_ =	shalt  }
.Lfunc_end2:
_tile_overlayer_lowered:
.L_overlay_start_2:
0x226: {  	(tag) =	ssettag $0x2  }
0x227: {  	s0 =	rddreg [dreg:$0x0];
	s2 =	stileid.u32  }
0x228: {  	s1 =	rddreg [dreg:$0x1];
	p0 =	sne.s32 s2, $0x0  }
0x229: {  	s3 =	rddreg [dreg:$0x2];
	[bflag:$0x3] =	sbarrier.arrive $0xFFFF;
	s2 =	simm.s32 @!p0 $0x1C02  }
0x22a: {  	[timem:s3], [sflag:s2] =	dma.local @!p0 [hbm:s0], s1  }
0x22b: {  	s0 =	simm.s32 @!p0 $0x2  }
0x22c: {  	_ =	swait.ge @!p0 [sflag:s0], s1  }
0x22d: {  	s1 =	ssub.s32 @!p0 $0x0, s1;
	[sflag:s0] =	ssyncset.done @!p0 $0x0  }
0x22e: {  	[sflag:s0] =	ssyncadd.s32 @!p0 s1  }
0x22f: {  	[bflag:$0x3] =	sbarrier.arrive $0xFFFF  }
0x230: {  	_ =	shalt  }

</sc_bundles>
